<compile_context>
chip_gen: v7x
topology: tpu7x:2x2x1
jax: 0.10.2.dev20260603
libtpu: 0.0.44.dev20260713+nightly
codegen_flags: <defaults>
</compile_context>

<pallas_src>
import dataclasses
import functools

import jax
import jax.numpy as jnp
from jax import lax
from jax.experimental import pallas as pl
from jax.experimental.pallas import tpu as pltpu
from jax.experimental.pallas import tpu_sc as plsc

N_ENT = 10000
N_USR = 8000
N_EDGES = 320000
NNZ = 160000
D = 128
N_REL = 16

NC = 2
NS = 16
L = 16
C = 40
SCN_E = 50
SCN_U = 125

NCH_E = N_EDGES // NC // NS // C
NCH_U = NNZ // NC // NS // C
NSC_E = NCH_E // SCN_E
NSC_U = NCH_U // SCN_U
ZBLK = 40


def _table_body(e_ref, w_ref, o_ref):
    for r in range(N_REL):
        o_ref[r] = e_ref[...] * w_ref[pl.ds(r, 1), :]


def _build_table(entity_emb, weight):
    blk = 1000
    nb = N_ENT // blk
    table3 = pl.pallas_call(
        _table_body,
        grid=(nb,),
        in_specs=[
            pl.BlockSpec((blk, D), lambda i: (i, 0)),
            pl.BlockSpec((N_REL, D), lambda i: (0, 0)),
        ],
        out_specs=pl.BlockSpec((N_REL, blk, D), lambda i: (0, i, 0)),
        out_shape=jax.ShapeDtypeStruct((N_REL, N_ENT, D), jnp.float32),
    )(entity_emb, weight)
    return table3.reshape(N_REL * N_ENT, D)


def _comb_body(p_ref, o_ref):
    o_ref[...] = p_ref[0] + p_ref[1]


def _combine(p, n):
    blk = 1000
    return pl.pallas_call(
        _comb_body,
        grid=(n // blk,),
        in_specs=[pl.BlockSpec((NC, blk, D), lambda i: (0, i, 0))],
        out_specs=pl.BlockSpec((blk, D), lambda i: (i, 0)),
        out_shape=jax.ShapeDtypeStruct((n, D), jnp.float32),
    )(p)


_cp = pltpu.CompilerParams()
if "needs_layout_passes" in pltpu.CompilerParams.__dataclass_fields__:
    _cp = dataclasses.replace(_cp, needs_layout_passes=False)

_MESH = plsc.VectorSubcoreMesh(core_axis_name="c", subcore_axis_name="s")


def _zero_fill(rows_a, acc_sh, sem, sid, nrows):
    zero16 = jnp.zeros((L,), jnp.float32)

    @pl.loop(0, C)
    def _(r):
        for j in range(D // L):
            rows_a[r, pl.ds(j * L, L)] = zero16

    @pl.loop(sid, nrows // ZBLK, step=NS)
    def _(b):
        pltpu.async_copy(rows_a, acc_sh.at[pl.ds(b * ZBLK, ZBLK)], sem)

    @pl.loop(sid, nrows // ZBLK, step=NS)
    def _(b):
        pltpu.make_async_copy(rows_a, acc_sh.at[pl.ds(b * ZBLK, ZBLK)],
                              sem).wait()


def _write_back(acc_sh, out_ref, sem, cid, sid, nrows):
    @pl.loop(sid, nrows // ZBLK, step=NS)
    def _(b):
        pltpu.async_copy(acc_sh.at[pl.ds(b * ZBLK, ZBLK)],
                         out_ref.at[cid, pl.ds(b * ZBLK, ZBLK)], sem)

    @pl.loop(sid, nrows // ZBLK, step=NS)
    def _(b):
        pltpu.make_async_copy(acc_sh.at[pl.ds(b * ZBLK, ZBLK)],
                              out_ref.at[cid, pl.ds(b * ZBLK, ZBLK)],
                              sem).wait()


def _run_superchunk(src_hbm, gi_v, di_v, acc_sh, rows_a, rows_b,
                    gsa, gsb, ssa, ssb, scn, scale_fn):
    def g_start(buf, sem, i):
        pltpu.async_copy(src_hbm.at[gi_v.at[i]], buf, sem)

    def g_wait(buf, sem, i):
        pltpu.make_async_copy(src_hbm.at[gi_v.at[i]], buf, sem).wait()

    def s_start(buf, sem, i):
        pltpu.async_copy(buf, acc_sh.at[di_v.at[i]], sem, add=True)

    def s_wait(buf, sem, i):
        pltpu.make_async_copy(buf, acc_sh.at[di_v.at[i]], sem).wait()

    g_start(rows_a, gsa, 0)
    g_start(rows_b, gsb, 1)

    @pl.loop(0, scn - (scn % 2), step=2)
    def _(i):
        g_wait(rows_a, gsa, i)
        if scale_fn is not None:
            scale_fn(rows_a, i)
        s_start(rows_a, ssa, i)
        g_wait(rows_b, gsb, i + 1)
        if scale_fn is not None:
            scale_fn(rows_b, i + 1)
        s_start(rows_b, ssb, i + 1)
        s_wait(rows_a, ssa, i)
        g_start(rows_a, gsa, jnp.minimum(i + 2, scn - 1))
        s_wait(rows_b, ssb, i + 1)
        g_start(rows_b, gsb, jnp.minimum(i + 3, scn - 1))

    if scn % 2:
        g_wait(rows_a, gsa, scn - 1)
        if scale_fn is not None:
            scale_fn(rows_a, scn - 1)
        s_start(rows_a, ssa, scn - 1)
        s_wait(rows_a, ssa, scn - 1)
        g_wait(rows_b, gsb, scn - 1)
    else:
        g_wait(rows_a, gsa, scn - 1)
        g_wait(rows_b, gsb, scn - 1)


@functools.partial(
    pl.kernel,
    compiler_params=_cp,
    out_type=jax.ShapeDtypeStruct((NC, N_USR, D), jnp.float32),
    mesh=_MESH,
    scratch_types=[
        pltpu.VMEM((SCN_U, C), jnp.int32),
        pltpu.VMEM((SCN_U, C), jnp.int32),
        pltpu.VMEM((SCN_U, C), jnp.float32),
        pltpu.VMEM((C, D), jnp.float32),
        pltpu.VMEM((C, D), jnp.float32),
        pltpu.VMEM_SHARED((N_USR, D), jnp.float32),
        pltpu.SemaphoreType.DMA,
        pltpu.SemaphoreType.DMA,
        pltpu.SemaphoreType.DMA,
        pltpu.SemaphoreType.DMA,
    ],
)
def _sc_user(emb_hbm, mrow_hbm, mcol_hbm, mval_hbm, pusr_out, gi_v, di_v,
             val_v, rows_a, rows_b, acc_sh, gsa, gsb, ssa, ssb):
    cid = lax.axis_index("c")
    sid = lax.axis_index("s")

    def scale_rows(rows_ref, chunk):
        ch = jnp.full((L,), chunk, jnp.int32)

        @pl.loop(0, C, step=4)
        def _(r):
            bvals = [
                plsc.load_gather(val_v, [ch, jnp.full((L,), r + u, jnp.int32)])
                for u in range(4)
            ]
            for u in range(4):
                for j in range(D // L):
                    sl = pl.ds(j * L, L)
                    rows_ref[r + u, sl] = rows_ref[r + u, sl] * bvals[u]

    _zero_fill(rows_a, acc_sh, gsa, sid, N_USR)
    plsc.subcore_barrier()

    @pl.loop(0, NSC_U)
    def _(sc):
        pltpu.sync_copy(mcol_hbm.at[cid, sid, sc], gi_v)
        pltpu.sync_copy(mrow_hbm.at[cid, sid, sc], di_v)
        pltpu.sync_copy(mval_hbm.at[cid, sid, sc], val_v)
        _run_superchunk(emb_hbm, gi_v, di_v, acc_sh, rows_a, rows_b,
                        gsa, gsb, ssa, ssb, SCN_U, scale_rows)

    plsc.subcore_barrier()
    _write_back(acc_sh, pusr_out, gsa, cid, sid, N_USR)


@functools.partial(
    pl.kernel,
    compiler_params=_cp,
    out_type=jax.ShapeDtypeStruct((NC, N_ENT, D), jnp.float32),
    mesh=_MESH,
    scratch_types=[
        pltpu.VMEM((SCN_E, C), jnp.int32),
        pltpu.VMEM((SCN_E, C), jnp.int32),
        pltpu.VMEM((C, D), jnp.float32),
        pltpu.VMEM((C, D), jnp.float32),
        pltpu.VMEM_SHARED((N_ENT, D), jnp.float32),
        pltpu.SemaphoreType.DMA,
        pltpu.SemaphoreType.DMA,
        pltpu.SemaphoreType.DMA,
        pltpu.SemaphoreType.DMA,
    ],
)
def _sc_entity(table_hbm, gidx_hbm, head_hbm, pent_out, gi_v, di_v,
               rows_a, rows_b, acc_sh, gsa, gsb, ssa, ssb):
    cid = lax.axis_index("c")
    sid = lax.axis_index("s")

    _zero_fill(rows_a, acc_sh, gsa, sid, N_ENT)
    plsc.subcore_barrier()

    @pl.loop(0, NSC_E)
    def _(sc):
        pltpu.sync_copy(gidx_hbm.at[cid, sid, sc], gi_v)
        pltpu.sync_copy(head_hbm.at[cid, sid, sc], di_v)
        _run_superchunk(table_hbm, gi_v, di_v, acc_sh, rows_a, rows_b,
                        gsa, gsb, ssa, ssb, SCN_E, None)

    plsc.subcore_barrier()
    _write_back(acc_sh, pent_out, gsa, cid, sid, N_ENT)


def kernel(entity_emb, user_emb, edge_index, edge_type, mat_row, mat_col,
           mat_val, weight):
    del user_emb
    mrow = mat_row.reshape(NC, NS, NSC_U, SCN_U, C)
    mcol = mat_col.reshape(NC, NS, NSC_U, SCN_U, C)
    mval = mat_val.reshape(NC, NS, NSC_U, SCN_U, C)
    pusr = _sc_user(entity_emb, mrow, mcol, mval)
    table = _build_table(entity_emb, weight)
    gidx = (edge_type * N_ENT + edge_index[1]).reshape(NC, NS, NSC_E, SCN_E, C)
    head = edge_index[0].reshape(NC, NS, NSC_E, SCN_E, C)
    pent = _sc_entity(table, gidx, head)
    return (_combine(pent, N_ENT), _combine(pusr, N_USR))

# --- scband reference (transcript-rebuilt; emitter-appended) ---
"""Pipeline reference for scband-recommender-90469191123302 (READ-ONLY COPY).

The authoritative reference and input builder live on the scoring server;
editing this copy changes nothing except your own understanding.
"""

import jax, jax.numpy as jnp
import numpy as np

N_ENTITIES = 10000
N_USERS = 8000
N_EDGES = 320000
NNZ = 160000
D = 128
N_REL = 16


def setup_inputs(seed: int = 0) -> dict:
    key = jax.random.key(seed)
    ks = jax.random.split(key, 8)
    entity_emb = jax.random.normal(ks[0], (N_ENTITIES, D), dtype=jnp.float32)
    user_emb = jax.random.normal(ks[1], (N_USERS, D), dtype=jnp.float32)
    edge_index = jax.random.randint(ks[2], (2, N_EDGES), 0, N_ENTITIES, dtype=jnp.int32)
    edge_type = jax.random.randint(ks[3], (N_EDGES,), 0, N_REL, dtype=jnp.int32)
    mat_row = jax.random.randint(ks[4], (NNZ,), 0, N_USERS, dtype=jnp.int32)
    mat_col = jax.random.randint(ks[5], (NNZ,), 0, N_ENTITIES, dtype=jnp.int32)
    mat_val = jax.random.uniform(ks[6], (NNZ,), dtype=jnp.float32)
    weight = jax.random.normal(ks[7], (N_REL, D), dtype=jnp.float32)
    return {
        "entity_emb": entity_emb,
        "user_emb": user_emb,
        "edge_index": edge_index,
        "edge_type": edge_type,
        "mat_row": mat_row,
        "mat_col": mat_col,
        "mat_val": mat_val,
        "weight": weight,
    }


def reference(entity_emb, user_emb, edge_index, edge_type, mat_row, mat_col, mat_val, weight):
    # Aggregator.forward with use_cf_module=False, use_attention=False
    # --- KG_forward: relation-weighted neighbor aggregation (gather + scatter-add) ---
    head = edge_index[0]
    tail = edge_index[1]
    edge_relation_emb = weight[edge_type]                 # gather [E, D]
    neigh_relation_emb = entity_emb[tail] * edge_relation_emb  # gather [E, D] * [E, D]
    entity_agg = jax.ops.segment_sum(neigh_relation_emb, head, num_segments=N_ENTITIES)
    # --- user aggregate: user_agg = sparse.mm(interact_mat, entity_emb) ---
    # interact_mat is COO sparse [n_users, n_entities] given by (mat_row, mat_col, mat_val)
    gathered = mat_val[:, None] * entity_emb[mat_col]     # gather + scale [nnz, D]
    user_agg = jax.ops.segment_sum(gathered, mat_row, num_segments=N_USERS)
    return (entity_agg, user_agg)

if __name__ == "__main__":
    import jax
    _d = setup_inputs()
    print(jax.jit(kernel)(*tuple(_d.values())))

</pallas_src>

<mosaic_0001>
#map = affine_map<(d0, d1) -> (0, 0)>
#map1 = affine_map<(d0, d1) -> (0, 0, 0, 0, 0)>
#map2 = affine_map<(d0, d1) -> (0, 0, 0)>
module attributes {stable_mosaic.version = 14 : i64} {
  func.func @_sc_entity(%arg0: i32, %arg1: i32, %arg2: memref<160000x128xf32, #tpu.memory_space<hbm>>, %arg3: memref<2x16x5x50x40xi32, #tpu.memory_space<hbm>>, %arg4: memref<2x16x5x50x40xi32, #tpu.memory_space<hbm>>, %arg5: memref<2x10000x128xf32, #tpu.memory_space<hbm>>, %arg6: memref<50x40xi32, #tpu.memory_space<vmem>>, %arg7: memref<50x40xi32, #tpu.memory_space<vmem>>, %arg8: memref<40x128xf32, #tpu.memory_space<vmem>>, %arg9: memref<40x128xf32, #tpu.memory_space<vmem>>, %arg10: memref<10000x128xf32, #tpu.memory_space<vmem_shared>>, %arg11: memref<!tpu.dma_semaphore, #tpu.memory_space<semaphore_mem>>, %arg12: memref<!tpu.dma_semaphore, #tpu.memory_space<semaphore_mem>>, %arg13: memref<!tpu.dma_semaphore, #tpu.memory_space<semaphore_mem>>, %arg14: memref<!tpu.dma_semaphore, #tpu.memory_space<semaphore_mem>>) attributes {dimension_semantics = [#tpu.dimension_semantics<core_parallel>, #tpu.dimension_semantics<subcore_parallel>], iteration_bounds = array<i64: 2, 16>, scalar_prefetch = 0 : i64, scratch_operands = 9 : i64, tpu.core_type = #tpu.core_type<sc_vector_subcore>, window_params = [{transform_indices = #map}, {transform_indices = #map1}, {transform_indices = #map1}, {transform_indices = #map2}]} {
    %broadcast_in_dim3A = arith.constant 0.000000e+00 : f32
    %broadcast_in_dim3A_0 = vector.broadcast %broadcast_in_dim3A : f32 to vector<16xf32>
    %scan3A = arith.constant 0 : i32
    %scan3A_1 = arith.constant 40 : i32
    %scan3A_2 = arith.addi %scan3A, %scan3A_1 : i32
    %scan3A_3 = arith.constant 1 : i32
    scf.for %scan3A_79 = %scan3A to %scan3A_2 step %scan3A_3  : i32 {
      %mul3A = arith.constant 1 : i32
      %mul3A_80 = arith.muli %scan3A_79, %mul3A : i32
      %add3A_81 = arith.constant 0 : i32
      %add3A_82 = arith.addi %add3A_81, %mul3A_80 : i32
      %swap3A = arith.index_cast %add3A_82 : i32 to index
      %swap3A_83 = arith.constant 0 : index
      %swap3A_84 = tpu.vector_load %arg8[%swap3A, %swap3A_83] {strides = array<i32>} : memref<40x128xf32, #tpu.memory_space<vmem>>, vector<16xf32>,
      tpu.vector_store %arg8[%swap3A, %swap3A_83], %broadcast_in_dim3A_0 {strides = array<i32>} : memref<40x128xf32, #tpu.memory_space<vmem>>, vector<16xf32>,
      %swap3A_85 = arith.index_cast %add3A_82 : i32 to index
      %swap3A_86 = arith.constant 16 : index
      %swap3A_87 = tpu.vector_load %arg8[%swap3A_85, %swap3A_86] {strides = array<i32>} : memref<40x128xf32, #tpu.memory_space<vmem>>, vector<16xf32>,
      tpu.vector_store %arg8[%swap3A_85, %swap3A_86], %broadcast_in_dim3A_0 {strides = array<i32>} : memref<40x128xf32, #tpu.memory_space<vmem>>, vector<16xf32>,
      %swap3A_88 = arith.index_cast %add3A_82 : i32 to index
      %swap3A_89 = arith.constant 32 : index
      %swap3A_90 = tpu.vector_load %arg8[%swap3A_88, %swap3A_89] {strides = array<i32>} : memref<40x128xf32, #tpu.memory_space<vmem>>, vector<16xf32>,
      tpu.vector_store %arg8[%swap3A_88, %swap3A_89], %broadcast_in_dim3A_0 {strides = array<i32>} : memref<40x128xf32, #tpu.memory_space<vmem>>, vector<16xf32>,
      %swap3A_91 = arith.index_cast %add3A_82 : i32 to index
      %swap3A_92 = arith.constant 48 : index
      %swap3A_93 = tpu.vector_load %arg8[%swap3A_91, %swap3A_92] {strides = array<i32>} : memref<40x128xf32, #tpu.memory_space<vmem>>, vector<16xf32>,
      tpu.vector_store %arg8[%swap3A_91, %swap3A_92], %broadcast_in_dim3A_0 {strides = array<i32>} : memref<40x128xf32, #tpu.memory_space<vmem>>, vector<16xf32>,
      %swap3A_94 = arith.index_cast %add3A_82 : i32 to index
      %swap3A_95 = arith.constant 64 : index
      %swap3A_96 = tpu.vector_load %arg8[%swap3A_94, %swap3A_95] {strides = array<i32>} : memref<40x128xf32, #tpu.memory_space<vmem>>, vector<16xf32>,
      tpu.vector_store %arg8[%swap3A_94, %swap3A_95], %broadcast_in_dim3A_0 {strides = array<i32>} : memref<40x128xf32, #tpu.memory_space<vmem>>, vector<16xf32>,
      %swap3A_97 = arith.index_cast %add3A_82 : i32 to index
      %swap3A_98 = arith.constant 80 : index
      %swap3A_99 = tpu.vector_load %arg8[%swap3A_97, %swap3A_98] {strides = array<i32>} : memref<40x128xf32, #tpu.memory_space<vmem>>, vector<16xf32>,
      tpu.vector_store %arg8[%swap3A_97, %swap3A_98], %broadcast_in_dim3A_0 {strides = array<i32>} : memref<40x128xf32, #tpu.memory_space<vmem>>, vector<16xf32>,
      %swap3A_100 = arith.index_cast %add3A_82 : i32 to index
      %swap3A_101 = arith.constant 96 : index
      %swap3A_102 = tpu.vector_load %arg8[%swap3A_100, %swap3A_101] {strides = array<i32>} : memref<40x128xf32, #tpu.memory_space<vmem>>, vector<16xf32>,
      tpu.vector_store %arg8[%swap3A_100, %swap3A_101], %broadcast_in_dim3A_0 {strides = array<i32>} : memref<40x128xf32, #tpu.memory_space<vmem>>, vector<16xf32>,
      %swap3A_103 = arith.index_cast %add3A_82 : i32 to index
      %swap3A_104 = arith.constant 112 : index
      %swap3A_105 = tpu.vector_load %arg8[%swap3A_103, %swap3A_104] {strides = array<i32>} : memref<40x128xf32, #tpu.memory_space<vmem>>, vector<16xf32>,
      tpu.vector_store %arg8[%swap3A_103, %swap3A_104], %broadcast_in_dim3A_0 {strides = array<i32>} : memref<40x128xf32, #tpu.memory_space<vmem>>, vector<16xf32>,
    }
    %scan3A_4 = arith.constant 40 : i32
    %sub3A = arith.constant 250 : i32
    %sub3A_5 = arith.subi %sub3A, %arg1 : i32
    %sub3A_6 = arith.constant 16 : i32
    %sub3A_7 = arith.constant 1 : i32
    %sub3A_8 = arith.subi %sub3A_6, %sub3A_7 : i32
    %add3A = arith.addi %sub3A_5, %sub3A_8 : i32
    %div3A = arith.constant 16 : i32
    %div3A_9 = arith.divsi %add3A, %div3A : i32
    %while3A = arith.constant 16 : i32
    %while3A_10 = arith.constant 0 : i32
    %while3A_11 = arith.subi %div3A_9, %while3A_10 : i32
    %while3A_12 = arith.addi %while3A_10, %while3A_11 : i32
    %while3A_13 = arith.constant 1 : i32
    %while3A_14 = arith.divsi %while3A_11, %while3A_13 : i32
    %while3A_15 = arith.muli %while3A_14, %while3A_13 : i32
    %while3A_16 = arith.addi %while3A_10, %while3A_15 : i32
    %while3A_17 = arith.constant 1 : i32
    scf.for %while3A_79 = %while3A_10 to %while3A_16 step %while3A_17  : i32 {
      %mul3A = arith.muli %while3A_79, %while3A : i32
      %add3A_80 = arith.addi %arg1, %mul3A : i32
      %mul3A_81 = arith.constant 40 : i32
      %mul3A_82 = arith.muli %add3A_80, %mul3A_81 : i32
      %dma_start3A = arith.constant 0 : i32
      %dma_start3A_83 = tpu.memref_slice %arg10[%mul3A_82, %dma_start3A] : memref<10000x128xf32, #tpu.memory_space<vmem_shared>> -> memref<40x128xf32, #tpu.memory_space<vmem_shared>>
      %dma_start3A_84 = arith.constant 0 : i32
      %dma_start3A_85 = tpu.memref_slice %arg10[%mul3A_82, %dma_start3A_84] : memref<10000x128xf32, #tpu.memory_space<vmem_shared>> -> memref<40x128xf32, #tpu.memory_space<vmem_shared>>
      tpu.enqueue_dma source(%arg8 : memref<40x128xf32, #tpu.memory_space<vmem>>) target(%dma_start3A_85 : memref<40x128xf32, #tpu.memory_space<vmem_shared>>) target_semaphore(%arg11 : memref<!tpu.dma_semaphore, #tpu.memory_space<semaphore_mem>>)
    }
    %while3A_18 = arith.constant 1 : i32
    scf.for %while3A_79 = %while3A_16 to %while3A_12 step %while3A_18  : i32 {
      %mul3A = arith.muli %while3A_79, %while3A : i32
      %add3A_80 = arith.addi %arg1, %mul3A : i32
      %mul3A_81 = arith.constant 40 : i32
      %mul3A_82 = arith.muli %add3A_80, %mul3A_81 : i32
      %dma_start3A = arith.constant 0 : i32
      %dma_start3A_83 = tpu.memref_slice %arg10[%mul3A_82, %dma_start3A] : memref<10000x128xf32, #tpu.memory_space<vmem_shared>> -> memref<40x128xf32, #tpu.memory_space<vmem_shared>>
      %dma_start3A_84 = arith.constant 0 : i32
      %dma_start3A_85 = tpu.memref_slice %arg10[%mul3A_82, %dma_start3A_84] : memref<10000x128xf32, #tpu.memory_space<vmem_shared>> -> memref<40x128xf32, #tpu.memory_space<vmem_shared>>
      tpu.enqueue_dma source(%arg8 : memref<40x128xf32, #tpu.memory_space<vmem>>) target(%dma_start3A_85 : memref<40x128xf32, #tpu.memory_space<vmem_shared>>) target_semaphore(%arg11 : memref<!tpu.dma_semaphore, #tpu.memory_space<semaphore_mem>>)
    }
    %sub3A_19 = arith.constant 250 : i32
    %sub3A_20 = arith.subi %sub3A_19, %arg1 : i32
    %sub3A_21 = arith.constant 16 : i32
    %sub3A_22 = arith.constant 1 : i32
    %sub3A_23 = arith.subi %sub3A_21, %sub3A_22 : i32
    %add3A_24 = arith.addi %sub3A_20, %sub3A_23 : i32
    %div3A_25 = arith.constant 16 : i32
    %div3A_26 = arith.divsi %add3A_24, %div3A_25 : i32
    %while3A_27 = arith.constant 16 : i32
    %while3A_28 = arith.constant 0 : i32
    %while3A_29 = arith.subi %div3A_26, %while3A_28 : i32
    %while3A_30 = arith.addi %while3A_28, %while3A_29 : i32
    %while3A_31 = arith.constant 1 : i32
    %while3A_32 = arith.divsi %while3A_29, %while3A_31 : i32
    %while3A_33 = arith.muli %while3A_32, %while3A_31 : i32
    %while3A_34 = arith.addi %while3A_28, %while3A_33 : i32
    %while3A_35 = arith.constant 1 : i32
    scf.for %while3A_79 = %while3A_28 to %while3A_34 step %while3A_35  : i32 {
      %mul3A = arith.muli %while3A_79, %while3A_27 : i32
      %add3A_80 = arith.addi %arg1, %mul3A : i32
      %mul3A_81 = arith.constant 40 : i32
      %mul3A_82 = arith.muli %add3A_80, %mul3A_81 : i32
      %dma_wait3A = arith.constant 0 : i32
      %dma_wait3A_83 = tpu.memref_slice %arg10[%mul3A_82, %dma_wait3A] : memref<10000x128xf32, #tpu.memory_space<vmem_shared>> -> memref<40x128xf32, #tpu.memory_space<vmem_shared>>
      %dma_wait3A_84 = arith.constant 0 : i32
      %dma_wait3A_85 = tpu.memref_slice %arg10[%mul3A_82, %dma_wait3A_84] : memref<10000x128xf32, #tpu.memory_space<vmem_shared>> -> memref<40x128xf32, #tpu.memory_space<vmem_shared>>
      tpu.wait_dma2 semaphore(%arg11 : memref<!tpu.dma_semaphore, #tpu.memory_space<semaphore_mem>>) src(%arg8 : memref<40x128xf32, #tpu.memory_space<vmem>>) dst(%dma_wait3A_85 : memref<40x128xf32, #tpu.memory_space<vmem_shared>>)
    }
    %while3A_36 = arith.constant 1 : i32
    scf.for %while3A_79 = %while3A_34 to %while3A_30 step %while3A_36  : i32 {
      %mul3A = arith.muli %while3A_79, %while3A_27 : i32
      %add3A_80 = arith.addi %arg1, %mul3A : i32
      %mul3A_81 = arith.constant 40 : i32
      %mul3A_82 = arith.muli %add3A_80, %mul3A_81 : i32
      %dma_wait3A = arith.constant 0 : i32
      %dma_wait3A_83 = tpu.memref_slice %arg10[%mul3A_82, %dma_wait3A] : memref<10000x128xf32, #tpu.memory_space<vmem_shared>> -> memref<40x128xf32, #tpu.memory_space<vmem_shared>>
      %dma_wait3A_84 = arith.constant 0 : i32
      %dma_wait3A_85 = tpu.memref_slice %arg10[%mul3A_82, %dma_wait3A_84] : memref<10000x128xf32, #tpu.memory_space<vmem_shared>> -> memref<40x128xf32, #tpu.memory_space<vmem_shared>>
      tpu.wait_dma2 semaphore(%arg11 : memref<!tpu.dma_semaphore, #tpu.memory_space<semaphore_mem>>) src(%arg8 : memref<40x128xf32, #tpu.memory_space<vmem>>) dst(%dma_wait3A_85 : memref<40x128xf32, #tpu.memory_space<vmem_shared>>)
    }
    %barrier3A = arith.constant 0 : index
    tpu.barrier barrier_id(%barrier3A)
    %scan3A_37 = arith.constant 0 : i32
    %scan3A_38 = arith.constant 5 : i32
    %scan3A_39 = arith.addi %scan3A_37, %scan3A_38 : i32
    %scan3A_40 = arith.constant 1 : i32
    scf.for %scan3A_79 = %scan3A_37 to %scan3A_39 step %scan3A_40  : i32 {
      %mul3A = arith.constant 1 : i32
      %mul3A_80 = arith.muli %scan3A_79, %mul3A : i32
      %add3A_81 = arith.constant 0 : i32
      %add3A_82 = arith.addi %add3A_81, %mul3A_80 : i32
      "tpu.region"() ({
        %run_scoped3A = tpu.sem_alloc : memref<!tpu.dma_semaphore, #tpu.memory_space<semaphore_mem>>
        %dma_start3A_114 = arith.constant 0 : i32
        %dma_start3A_115 = arith.constant 0 : i32
        %dma_start3A_116 = tpu.memref_slice %arg3[%arg0, %arg1, %add3A_82, %dma_start3A_114, %dma_start3A_115] : memref<2x16x5x50x40xi32, #tpu.memory_space<hbm>> -> memref<1x1x1x50x40xi32, #tpu.memory_space<hbm>>
        %dma_start3A_117 = tpu.memref_squeeze %dma_start3A_116 : memref<1x1x1x50x40xi32, #tpu.memory_space<hbm>> -> memref<50x40xi32, #tpu.memory_space<hbm>>
        %dma_start3A_118 = arith.constant 0 : i32
        %dma_start3A_119 = arith.constant 0 : i32
        %dma_start3A_120 = tpu.memref_slice %arg3[%arg0, %arg1, %add3A_82, %dma_start3A_118, %dma_start3A_119] : memref<2x16x5x50x40xi32, #tpu.memory_space<hbm>> -> memref<1x1x1x50x40xi32, #tpu.memory_space<hbm>>
        %dma_start3A_121 = tpu.memref_squeeze %dma_start3A_120 : memref<1x1x1x50x40xi32, #tpu.memory_space<hbm>> -> memref<50x40xi32, #tpu.memory_space<hbm>>
        tpu.enqueue_dma source(%dma_start3A_121 : memref<50x40xi32, #tpu.memory_space<hbm>>) target(%arg6 : memref<50x40xi32, #tpu.memory_space<vmem>>) target_semaphore(%run_scoped3A : memref<!tpu.dma_semaphore, #tpu.memory_space<semaphore_mem>>)
        %dma_wait3A_122 = arith.constant 0 : i32
        %dma_wait3A_123 = arith.constant 0 : i32
        %dma_wait3A_124 = tpu.memref_slice %arg3[%arg0, %arg1, %add3A_82, %dma_wait3A_122, %dma_wait3A_123] : memref<2x16x5x50x40xi32, #tpu.memory_space<hbm>> -> memref<1x1x1x50x40xi32, #tpu.memory_space<hbm>>
        %dma_wait3A_125 = tpu.memref_squeeze %dma_wait3A_124 : memref<1x1x1x50x40xi32, #tpu.memory_space<hbm>> -> memref<50x40xi32, #tpu.memory_space<hbm>>
        %dma_wait3A_126 = arith.constant 0 : i32
        %dma_wait3A_127 = arith.constant 0 : i32
        %dma_wait3A_128 = tpu.memref_slice %arg3[%arg0, %arg1, %add3A_82, %dma_wait3A_126, %dma_wait3A_127] : memref<2x16x5x50x40xi32, #tpu.memory_space<hbm>> -> memref<1x1x1x50x40xi32, #tpu.memory_space<hbm>>
        %dma_wait3A_129 = tpu.memref_squeeze %dma_wait3A_128 : memref<1x1x1x50x40xi32, #tpu.memory_space<hbm>> -> memref<50x40xi32, #tpu.memory_space<hbm>>
        tpu.wait_dma2 semaphore(%run_scoped3A : memref<!tpu.dma_semaphore, #tpu.memory_space<semaphore_mem>>) src(%dma_wait3A_129 : memref<50x40xi32, #tpu.memory_space<hbm>>) dst(%arg6 : memref<50x40xi32, #tpu.memory_space<vmem>>)
        tpu.yield
      }) : () -> ()
      "tpu.region"() ({
        %run_scoped3A = tpu.sem_alloc : memref<!tpu.dma_semaphore, #tpu.memory_space<semaphore_mem>>
        %dma_start3A_114 = arith.constant 0 : i32
        %dma_start3A_115 = arith.constant 0 : i32
        %dma_start3A_116 = tpu.memref_slice %arg4[%arg0, %arg1, %add3A_82, %dma_start3A_114, %dma_start3A_115] : memref<2x16x5x50x40xi32, #tpu.memory_space<hbm>> -> memref<1x1x1x50x40xi32, #tpu.memory_space<hbm>>
        %dma_start3A_117 = tpu.memref_squeeze %dma_start3A_116 : memref<1x1x1x50x40xi32, #tpu.memory_space<hbm>> -> memref<50x40xi32, #tpu.memory_space<hbm>>
        %dma_start3A_118 = arith.constant 0 : i32
        %dma_start3A_119 = arith.constant 0 : i32
        %dma_start3A_120 = tpu.memref_slice %arg4[%arg0, %arg1, %add3A_82, %dma_start3A_118, %dma_start3A_119] : memref<2x16x5x50x40xi32, #tpu.memory_space<hbm>> -> memref<1x1x1x50x40xi32, #tpu.memory_space<hbm>>
        %dma_start3A_121 = tpu.memref_squeeze %dma_start3A_120 : memref<1x1x1x50x40xi32, #tpu.memory_space<hbm>> -> memref<50x40xi32, #tpu.memory_space<hbm>>
        tpu.enqueue_dma source(%dma_start3A_121 : memref<50x40xi32, #tpu.memory_space<hbm>>) target(%arg7 : memref<50x40xi32, #tpu.memory_space<vmem>>) target_semaphore(%run_scoped3A : memref<!tpu.dma_semaphore, #tpu.memory_space<semaphore_mem>>)
        %dma_wait3A_122 = arith.constant 0 : i32
        %dma_wait3A_123 = arith.constant 0 : i32
        %dma_wait3A_124 = tpu.memref_slice %arg4[%arg0, %arg1, %add3A_82, %dma_wait3A_122, %dma_wait3A_123] : memref<2x16x5x50x40xi32, #tpu.memory_space<hbm>> -> memref<1x1x1x50x40xi32, #tpu.memory_space<hbm>>
        %dma_wait3A_125 = tpu.memref_squeeze %dma_wait3A_124 : memref<1x1x1x50x40xi32, #tpu.memory_space<hbm>> -> memref<50x40xi32, #tpu.memory_space<hbm>>
        %dma_wait3A_126 = arith.constant 0 : i32
        %dma_wait3A_127 = arith.constant 0 : i32
        %dma_wait3A_128 = tpu.memref_slice %arg4[%arg0, %arg1, %add3A_82, %dma_wait3A_126, %dma_wait3A_127] : memref<2x16x5x50x40xi32, #tpu.memory_space<hbm>> -> memref<1x1x1x50x40xi32, #tpu.memory_space<hbm>>
        %dma_wait3A_129 = tpu.memref_squeeze %dma_wait3A_128 : memref<1x1x1x50x40xi32, #tpu.memory_space<hbm>> -> memref<50x40xi32, #tpu.memory_space<hbm>>
        tpu.wait_dma2 semaphore(%run_scoped3A : memref<!tpu.dma_semaphore, #tpu.memory_space<semaphore_mem>>) src(%dma_wait3A_129 : memref<50x40xi32, #tpu.memory_space<hbm>>) dst(%arg7 : memref<50x40xi32, #tpu.memory_space<vmem>>)
        tpu.yield
      }) : () -> ()
      %dma_start3A = arith.constant 0 : i32
      %dma_start3A_83 = arith.constant 0 : i32
      %dma_start3A_84 = tpu.memref_slice %arg6[%dma_start3A, %dma_start3A_83] : memref<50x40xi32, #tpu.memory_space<vmem>> -> memref<1x40xi32, #tpu.memory_space<vmem>>
      %dma_start3A_85 = tpu.memref_squeeze %dma_start3A_84 : memref<1x40xi32, #tpu.memory_space<vmem>> -> memref<40xi32, #tpu.memory_space<vmem>>
      %dma_start3A_86 = arith.constant 0 : i32
      %dma_start3A_87 = arith.constant 0 : i32
      %dma_start3A_88 = tpu.memref_slice %arg2[%dma_start3A_86, %dma_start3A_87] : memref<160000x128xf32, #tpu.memory_space<hbm>> -> memref<160000x128xf32, #tpu.memory_space<hbm>>
      tpu.enqueue_indirect_dma source(%dma_start3A_88 : memref<160000x128xf32, #tpu.memory_space<hbm>>) target(%arg8 : memref<40x128xf32, #tpu.memory_space<vmem>>) offsets(%dma_start3A_85 : memref<40xi32, #tpu.memory_space<vmem>>) semaphore(%arg11 : memref<!tpu.dma_semaphore, #tpu.memory_space<semaphore_mem>>)
      %dma_start3A_89 = arith.constant 1 : i32
      %dma_start3A_90 = arith.constant 0 : i32
      %dma_start3A_91 = tpu.memref_slice %arg6[%dma_start3A_89, %dma_start3A_90] : memref<50x40xi32, #tpu.memory_space<vmem>> -> memref<1x40xi32, #tpu.memory_space<vmem>>
      %dma_start3A_92 = tpu.memref_squeeze %dma_start3A_91 : memref<1x40xi32, #tpu.memory_space<vmem>> -> memref<40xi32, #tpu.memory_space<vmem>>
      %dma_start3A_93 = arith.constant 0 : i32
      %dma_start3A_94 = arith.constant 0 : i32
      %dma_start3A_95 = tpu.memref_slice %arg2[%dma_start3A_93, %dma_start3A_94] : memref<160000x128xf32, #tpu.memory_space<hbm>> -> memref<160000x128xf32, #tpu.memory_space<hbm>>
      tpu.enqueue_indirect_dma source(%dma_start3A_95 : memref<160000x128xf32, #tpu.memory_space<hbm>>) target(%arg9 : memref<40x128xf32, #tpu.memory_space<vmem>>) offsets(%dma_start3A_92 : memref<40xi32, #tpu.memory_space<vmem>>) semaphore(%arg12 : memref<!tpu.dma_semaphore, #tpu.memory_space<semaphore_mem>>)
      %scan3A_96 = arith.constant 0 : i32
      %scan3A_97 = arith.constant 25 : i32
      %scan3A_98 = arith.addi %scan3A_96, %scan3A_97 : i32
      %scan3A_99 = arith.constant 1 : i32
      scf.for %scan3A_114 = %scan3A_96 to %scan3A_98 step %scan3A_99  : i32 {
        %mul3A_115 = arith.constant 2 : i32
        %mul3A_116 = arith.muli %scan3A_114, %mul3A_115 : i32
        %add3A_117 = arith.constant 0 : i32
        %add3A_118 = arith.addi %add3A_117, %mul3A_116 : i32
        %dma_wait3A_119 = arith.constant 0 : i32
        %dma_wait3A_120 = tpu.memref_slice %arg6[%add3A_118, %dma_wait3A_119] : memref<50x40xi32, #tpu.memory_space<vmem>> -> memref<1x40xi32, #tpu.memory_space<vmem>>
        %dma_wait3A_121 = tpu.memref_squeeze %dma_wait3A_120 : memref<1x40xi32, #tpu.memory_space<vmem>> -> memref<40xi32, #tpu.memory_space<vmem>>
        %dma_wait3A_122 = arith.constant 0 : i32
        %dma_wait3A_123 = arith.constant 0 : i32
        %dma_wait3A_124 = tpu.memref_slice %arg2[%dma_wait3A_122, %dma_wait3A_123] : memref<160000x128xf32, #tpu.memory_space<hbm>> -> memref<160000x128xf32, #tpu.memory_space<hbm>>
        tpu.wait_indirect_dma semaphore(%arg11 : memref<!tpu.dma_semaphore, #tpu.memory_space<semaphore_mem>>) src(%dma_wait3A_124 : memref<160000x128xf32, #tpu.memory_space<hbm>>) dst(%arg8 : memref<40x128xf32, #tpu.memory_space<vmem>>)
        %dma_start3A_125 = arith.constant 0 : i32
        %dma_start3A_126 = tpu.memref_slice %arg7[%add3A_118, %dma_start3A_125] : memref<50x40xi32, #tpu.memory_space<vmem>> -> memref<1x40xi32, #tpu.memory_space<vmem>>
        %dma_start3A_127 = tpu.memref_squeeze %dma_start3A_126 : memref<1x40xi32, #tpu.memory_space<vmem>> -> memref<40xi32, #tpu.memory_space<vmem>>
        %dma_start3A_128 = arith.constant 0 : i32
        %dma_start3A_129 = arith.constant 0 : i32
        %dma_start3A_130 = tpu.memref_slice %arg10[%dma_start3A_128, %dma_start3A_129] : memref<10000x128xf32, #tpu.memory_space<vmem_shared>> -> memref<10000x128xf32, #tpu.memory_space<vmem_shared>>
        tpu.enqueue_indirect_dma source(%arg8 : memref<40x128xf32, #tpu.memory_space<vmem>>) target(%dma_start3A_130 : memref<10000x128xf32, #tpu.memory_space<vmem_shared>>) offsets(%dma_start3A_127 : memref<40xi32, #tpu.memory_space<vmem>>) semaphore(%arg13 : memref<!tpu.dma_semaphore, #tpu.memory_space<semaphore_mem>>) {add = true}
        %add3A_131 = arith.constant 1 : i32
        %add3A_132 = arith.addi %add3A_118, %add3A_131 : i32
        %dma_wait3A_133 = arith.constant 0 : i32
        %dma_wait3A_134 = tpu.memref_slice %arg6[%add3A_132, %dma_wait3A_133] : memref<50x40xi32, #tpu.memory_space<vmem>> -> memref<1x40xi32, #tpu.memory_space<vmem>>
        %dma_wait3A_135 = tpu.memref_squeeze %dma_wait3A_134 : memref<1x40xi32, #tpu.memory_space<vmem>> -> memref<40xi32, #tpu.memory_space<vmem>>
        %dma_wait3A_136 = arith.constant 0 : i32
        %dma_wait3A_137 = arith.constant 0 : i32
        %dma_wait3A_138 = tpu.memref_slice %arg2[%dma_wait3A_136, %dma_wait3A_137] : memref<160000x128xf32, #tpu.memory_space<hbm>> -> memref<160000x128xf32, #tpu.memory_space<hbm>>
        tpu.wait_indirect_dma semaphore(%arg12 : memref<!tpu.dma_semaphore, #tpu.memory_space<semaphore_mem>>) src(%dma_wait3A_138 : memref<160000x128xf32, #tpu.memory_space<hbm>>) dst(%arg9 : memref<40x128xf32, #tpu.memory_space<vmem>>)
        %add3A_139 = arith.constant 1 : i32
        %add3A_140 = arith.addi %add3A_118, %add3A_139 : i32
        %dma_start3A_141 = arith.constant 0 : i32
        %dma_start3A_142 = tpu.memref_slice %arg7[%add3A_140, %dma_start3A_141] : memref<50x40xi32, #tpu.memory_space<vmem>> -> memref<1x40xi32, #tpu.memory_space<vmem>>
        %dma_start3A_143 = tpu.memref_squeeze %dma_start3A_142 : memref<1x40xi32, #tpu.memory_space<vmem>> -> memref<40xi32, #tpu.memory_space<vmem>>
        %dma_start3A_144 = arith.constant 0 : i32
        %dma_start3A_145 = arith.constant 0 : i32
        %dma_start3A_146 = tpu.memref_slice %arg10[%dma_start3A_144, %dma_start3A_145] : memref<10000x128xf32, #tpu.memory_space<vmem_shared>> -> memref<10000x128xf32, #tpu.memory_space<vmem_shared>>
        tpu.enqueue_indirect_dma source(%arg9 : memref<40x128xf32, #tpu.memory_space<vmem>>) target(%dma_start3A_146 : memref<10000x128xf32, #tpu.memory_space<vmem_shared>>) offsets(%dma_start3A_143 : memref<40xi32, #tpu.memory_space<vmem>>) semaphore(%arg14 : memref<!tpu.dma_semaphore, #tpu.memory_space<semaphore_mem>>) {add = true}
        %dma_wait3A_147 = arith.constant 0 : i32
        %dma_wait3A_148 = tpu.memref_slice %arg7[%add3A_118, %dma_wait3A_147] : memref<50x40xi32, #tpu.memory_space<vmem>> -> memref<1x40xi32, #tpu.memory_space<vmem>>
        %dma_wait3A_149 = tpu.memref_squeeze %dma_wait3A_148 : memref<1x40xi32, #tpu.memory_space<vmem>> -> memref<40xi32, #tpu.memory_space<vmem>>
        %dma_wait3A_150 = arith.constant 0 : i32
        %dma_wait3A_151 = arith.constant 0 : i32
        %dma_wait3A_152 = tpu.memref_slice %arg10[%dma_wait3A_150, %dma_wait3A_151] : memref<10000x128xf32, #tpu.memory_space<vmem_shared>> -> memref<10000x128xf32, #tpu.memory_space<vmem_shared>>
        tpu.wait_indirect_dma semaphore(%arg13 : memref<!tpu.dma_semaphore, #tpu.memory_space<semaphore_mem>>) src(%arg8 : memref<40x128xf32, #tpu.memory_space<vmem>>) dst(%dma_wait3A_152 : memref<10000x128xf32, #tpu.memory_space<vmem_shared>>)
        %add3A_153 = arith.constant 2 : i32
        %add3A_154 = arith.addi %add3A_118, %add3A_153 : i32
        %min3A = arith.constant 49 : i32
        %min3A_155 = arith.minsi %add3A_154, %min3A : i32
        %dma_start3A_156 = arith.constant 0 : i32
        %dma_start3A_157 = tpu.memref_slice %arg6[%min3A_155, %dma_start3A_156] : memref<50x40xi32, #tpu.memory_space<vmem>> -> memref<1x40xi32, #tpu.memory_space<vmem>>
        %dma_start3A_158 = tpu.memref_squeeze %dma_start3A_157 : memref<1x40xi32, #tpu.memory_space<vmem>> -> memref<40xi32, #tpu.memory_space<vmem>>
        %dma_start3A_159 = arith.constant 0 : i32
        %dma_start3A_160 = arith.constant 0 : i32
        %dma_start3A_161 = tpu.memref_slice %arg2[%dma_start3A_159, %dma_start3A_160] : memref<160000x128xf32, #tpu.memory_space<hbm>> -> memref<160000x128xf32, #tpu.memory_space<hbm>>
        tpu.enqueue_indirect_dma source(%dma_start3A_161 : memref<160000x128xf32, #tpu.memory_space<hbm>>) target(%arg8 : memref<40x128xf32, #tpu.memory_space<vmem>>) offsets(%dma_start3A_158 : memref<40xi32, #tpu.memory_space<vmem>>) semaphore(%arg11 : memref<!tpu.dma_semaphore, #tpu.memory_space<semaphore_mem>>)
        %add3A_162 = arith.constant 1 : i32
        %add3A_163 = arith.addi %add3A_118, %add3A_162 : i32
        %dma_wait3A_164 = arith.constant 0 : i32
        %dma_wait3A_165 = tpu.memref_slice %arg7[%add3A_163, %dma_wait3A_164] : memref<50x40xi32, #tpu.memory_space<vmem>> -> memref<1x40xi32, #tpu.memory_space<vmem>>
        %dma_wait3A_166 = tpu.memref_squeeze %dma_wait3A_165 : memref<1x40xi32, #tpu.memory_space<vmem>> -> memref<40xi32, #tpu.memory_space<vmem>>
        %dma_wait3A_167 = arith.constant 0 : i32
        %dma_wait3A_168 = arith.constant 0 : i32
        %dma_wait3A_169 = tpu.memref_slice %arg10[%dma_wait3A_167, %dma_wait3A_168] : memref<10000x128xf32, #tpu.memory_space<vmem_shared>> -> memref<10000x128xf32, #tpu.memory_space<vmem_shared>>
        tpu.wait_indirect_dma semaphore(%arg14 : memref<!tpu.dma_semaphore, #tpu.memory_space<semaphore_mem>>) src(%arg9 : memref<40x128xf32, #tpu.memory_space<vmem>>) dst(%dma_wait3A_169 : memref<10000x128xf32, #tpu.memory_space<vmem_shared>>)
        %add3A_170 = arith.constant 3 : i32
        %add3A_171 = arith.addi %add3A_118, %add3A_170 : i32
        %min3A_172 = arith.constant 49 : i32
        %min3A_173 = arith.minsi %add3A_171, %min3A_172 : i32
        %dma_start3A_174 = arith.constant 0 : i32
        %dma_start3A_175 = tpu.memref_slice %arg6[%min3A_173, %dma_start3A_174] : memref<50x40xi32, #tpu.memory_space<vmem>> -> memref<1x40xi32, #tpu.memory_space<vmem>>
        %dma_start3A_176 = tpu.memref_squeeze %dma_start3A_175 : memref<1x40xi32, #tpu.memory_space<vmem>> -> memref<40xi32, #tpu.memory_space<vmem>>
        %dma_start3A_177 = arith.constant 0 : i32
        %dma_start3A_178 = arith.constant 0 : i32
        %dma_start3A_179 = tpu.memref_slice %arg2[%dma_start3A_177, %dma_start3A_178] : memref<160000x128xf32, #tpu.memory_space<hbm>> -> memref<160000x128xf32, #tpu.memory_space<hbm>>
        tpu.enqueue_indirect_dma source(%dma_start3A_179 : memref<160000x128xf32, #tpu.memory_space<hbm>>) target(%arg9 : memref<40x128xf32, #tpu.memory_space<vmem>>) offsets(%dma_start3A_176 : memref<40xi32, #tpu.memory_space<vmem>>) semaphore(%arg12 : memref<!tpu.dma_semaphore, #tpu.memory_space<semaphore_mem>>)
      }
      %scan3A_100 = arith.constant 25 : i32
      %dma_wait3A = arith.constant 49 : i32
      %dma_wait3A_101 = arith.constant 0 : i32
      %dma_wait3A_102 = tpu.memref_slice %arg6[%dma_wait3A, %dma_wait3A_101] : memref<50x40xi32, #tpu.memory_space<vmem>> -> memref<1x40xi32, #tpu.memory_space<vmem>>
      %dma_wait3A_103 = tpu.memref_squeeze %dma_wait3A_102 : memref<1x40xi32, #tpu.memory_space<vmem>> -> memref<40xi32, #tpu.memory_space<vmem>>
      %dma_wait3A_104 = arith.constant 0 : i32
      %dma_wait3A_105 = arith.constant 0 : i32
      %dma_wait3A_106 = tpu.memref_slice %arg2[%dma_wait3A_104, %dma_wait3A_105] : memref<160000x128xf32, #tpu.memory_space<hbm>> -> memref<160000x128xf32, #tpu.memory_space<hbm>>
      tpu.wait_indirect_dma semaphore(%arg11 : memref<!tpu.dma_semaphore, #tpu.memory_space<semaphore_mem>>) src(%dma_wait3A_106 : memref<160000x128xf32, #tpu.memory_space<hbm>>) dst(%arg8 : memref<40x128xf32, #tpu.memory_space<vmem>>)
      %dma_wait3A_107 = arith.constant 49 : i32
      %dma_wait3A_108 = arith.constant 0 : i32
      %dma_wait3A_109 = tpu.memref_slice %arg6[%dma_wait3A_107, %dma_wait3A_108] : memref<50x40xi32, #tpu.memory_space<vmem>> -> memref<1x40xi32, #tpu.memory_space<vmem>>
      %dma_wait3A_110 = tpu.memref_squeeze %dma_wait3A_109 : memref<1x40xi32, #tpu.memory_space<vmem>> -> memref<40xi32, #tpu.memory_space<vmem>>
      %dma_wait3A_111 = arith.constant 0 : i32
      %dma_wait3A_112 = arith.constant 0 : i32
      %dma_wait3A_113 = tpu.memref_slice %arg2[%dma_wait3A_111, %dma_wait3A_112] : memref<160000x128xf32, #tpu.memory_space<hbm>> -> memref<160000x128xf32, #tpu.memory_space<hbm>>
      tpu.wait_indirect_dma semaphore(%arg12 : memref<!tpu.dma_semaphore, #tpu.memory_space<semaphore_mem>>) src(%dma_wait3A_113 : memref<160000x128xf32, #tpu.memory_space<hbm>>) dst(%arg9 : memref<40x128xf32, #tpu.memory_space<vmem>>)
    }
    %scan3A_41 = arith.constant 5 : i32
    %barrier3A_42 = arith.constant 0 : index
    tpu.barrier barrier_id(%barrier3A_42)
    %sub3A_43 = arith.constant 250 : i32
    %sub3A_44 = arith.subi %sub3A_43, %arg1 : i32
    %sub3A_45 = arith.constant 16 : i32
    %sub3A_46 = arith.constant 1 : i32
    %sub3A_47 = arith.subi %sub3A_45, %sub3A_46 : i32
    %add3A_48 = arith.addi %sub3A_44, %sub3A_47 : i32
    %div3A_49 = arith.constant 16 : i32
    %div3A_50 = arith.divsi %add3A_48, %div3A_49 : i32
    %while3A_51 = arith.constant 16 : i32
    %while3A_52 = arith.constant 0 : i32
    %while3A_53 = arith.subi %div3A_50, %while3A_52 : i32
    %while3A_54 = arith.addi %while3A_52, %while3A_53 : i32
    %while3A_55 = arith.constant 1 : i32
    %while3A_56 = arith.divsi %while3A_53, %while3A_55 : i32
    %while3A_57 = arith.muli %while3A_56, %while3A_55 : i32
    %while3A_58 = arith.addi %while3A_52, %while3A_57 : i32
    %while3A_59 = arith.constant 1 : i32
    scf.for %while3A_79 = %while3A_52 to %while3A_58 step %while3A_59  : i32 {
      %mul3A = arith.muli %while3A_79, %while3A_51 : i32
      %add3A_80 = arith.addi %arg1, %mul3A : i32
      %mul3A_81 = arith.constant 40 : i32
      %mul3A_82 = arith.muli %add3A_80, %mul3A_81 : i32
      %mul3A_83 = arith.constant 40 : i32
      %mul3A_84 = arith.muli %add3A_80, %mul3A_83 : i32
      %dma_start3A = arith.constant 0 : i32
      %dma_start3A_85 = tpu.memref_slice %arg5[%arg0, %mul3A_84, %dma_start3A] : memref<2x10000x128xf32, #tpu.memory_space<hbm>> -> memref<1x40x128xf32, #tpu.memory_space<hbm>>
      %dma_start3A_86 = tpu.memref_squeeze %dma_start3A_85 : memref<1x40x128xf32, #tpu.memory_space<hbm>> -> memref<40x128xf32, #tpu.memory_space<hbm>>
      %dma_start3A_87 = arith.constant 0 : i32
      %dma_start3A_88 = tpu.memref_slice %arg10[%mul3A_82, %dma_start3A_87] : memref<10000x128xf32, #tpu.memory_space<vmem_shared>> -> memref<40x128xf32, #tpu.memory_space<vmem_shared>>
      tpu.enqueue_dma source(%dma_start3A_88 : memref<40x128xf32, #tpu.memory_space<vmem_shared>>) target(%dma_start3A_86 : memref<40x128xf32, #tpu.memory_space<hbm>>) target_semaphore(%arg11 : memref<!tpu.dma_semaphore, #tpu.memory_space<semaphore_mem>>)
    }
    %while3A_60 = arith.constant 1 : i32
    scf.for %while3A_79 = %while3A_58 to %while3A_54 step %while3A_60  : i32 {
      %mul3A = arith.muli %while3A_79, %while3A_51 : i32
      %add3A_80 = arith.addi %arg1, %mul3A : i32
      %mul3A_81 = arith.constant 40 : i32
      %mul3A_82 = arith.muli %add3A_80, %mul3A_81 : i32
      %mul3A_83 = arith.constant 40 : i32
      %mul3A_84 = arith.muli %add3A_80, %mul3A_83 : i32
      %dma_start3A = arith.constant 0 : i32
      %dma_start3A_85 = tpu.memref_slice %arg5[%arg0, %mul3A_84, %dma_start3A] : memref<2x10000x128xf32, #tpu.memory_space<hbm>> -> memref<1x40x128xf32, #tpu.memory_space<hbm>>
      %dma_start3A_86 = tpu.memref_squeeze %dma_start3A_85 : memref<1x40x128xf32, #tpu.memory_space<hbm>> -> memref<40x128xf32, #tpu.memory_space<hbm>>
      %dma_start3A_87 = arith.constant 0 : i32
      %dma_start3A_88 = tpu.memref_slice %arg10[%mul3A_82, %dma_start3A_87] : memref<10000x128xf32, #tpu.memory_space<vmem_shared>> -> memref<40x128xf32, #tpu.memory_space<vmem_shared>>
      tpu.enqueue_dma source(%dma_start3A_88 : memref<40x128xf32, #tpu.memory_space<vmem_shared>>) target(%dma_start3A_86 : memref<40x128xf32, #tpu.memory_space<hbm>>) target_semaphore(%arg11 : memref<!tpu.dma_semaphore, #tpu.memory_space<semaphore_mem>>)
    }
    %sub3A_61 = arith.constant 250 : i32
    %sub3A_62 = arith.subi %sub3A_61, %arg1 : i32
    %sub3A_63 = arith.constant 16 : i32
    %sub3A_64 = arith.constant 1 : i32
    %sub3A_65 = arith.subi %sub3A_63, %sub3A_64 : i32
    %add3A_66 = arith.addi %sub3A_62, %sub3A_65 : i32
    %div3A_67 = arith.constant 16 : i32
    %div3A_68 = arith.divsi %add3A_66, %div3A_67 : i32
    %while3A_69 = arith.constant 16 : i32
    %while3A_70 = arith.constant 0 : i32
    %while3A_71 = arith.subi %div3A_68, %while3A_70 : i32
    %while3A_72 = arith.addi %while3A_70, %while3A_71 : i32
    %while3A_73 = arith.constant 1 : i32
    %while3A_74 = arith.divsi %while3A_71, %while3A_73 : i32
    %while3A_75 = arith.muli %while3A_74, %while3A_73 : i32
    %while3A_76 = arith.addi %while3A_70, %while3A_75 : i32
    %while3A_77 = arith.constant 1 : i32
    scf.for %while3A_79 = %while3A_70 to %while3A_76 step %while3A_77  : i32 {
      %mul3A = arith.muli %while3A_79, %while3A_69 : i32
      %add3A_80 = arith.addi %arg1, %mul3A : i32
      %mul3A_81 = arith.constant 40 : i32
      %mul3A_82 = arith.muli %add3A_80, %mul3A_81 : i32
      %mul3A_83 = arith.constant 40 : i32
      %mul3A_84 = arith.muli %add3A_80, %mul3A_83 : i32
      %dma_wait3A = arith.constant 0 : i32
      %dma_wait3A_85 = tpu.memref_slice %arg5[%arg0, %mul3A_84, %dma_wait3A] : memref<2x10000x128xf32, #tpu.memory_space<hbm>> -> memref<1x40x128xf32, #tpu.memory_space<hbm>>
      %dma_wait3A_86 = tpu.memref_squeeze %dma_wait3A_85 : memref<1x40x128xf32, #tpu.memory_space<hbm>> -> memref<40x128xf32, #tpu.memory_space<hbm>>
      %dma_wait3A_87 = arith.constant 0 : i32
      %dma_wait3A_88 = tpu.memref_slice %arg10[%mul3A_82, %dma_wait3A_87] : memref<10000x128xf32, #tpu.memory_space<vmem_shared>> -> memref<40x128xf32, #tpu.memory_space<vmem_shared>>
      tpu.wait_dma2 semaphore(%arg11 : memref<!tpu.dma_semaphore, #tpu.memory_space<semaphore_mem>>) src(%dma_wait3A_88 : memref<40x128xf32, #tpu.memory_space<vmem_shared>>) dst(%dma_wait3A_86 : memref<40x128xf32, #tpu.memory_space<hbm>>)
    }
    %while3A_78 = arith.constant 1 : i32
    scf.for %while3A_79 = %while3A_76 to %while3A_72 step %while3A_78  : i32 {
      %mul3A = arith.muli %while3A_79, %while3A_69 : i32
      %add3A_80 = arith.addi %arg1, %mul3A : i32
      %mul3A_81 = arith.constant 40 : i32
      %mul3A_82 = arith.muli %add3A_80, %mul3A_81 : i32
      %mul3A_83 = arith.constant 40 : i32
      %mul3A_84 = arith.muli %add3A_80, %mul3A_83 : i32
      %dma_wait3A = arith.constant 0 : i32
      %dma_wait3A_85 = tpu.memref_slice %arg5[%arg0, %mul3A_84, %dma_wait3A] : memref<2x10000x128xf32, #tpu.memory_space<hbm>> -> memref<1x40x128xf32, #tpu.memory_space<hbm>>
      %dma_wait3A_86 = tpu.memref_squeeze %dma_wait3A_85 : memref<1x40x128xf32, #tpu.memory_space<hbm>> -> memref<40x128xf32, #tpu.memory_space<hbm>>
      %dma_wait3A_87 = arith.constant 0 : i32
      %dma_wait3A_88 = tpu.memref_slice %arg10[%mul3A_82, %dma_wait3A_87] : memref<10000x128xf32, #tpu.memory_space<vmem_shared>> -> memref<40x128xf32, #tpu.memory_space<vmem_shared>>
      tpu.wait_dma2 semaphore(%arg11 : memref<!tpu.dma_semaphore, #tpu.memory_space<semaphore_mem>>) src(%dma_wait3A_88 : memref<40x128xf32, #tpu.memory_space<vmem_shared>>) dst(%dma_wait3A_86 : memref<40x128xf32, #tpu.memory_space<hbm>>)
    }
    return
  }
}

#map = affine_map<(d0, d1) -> (0, 0)>
#map1 = affine_map<(d0, d1) -> (0, 0, 0, 0, 0)>
#map2 = affine_map<(d0, d1) -> (0, 0, 0)>
module attributes {stable_mosaic.version = 14 : i64} {
  func.func @_sc_user(%arg0: i32, %arg1: i32, %arg2: memref<10000x128xf32, #tpu.memory_space<hbm>>, %arg3: memref<2x16x1x125x40xi32, #tpu.memory_space<hbm>>, %arg4: memref<2x16x1x125x40xi32, #tpu.memory_space<hbm>>, %arg5: memref<2x16x1x125x40xf32, #tpu.memory_space<hbm>>, %arg6: memref<2x8000x128xf32, #tpu.memory_space<hbm>>, %arg7: memref<125x40xi32, #tpu.memory_space<vmem>>, %arg8: memref<125x40xi32, #tpu.memory_space<vmem>>, %arg9: memref<125x40xf32, #tpu.memory_space<vmem>>, %arg10: memref<40x128xf32, #tpu.memory_space<vmem>>, %arg11: memref<40x128xf32, #tpu.memory_space<vmem>>, %arg12: memref<8000x128xf32, #tpu.memory_space<vmem_shared>>, %arg13: memref<!tpu.dma_semaphore, #tpu.memory_space<semaphore_mem>>, %arg14: memref<!tpu.dma_semaphore, #tpu.memory_space<semaphore_mem>>, %arg15: memref<!tpu.dma_semaphore, #tpu.memory_space<semaphore_mem>>, %arg16: memref<!tpu.dma_semaphore, #tpu.memory_space<semaphore_mem>>) attributes {dimension_semantics = [#tpu.dimension_semantics<core_parallel>, #tpu.dimension_semantics<subcore_parallel>], iteration_bounds = array<i64: 2, 16>, scalar_prefetch = 0 : i64, scratch_operands = 10 : i64, tpu.core_type = #tpu.core_type<sc_vector_subcore>, window_params = [{transform_indices = #map}, {transform_indices = #map1}, {transform_indices = #map1}, {transform_indices = #map1}, {transform_indices = #map2}]} {
    %broadcast_in_dim3A = arith.constant 0.000000e+00 : f32
    %broadcast_in_dim3A_0 = vector.broadcast %broadcast_in_dim3A : f32 to vector<16xf32>
    %scan3A = arith.constant 0 : i32
    %scan3A_1 = arith.constant 40 : i32
    %scan3A_2 = arith.addi %scan3A, %scan3A_1 : i32
    %scan3A_3 = arith.constant 1 : i32
    scf.for %scan3A_131 = %scan3A to %scan3A_2 step %scan3A_3  : i32 {
      %mul3A_132 = arith.constant 1 : i32
      %mul3A_133 = arith.muli %scan3A_131, %mul3A_132 : i32
      %add3A_134 = arith.constant 0 : i32
      %add3A_135 = arith.addi %add3A_134, %mul3A_133 : i32
      %swap3A = arith.index_cast %add3A_135 : i32 to index
      %swap3A_136 = arith.constant 0 : index
      %swap3A_137 = tpu.vector_load %arg10[%swap3A, %swap3A_136] {strides = array<i32>} : memref<40x128xf32, #tpu.memory_space<vmem>>, vector<16xf32>,
      tpu.vector_store %arg10[%swap3A, %swap3A_136], %broadcast_in_dim3A_0 {strides = array<i32>} : memref<40x128xf32, #tpu.memory_space<vmem>>, vector<16xf32>,
      %swap3A_138 = arith.index_cast %add3A_135 : i32 to index
      %swap3A_139 = arith.constant 16 : index
      %swap3A_140 = tpu.vector_load %arg10[%swap3A_138, %swap3A_139] {strides = array<i32>} : memref<40x128xf32, #tpu.memory_space<vmem>>, vector<16xf32>,
      tpu.vector_store %arg10[%swap3A_138, %swap3A_139], %broadcast_in_dim3A_0 {strides = array<i32>} : memref<40x128xf32, #tpu.memory_space<vmem>>, vector<16xf32>,
      %swap3A_141 = arith.index_cast %add3A_135 : i32 to index
      %swap3A_142 = arith.constant 32 : index
      %swap3A_143 = tpu.vector_load %arg10[%swap3A_141, %swap3A_142] {strides = array<i32>} : memref<40x128xf32, #tpu.memory_space<vmem>>, vector<16xf32>,
      tpu.vector_store %arg10[%swap3A_141, %swap3A_142], %broadcast_in_dim3A_0 {strides = array<i32>} : memref<40x128xf32, #tpu.memory_space<vmem>>, vector<16xf32>,
      %swap3A_144 = arith.index_cast %add3A_135 : i32 to index
      %swap3A_145 = arith.constant 48 : index
      %swap3A_146 = tpu.vector_load %arg10[%swap3A_144, %swap3A_145] {strides = array<i32>} : memref<40x128xf32, #tpu.memory_space<vmem>>, vector<16xf32>,
      tpu.vector_store %arg10[%swap3A_144, %swap3A_145], %broadcast_in_dim3A_0 {strides = array<i32>} : memref<40x128xf32, #tpu.memory_space<vmem>>, vector<16xf32>,
      %swap3A_147 = arith.index_cast %add3A_135 : i32 to index
      %swap3A_148 = arith.constant 64 : index
      %swap3A_149 = tpu.vector_load %arg10[%swap3A_147, %swap3A_148] {strides = array<i32>} : memref<40x128xf32, #tpu.memory_space<vmem>>, vector<16xf32>,
      tpu.vector_store %arg10[%swap3A_147, %swap3A_148], %broadcast_in_dim3A_0 {strides = array<i32>} : memref<40x128xf32, #tpu.memory_space<vmem>>, vector<16xf32>,
      %swap3A_150 = arith.index_cast %add3A_135 : i32 to index
      %swap3A_151 = arith.constant 80 : index
      %swap3A_152 = tpu.vector_load %arg10[%swap3A_150, %swap3A_151] {strides = array<i32>} : memref<40x128xf32, #tpu.memory_space<vmem>>, vector<16xf32>,
      tpu.vector_store %arg10[%swap3A_150, %swap3A_151], %broadcast_in_dim3A_0 {strides = array<i32>} : memref<40x128xf32, #tpu.memory_space<vmem>>, vector<16xf32>,
      %swap3A_153 = arith.index_cast %add3A_135 : i32 to index
      %swap3A_154 = arith.constant 96 : index
      %swap3A_155 = tpu.vector_load %arg10[%swap3A_153, %swap3A_154] {strides = array<i32>} : memref<40x128xf32, #tpu.memory_space<vmem>>, vector<16xf32>,
      tpu.vector_store %arg10[%swap3A_153, %swap3A_154], %broadcast_in_dim3A_0 {strides = array<i32>} : memref<40x128xf32, #tpu.memory_space<vmem>>, vector<16xf32>,
      %swap3A_156 = arith.index_cast %add3A_135 : i32 to index
      %swap3A_157 = arith.constant 112 : index
      %swap3A_158 = tpu.vector_load %arg10[%swap3A_156, %swap3A_157] {strides = array<i32>} : memref<40x128xf32, #tpu.memory_space<vmem>>, vector<16xf32>,
      tpu.vector_store %arg10[%swap3A_156, %swap3A_157], %broadcast_in_dim3A_0 {strides = array<i32>} : memref<40x128xf32, #tpu.memory_space<vmem>>, vector<16xf32>,
    }
    %scan3A_4 = arith.constant 40 : i32
    %sub3A = arith.constant 200 : i32
    %sub3A_5 = arith.subi %sub3A, %arg1 : i32
    %sub3A_6 = arith.constant 16 : i32
    %sub3A_7 = arith.constant 1 : i32
    %sub3A_8 = arith.subi %sub3A_6, %sub3A_7 : i32
    %add3A = arith.addi %sub3A_5, %sub3A_8 : i32
    %div3A = arith.constant 16 : i32
    %div3A_9 = arith.divsi %add3A, %div3A : i32
    %while3A = arith.constant 16 : i32
    %while3A_10 = arith.constant 0 : i32
    %while3A_11 = arith.subi %div3A_9, %while3A_10 : i32
    %while3A_12 = arith.addi %while3A_10, %while3A_11 : i32
    %while3A_13 = arith.constant 1 : i32
    %while3A_14 = arith.divsi %while3A_11, %while3A_13 : i32
    %while3A_15 = arith.muli %while3A_14, %while3A_13 : i32
    %while3A_16 = arith.addi %while3A_10, %while3A_15 : i32
    %while3A_17 = arith.constant 1 : i32
    scf.for %while3A_131 = %while3A_10 to %while3A_16 step %while3A_17  : i32 {
      %mul3A_132 = arith.muli %while3A_131, %while3A : i32
      %add3A_133 = arith.addi %arg1, %mul3A_132 : i32
      %mul3A_134 = arith.constant 40 : i32
      %mul3A_135 = arith.muli %add3A_133, %mul3A_134 : i32
      %dma_start3A_136 = arith.constant 0 : i32
      %dma_start3A_137 = tpu.memref_slice %arg12[%mul3A_135, %dma_start3A_136] : memref<8000x128xf32, #tpu.memory_space<vmem_shared>> -> memref<40x128xf32, #tpu.memory_space<vmem_shared>>
      %dma_start3A_138 = arith.constant 0 : i32
      %dma_start3A_139 = tpu.memref_slice %arg12[%mul3A_135, %dma_start3A_138] : memref<8000x128xf32, #tpu.memory_space<vmem_shared>> -> memref<40x128xf32, #tpu.memory_space<vmem_shared>>
      tpu.enqueue_dma source(%arg10 : memref<40x128xf32, #tpu.memory_space<vmem>>) target(%dma_start3A_139 : memref<40x128xf32, #tpu.memory_space<vmem_shared>>) target_semaphore(%arg13 : memref<!tpu.dma_semaphore, #tpu.memory_space<semaphore_mem>>)
    }
    %while3A_18 = arith.constant 1 : i32
    scf.for %while3A_131 = %while3A_16 to %while3A_12 step %while3A_18  : i32 {
      %mul3A_132 = arith.muli %while3A_131, %while3A : i32
      %add3A_133 = arith.addi %arg1, %mul3A_132 : i32
      %mul3A_134 = arith.constant 40 : i32
      %mul3A_135 = arith.muli %add3A_133, %mul3A_134 : i32
      %dma_start3A_136 = arith.constant 0 : i32
      %dma_start3A_137 = tpu.memref_slice %arg12[%mul3A_135, %dma_start3A_136] : memref<8000x128xf32, #tpu.memory_space<vmem_shared>> -> memref<40x128xf32, #tpu.memory_space<vmem_shared>>
      %dma_start3A_138 = arith.constant 0 : i32
      %dma_start3A_139 = tpu.memref_slice %arg12[%mul3A_135, %dma_start3A_138] : memref<8000x128xf32, #tpu.memory_space<vmem_shared>> -> memref<40x128xf32, #tpu.memory_space<vmem_shared>>
      tpu.enqueue_dma source(%arg10 : memref<40x128xf32, #tpu.memory_space<vmem>>) target(%dma_start3A_139 : memref<40x128xf32, #tpu.memory_space<vmem_shared>>) target_semaphore(%arg13 : memref<!tpu.dma_semaphore, #tpu.memory_space<semaphore_mem>>)
    }
    %sub3A_19 = arith.constant 200 : i32
    %sub3A_20 = arith.subi %sub3A_19, %arg1 : i32
    %sub3A_21 = arith.constant 16 : i32
    %sub3A_22 = arith.constant 1 : i32
    %sub3A_23 = arith.subi %sub3A_21, %sub3A_22 : i32
    %add3A_24 = arith.addi %sub3A_20, %sub3A_23 : i32
    %div3A_25 = arith.constant 16 : i32
    %div3A_26 = arith.divsi %add3A_24, %div3A_25 : i32
    %while3A_27 = arith.constant 16 : i32
    %while3A_28 = arith.constant 0 : i32
    %while3A_29 = arith.subi %div3A_26, %while3A_28 : i32
    %while3A_30 = arith.addi %while3A_28, %while3A_29 : i32
    %while3A_31 = arith.constant 1 : i32
    %while3A_32 = arith.divsi %while3A_29, %while3A_31 : i32
    %while3A_33 = arith.muli %while3A_32, %while3A_31 : i32
    %while3A_34 = arith.addi %while3A_28, %while3A_33 : i32
    %while3A_35 = arith.constant 1 : i32
    scf.for %while3A_131 = %while3A_28 to %while3A_34 step %while3A_35  : i32 {
      %mul3A_132 = arith.muli %while3A_131, %while3A_27 : i32
      %add3A_133 = arith.addi %arg1, %mul3A_132 : i32
      %mul3A_134 = arith.constant 40 : i32
      %mul3A_135 = arith.muli %add3A_133, %mul3A_134 : i32
      %dma_wait3A_136 = arith.constant 0 : i32
      %dma_wait3A_137 = tpu.memref_slice %arg12[%mul3A_135, %dma_wait3A_136] : memref<8000x128xf32, #tpu.memory_space<vmem_shared>> -> memref<40x128xf32, #tpu.memory_space<vmem_shared>>
      %dma_wait3A_138 = arith.constant 0 : i32
      %dma_wait3A_139 = tpu.memref_slice %arg12[%mul3A_135, %dma_wait3A_138] : memref<8000x128xf32, #tpu.memory_space<vmem_shared>> -> memref<40x128xf32, #tpu.memory_space<vmem_shared>>
      tpu.wait_dma2 semaphore(%arg13 : memref<!tpu.dma_semaphore, #tpu.memory_space<semaphore_mem>>) src(%arg10 : memref<40x128xf32, #tpu.memory_space<vmem>>) dst(%dma_wait3A_139 : memref<40x128xf32, #tpu.memory_space<vmem_shared>>)
    }
    %while3A_36 = arith.constant 1 : i32
    scf.for %while3A_131 = %while3A_34 to %while3A_30 step %while3A_36  : i32 {
      %mul3A_132 = arith.muli %while3A_131, %while3A_27 : i32
      %add3A_133 = arith.addi %arg1, %mul3A_132 : i32
      %mul3A_134 = arith.constant 40 : i32
      %mul3A_135 = arith.muli %add3A_133, %mul3A_134 : i32
      %dma_wait3A_136 = arith.constant 0 : i32
      %dma_wait3A_137 = tpu.memref_slice %arg12[%mul3A_135, %dma_wait3A_136] : memref<8000x128xf32, #tpu.memory_space<vmem_shared>> -> memref<40x128xf32, #tpu.memory_space<vmem_shared>>
      %dma_wait3A_138 = arith.constant 0 : i32
      %dma_wait3A_139 = tpu.memref_slice %arg12[%mul3A_135, %dma_wait3A_138] : memref<8000x128xf32, #tpu.memory_space<vmem_shared>> -> memref<40x128xf32, #tpu.memory_space<vmem_shared>>
      tpu.wait_dma2 semaphore(%arg13 : memref<!tpu.dma_semaphore, #tpu.memory_space<semaphore_mem>>) src(%arg10 : memref<40x128xf32, #tpu.memory_space<vmem>>) dst(%dma_wait3A_139 : memref<40x128xf32, #tpu.memory_space<vmem_shared>>)
    }
    %barrier3A = arith.constant 0 : index
    tpu.barrier barrier_id(%barrier3A)
    %scan3A_37 = arith.constant 0 : i32
    %mul3A = arith.constant 1 : i32
    %mul3A_38 = arith.muli %scan3A_37, %mul3A : i32
    %add3A_39 = arith.constant 0 : i32
    %add3A_40 = arith.addi %add3A_39, %mul3A_38 : i32
    "tpu.region"() ({
      %run_scoped3A = tpu.sem_alloc : memref<!tpu.dma_semaphore, #tpu.memory_space<semaphore_mem>>
      %dma_start3A_131 = arith.constant 0 : i32
      %dma_start3A_132 = arith.constant 0 : i32
      %dma_start3A_133 = tpu.memref_slice %arg4[%arg0, %arg1, %add3A_40, %dma_start3A_131, %dma_start3A_132] : memref<2x16x1x125x40xi32, #tpu.memory_space<hbm>> -> memref<1x1x1x125x40xi32, #tpu.memory_space<hbm>>
      %dma_start3A_134 = tpu.memref_squeeze %dma_start3A_133 : memref<1x1x1x125x40xi32, #tpu.memory_space<hbm>> -> memref<125x40xi32, #tpu.memory_space<hbm>>
      %dma_start3A_135 = arith.constant 0 : i32
      %dma_start3A_136 = arith.constant 0 : i32
      %dma_start3A_137 = tpu.memref_slice %arg4[%arg0, %arg1, %add3A_40, %dma_start3A_135, %dma_start3A_136] : memref<2x16x1x125x40xi32, #tpu.memory_space<hbm>> -> memref<1x1x1x125x40xi32, #tpu.memory_space<hbm>>
      %dma_start3A_138 = tpu.memref_squeeze %dma_start3A_137 : memref<1x1x1x125x40xi32, #tpu.memory_space<hbm>> -> memref<125x40xi32, #tpu.memory_space<hbm>>
      tpu.enqueue_dma source(%dma_start3A_138 : memref<125x40xi32, #tpu.memory_space<hbm>>) target(%arg7 : memref<125x40xi32, #tpu.memory_space<vmem>>) target_semaphore(%run_scoped3A : memref<!tpu.dma_semaphore, #tpu.memory_space<semaphore_mem>>)
      %dma_wait3A_139 = arith.constant 0 : i32
      %dma_wait3A_140 = arith.constant 0 : i32
      %dma_wait3A_141 = tpu.memref_slice %arg4[%arg0, %arg1, %add3A_40, %dma_wait3A_139, %dma_wait3A_140] : memref<2x16x1x125x40xi32, #tpu.memory_space<hbm>> -> memref<1x1x1x125x40xi32, #tpu.memory_space<hbm>>
      %dma_wait3A_142 = tpu.memref_squeeze %dma_wait3A_141 : memref<1x1x1x125x40xi32, #tpu.memory_space<hbm>> -> memref<125x40xi32, #tpu.memory_space<hbm>>
      %dma_wait3A_143 = arith.constant 0 : i32
      %dma_wait3A_144 = arith.constant 0 : i32
      %dma_wait3A_145 = tpu.memref_slice %arg4[%arg0, %arg1, %add3A_40, %dma_wait3A_143, %dma_wait3A_144] : memref<2x16x1x125x40xi32, #tpu.memory_space<hbm>> -> memref<1x1x1x125x40xi32, #tpu.memory_space<hbm>>
      %dma_wait3A_146 = tpu.memref_squeeze %dma_wait3A_145 : memref<1x1x1x125x40xi32, #tpu.memory_space<hbm>> -> memref<125x40xi32, #tpu.memory_space<hbm>>
      tpu.wait_dma2 semaphore(%run_scoped3A : memref<!tpu.dma_semaphore, #tpu.memory_space<semaphore_mem>>) src(%dma_wait3A_146 : memref<125x40xi32, #tpu.memory_space<hbm>>) dst(%arg7 : memref<125x40xi32, #tpu.memory_space<vmem>>)
      tpu.yield
    }) : () -> ()
    "tpu.region"() ({
      %run_scoped3A = tpu.sem_alloc : memref<!tpu.dma_semaphore, #tpu.memory_space<semaphore_mem>>
      %dma_start3A_131 = arith.constant 0 : i32
      %dma_start3A_132 = arith.constant 0 : i32
      %dma_start3A_133 = tpu.memref_slice %arg3[%arg0, %arg1, %add3A_40, %dma_start3A_131, %dma_start3A_132] : memref<2x16x1x125x40xi32, #tpu.memory_space<hbm>> -> memref<1x1x1x125x40xi32, #tpu.memory_space<hbm>>
      %dma_start3A_134 = tpu.memref_squeeze %dma_start3A_133 : memref<1x1x1x125x40xi32, #tpu.memory_space<hbm>> -> memref<125x40xi32, #tpu.memory_space<hbm>>
      %dma_start3A_135 = arith.constant 0 : i32
      %dma_start3A_136 = arith.constant 0 : i32
      %dma_start3A_137 = tpu.memref_slice %arg3[%arg0, %arg1, %add3A_40, %dma_start3A_135, %dma_start3A_136] : memref<2x16x1x125x40xi32, #tpu.memory_space<hbm>> -> memref<1x1x1x125x40xi32, #tpu.memory_space<hbm>>
      %dma_start3A_138 = tpu.memref_squeeze %dma_start3A_137 : memref<1x1x1x125x40xi32, #tpu.memory_space<hbm>> -> memref<125x40xi32, #tpu.memory_space<hbm>>
      tpu.enqueue_dma source(%dma_start3A_138 : memref<125x40xi32, #tpu.memory_space<hbm>>) target(%arg8 : memref<125x40xi32, #tpu.memory_space<vmem>>) target_semaphore(%run_scoped3A : memref<!tpu.dma_semaphore, #tpu.memory_space<semaphore_mem>>)
      %dma_wait3A_139 = arith.constant 0 : i32
      %dma_wait3A_140 = arith.constant 0 : i32
      %dma_wait3A_141 = tpu.memref_slice %arg3[%arg0, %arg1, %add3A_40, %dma_wait3A_139, %dma_wait3A_140] : memref<2x16x1x125x40xi32, #tpu.memory_space<hbm>> -> memref<1x1x1x125x40xi32, #tpu.memory_space<hbm>>
      %dma_wait3A_142 = tpu.memref_squeeze %dma_wait3A_141 : memref<1x1x1x125x40xi32, #tpu.memory_space<hbm>> -> memref<125x40xi32, #tpu.memory_space<hbm>>
      %dma_wait3A_143 = arith.constant 0 : i32
      %dma_wait3A_144 = arith.constant 0 : i32
      %dma_wait3A_145 = tpu.memref_slice %arg3[%arg0, %arg1, %add3A_40, %dma_wait3A_143, %dma_wait3A_144] : memref<2x16x1x125x40xi32, #tpu.memory_space<hbm>> -> memref<1x1x1x125x40xi32, #tpu.memory_space<hbm>>
      %dma_wait3A_146 = tpu.memref_squeeze %dma_wait3A_145 : memref<1x1x1x125x40xi32, #tpu.memory_space<hbm>> -> memref<125x40xi32, #tpu.memory_space<hbm>>
      tpu.wait_dma2 semaphore(%run_scoped3A : memref<!tpu.dma_semaphore, #tpu.memory_space<semaphore_mem>>) src(%dma_wait3A_146 : memref<125x40xi32, #tpu.memory_space<hbm>>) dst(%arg8 : memref<125x40xi32, #tpu.memory_space<vmem>>)
      tpu.yield
    }) : () -> ()
    "tpu.region"() ({
      %run_scoped3A = tpu.sem_alloc : memref<!tpu.dma_semaphore, #tpu.memory_space<semaphore_mem>>
      %dma_start3A_131 = arith.constant 0 : i32
      %dma_start3A_132 = arith.constant 0 : i32
      %dma_start3A_133 = tpu.memref_slice %arg5[%arg0, %arg1, %add3A_40, %dma_start3A_131, %dma_start3A_132] : memref<2x16x1x125x40xf32, #tpu.memory_space<hbm>> -> memref<1x1x1x125x40xf32, #tpu.memory_space<hbm>>
      %dma_start3A_134 = tpu.memref_squeeze %dma_start3A_133 : memref<1x1x1x125x40xf32, #tpu.memory_space<hbm>> -> memref<125x40xf32, #tpu.memory_space<hbm>>
      %dma_start3A_135 = arith.constant 0 : i32
      %dma_start3A_136 = arith.constant 0 : i32
      %dma_start3A_137 = tpu.memref_slice %arg5[%arg0, %arg1, %add3A_40, %dma_start3A_135, %dma_start3A_136] : memref<2x16x1x125x40xf32, #tpu.memory_space<hbm>> -> memref<1x1x1x125x40xf32, #tpu.memory_space<hbm>>
      %dma_start3A_138 = tpu.memref_squeeze %dma_start3A_137 : memref<1x1x1x125x40xf32, #tpu.memory_space<hbm>> -> memref<125x40xf32, #tpu.memory_space<hbm>>
      tpu.enqueue_dma source(%dma_start3A_138 : memref<125x40xf32, #tpu.memory_space<hbm>>) target(%arg9 : memref<125x40xf32, #tpu.memory_space<vmem>>) target_semaphore(%run_scoped3A : memref<!tpu.dma_semaphore, #tpu.memory_space<semaphore_mem>>)
      %dma_wait3A_139 = arith.constant 0 : i32
      %dma_wait3A_140 = arith.constant 0 : i32
      %dma_wait3A_141 = tpu.memref_slice %arg5[%arg0, %arg1, %add3A_40, %dma_wait3A_139, %dma_wait3A_140] : memref<2x16x1x125x40xf32, #tpu.memory_space<hbm>> -> memref<1x1x1x125x40xf32, #tpu.memory_space<hbm>>
      %dma_wait3A_142 = tpu.memref_squeeze %dma_wait3A_141 : memref<1x1x1x125x40xf32, #tpu.memory_space<hbm>> -> memref<125x40xf32, #tpu.memory_space<hbm>>
      %dma_wait3A_143 = arith.constant 0 : i32
      %dma_wait3A_144 = arith.constant 0 : i32
      %dma_wait3A_145 = tpu.memref_slice %arg5[%arg0, %arg1, %add3A_40, %dma_wait3A_143, %dma_wait3A_144] : memref<2x16x1x125x40xf32, #tpu.memory_space<hbm>> -> memref<1x1x1x125x40xf32, #tpu.memory_space<hbm>>
      %dma_wait3A_146 = tpu.memref_squeeze %dma_wait3A_145 : memref<1x1x1x125x40xf32, #tpu.memory_space<hbm>> -> memref<125x40xf32, #tpu.memory_space<hbm>>
      tpu.wait_dma2 semaphore(%run_scoped3A : memref<!tpu.dma_semaphore, #tpu.memory_space<semaphore_mem>>) src(%dma_wait3A_146 : memref<125x40xf32, #tpu.memory_space<hbm>>) dst(%arg9 : memref<125x40xf32, #tpu.memory_space<vmem>>)
      tpu.yield
    }) : () -> ()
    %dma_start3A = arith.constant 0 : i32
    %dma_start3A_41 = arith.constant 0 : i32
    %dma_start3A_42 = tpu.memref_slice %arg7[%dma_start3A, %dma_start3A_41] : memref<125x40xi32, #tpu.memory_space<vmem>> -> memref<1x40xi32, #tpu.memory_space<vmem>>
    %dma_start3A_43 = tpu.memref_squeeze %dma_start3A_42 : memref<1x40xi32, #tpu.memory_space<vmem>> -> memref<40xi32, #tpu.memory_space<vmem>>
    %dma_start3A_44 = arith.constant 0 : i32
    %dma_start3A_45 = arith.constant 0 : i32
    %dma_start3A_46 = tpu.memref_slice %arg2[%dma_start3A_44, %dma_start3A_45] : memref<10000x128xf32, #tpu.memory_space<hbm>> -> memref<10000x128xf32, #tpu.memory_space<hbm>>
    tpu.enqueue_indirect_dma source(%dma_start3A_46 : memref<10000x128xf32, #tpu.memory_space<hbm>>) target(%arg10 : memref<40x128xf32, #tpu.memory_space<vmem>>) offsets(%dma_start3A_43 : memref<40xi32, #tpu.memory_space<vmem>>) semaphore(%arg13 : memref<!tpu.dma_semaphore, #tpu.memory_space<semaphore_mem>>)
    %dma_start3A_47 = arith.constant 1 : i32
    %dma_start3A_48 = arith.constant 0 : i32
    %dma_start3A_49 = tpu.memref_slice %arg7[%dma_start3A_47, %dma_start3A_48] : memref<125x40xi32, #tpu.memory_space<vmem>> -> memref<1x40xi32, #tpu.memory_space<vmem>>
    %dma_start3A_50 = tpu.memref_squeeze %dma_start3A_49 : memref<1x40xi32, #tpu.memory_space<vmem>> -> memref<40xi32, #tpu.memory_space<vmem>>
    %dma_start3A_51 = arith.constant 0 : i32
    %dma_start3A_52 = arith.constant 0 : i32
    %dma_start3A_53 = tpu.memref_slice %arg2[%dma_start3A_51, %dma_start3A_52] : memref<10000x128xf32, #tpu.memory_space<hbm>> -> memref<10000x128xf32, #tpu.memory_space<hbm>>
    tpu.enqueue_indirect_dma source(%dma_start3A_53 : memref<10000x128xf32, #tpu.memory_space<hbm>>) target(%arg11 : memref<40x128xf32, #tpu.memory_space<vmem>>) offsets(%dma_start3A_50 : memref<40xi32, #tpu.memory_space<vmem>>) semaphore(%arg14 : memref<!tpu.dma_semaphore, #tpu.memory_space<semaphore_mem>>)
    %scan3A_54 = arith.constant 0 : i32
    %scan3A_55 = arith.constant 62 : i32
    %scan3A_56 = arith.addi %scan3A_54, %scan3A_55 : i32
    %scan3A_57 = arith.constant 1 : i32
    scf.for %scan3A_131 = %scan3A_54 to %scan3A_56 step %scan3A_57  : i32 {
      %mul3A_132 = arith.constant 2 : i32
      %mul3A_133 = arith.muli %scan3A_131, %mul3A_132 : i32
      %add3A_134 = arith.constant 0 : i32
      %add3A_135 = arith.addi %add3A_134, %mul3A_133 : i32
      %dma_wait3A_136 = arith.constant 0 : i32
      %dma_wait3A_137 = tpu.memref_slice %arg7[%add3A_135, %dma_wait3A_136] : memref<125x40xi32, #tpu.memory_space<vmem>> -> memref<1x40xi32, #tpu.memory_space<vmem>>
      %dma_wait3A_138 = tpu.memref_squeeze %dma_wait3A_137 : memref<1x40xi32, #tpu.memory_space<vmem>> -> memref<40xi32, #tpu.memory_space<vmem>>
      %dma_wait3A_139 = arith.constant 0 : i32
      %dma_wait3A_140 = arith.constant 0 : i32
      %dma_wait3A_141 = tpu.memref_slice %arg2[%dma_wait3A_139, %dma_wait3A_140] : memref<10000x128xf32, #tpu.memory_space<hbm>> -> memref<10000x128xf32, #tpu.memory_space<hbm>>
      tpu.wait_indirect_dma semaphore(%arg13 : memref<!tpu.dma_semaphore, #tpu.memory_space<semaphore_mem>>) src(%dma_wait3A_141 : memref<10000x128xf32, #tpu.memory_space<hbm>>) dst(%arg10 : memref<40x128xf32, #tpu.memory_space<vmem>>)
      %broadcast_in_dim3A_142 = vector.broadcast %add3A_135 : i32 to vector<16xi32>
      %scan3A_143 = arith.constant 0 : i32
      %scan3A_144 = arith.constant 10 : i32
      %scan3A_145 = arith.addi %scan3A_143, %scan3A_144 : i32
      %scan3A_146 = arith.constant 1 : i32
      scf.for %scan3A_211 = %scan3A_143 to %scan3A_145 step %scan3A_146  : i32 {
        %mul3A_212 = arith.constant 4 : i32
        %mul3A_213 = arith.muli %scan3A_211, %mul3A_212 : i32
        %add3A_214 = arith.constant 0 : i32
        %add3A_215 = arith.addi %add3A_214, %mul3A_213 : i32
        %add3A_216 = arith.constant 0 : i32
        %add3A_217 = arith.addi %add3A_215, %add3A_216 : i32
        %broadcast_in_dim3A_218 = vector.broadcast %add3A_217 : i32 to vector<16xi32>
        %gather3A = tpu.vector_load_idx %arg9[%broadcast_in_dim3A_142, %broadcast_in_dim3A_218] : memref<125x40xf32, #tpu.memory_space<vmem>>[vector<16xi32>, vector<16xi32>], vector<16xf32>,
        %add3A_219 = arith.constant 1 : i32
        %add3A_220 = arith.addi %add3A_215, %add3A_219 : i32
        %broadcast_in_dim3A_221 = vector.broadcast %add3A_220 : i32 to vector<16xi32>
        %gather3A_222 = tpu.vector_load_idx %arg9[%broadcast_in_dim3A_142, %broadcast_in_dim3A_221] : memref<125x40xf32, #tpu.memory_space<vmem>>[vector<16xi32>, vector<16xi32>], vector<16xf32>,
        %add3A_223 = arith.constant 2 : i32
        %add3A_224 = arith.addi %add3A_215, %add3A_223 : i32
        %broadcast_in_dim3A_225 = vector.broadcast %add3A_224 : i32 to vector<16xi32>
        %gather3A_226 = tpu.vector_load_idx %arg9[%broadcast_in_dim3A_142, %broadcast_in_dim3A_225] : memref<125x40xf32, #tpu.memory_space<vmem>>[vector<16xi32>, vector<16xi32>], vector<16xf32>,
        %add3A_227 = arith.constant 3 : i32
        %add3A_228 = arith.addi %add3A_215, %add3A_227 : i32
        %broadcast_in_dim3A_229 = vector.broadcast %add3A_228 : i32 to vector<16xi32>
        %gather3A_230 = tpu.vector_load_idx %arg9[%broadcast_in_dim3A_142, %broadcast_in_dim3A_229] : memref<125x40xf32, #tpu.memory_space<vmem>>[vector<16xi32>, vector<16xi32>], vector<16xf32>,
        %add3A_231 = arith.constant 0 : i32
        %add3A_232 = arith.addi %add3A_215, %add3A_231 : i32
        %get3A = arith.index_cast %add3A_232 : i32 to index
        %get3A_233 = arith.constant 0 : index
        %get3A_234 = tpu.vector_load %arg10[%get3A, %get3A_233] {strides = array<i32>} : memref<40x128xf32, #tpu.memory_space<vmem>>, vector<16xf32>,
        %mul3A_235 = arith.mulf %get3A_234, %gather3A : vector<16xf32>
        %add3A_236 = arith.constant 0 : i32
        %add3A_237 = arith.addi %add3A_215, %add3A_236 : i32
        %swap3A = arith.index_cast %add3A_237 : i32 to index
        %swap3A_238 = arith.constant 0 : index
        %swap3A_239 = tpu.vector_load %arg10[%swap3A, %swap3A_238] {strides = array<i32>} : memref<40x128xf32, #tpu.memory_space<vmem>>, vector<16xf32>,
        tpu.vector_store %arg10[%swap3A, %swap3A_238], %mul3A_235 {strides = array<i32>} : memref<40x128xf32, #tpu.memory_space<vmem>>, vector<16xf32>,
        %add3A_240 = arith.constant 0 : i32
        %add3A_241 = arith.addi %add3A_215, %add3A_240 : i32
        %get3A_242 = arith.index_cast %add3A_241 : i32 to index
        %get3A_243 = arith.constant 16 : index
        %get3A_244 = tpu.vector_load %arg10[%get3A_242, %get3A_243] {strides = array<i32>} : memref<40x128xf32, #tpu.memory_space<vmem>>, vector<16xf32>,
        %mul3A_245 = arith.mulf %get3A_244, %gather3A : vector<16xf32>
        %add3A_246 = arith.constant 0 : i32
        %add3A_247 = arith.addi %add3A_215, %add3A_246 : i32
        %swap3A_248 = arith.index_cast %add3A_247 : i32 to index
        %swap3A_249 = arith.constant 16 : index
        %swap3A_250 = tpu.vector_load %arg10[%swap3A_248, %swap3A_249] {strides = array<i32>} : memref<40x128xf32, #tpu.memory_space<vmem>>, vector<16xf32>,
        tpu.vector_store %arg10[%swap3A_248, %swap3A_249], %mul3A_245 {strides = array<i32>} : memref<40x128xf32, #tpu.memory_space<vmem>>, vector<16xf32>,
        %add3A_251 = arith.constant 0 : i32
        %add3A_252 = arith.addi %add3A_215, %add3A_251 : i32
        %get3A_253 = arith.index_cast %add3A_252 : i32 to index
        %get3A_254 = arith.constant 32 : index
        %get3A_255 = tpu.vector_load %arg10[%get3A_253, %get3A_254] {strides = array<i32>} : memref<40x128xf32, #tpu.memory_space<vmem>>, vector<16xf32>,
        %mul3A_256 = arith.mulf %get3A_255, %gather3A : vector<16xf32>
        %add3A_257 = arith.constant 0 : i32
        %add3A_258 = arith.addi %add3A_215, %add3A_257 : i32
        %swap3A_259 = arith.index_cast %add3A_258 : i32 to index
        %swap3A_260 = arith.constant 32 : index
        %swap3A_261 = tpu.vector_load %arg10[%swap3A_259, %swap3A_260] {strides = array<i32>} : memref<40x128xf32, #tpu.memory_space<vmem>>, vector<16xf32>,
        tpu.vector_store %arg10[%swap3A_259, %swap3A_260], %mul3A_256 {strides = array<i32>} : memref<40x128xf32, #tpu.memory_space<vmem>>, vector<16xf32>,
        %add3A_262 = arith.constant 0 : i32
        %add3A_263 = arith.addi %add3A_215, %add3A_262 : i32
        %get3A_264 = arith.index_cast %add3A_263 : i32 to index
        %get3A_265 = arith.constant 48 : index
        %get3A_266 = tpu.vector_load %arg10[%get3A_264, %get3A_265] {strides = array<i32>} : memref<40x128xf32, #tpu.memory_space<vmem>>, vector<16xf32>,
        %mul3A_267 = arith.mulf %get3A_266, %gather3A : vector<16xf32>
        %add3A_268 = arith.constant 0 : i32
        %add3A_269 = arith.addi %add3A_215, %add3A_268 : i32
        %swap3A_270 = arith.index_cast %add3A_269 : i32 to index
        %swap3A_271 = arith.constant 48 : index
        %swap3A_272 = tpu.vector_load %arg10[%swap3A_270, %swap3A_271] {strides = array<i32>} : memref<40x128xf32, #tpu.memory_space<vmem>>, vector<16xf32>,
        tpu.vector_store %arg10[%swap3A_270, %swap3A_271], %mul3A_267 {strides = array<i32>} : memref<40x128xf32, #tpu.memory_space<vmem>>, vector<16xf32>,
        %add3A_273 = arith.constant 0 : i32
        %add3A_274 = arith.addi %add3A_215, %add3A_273 : i32
        %get3A_275 = arith.index_cast %add3A_274 : i32 to index
        %get3A_276 = arith.constant 64 : index
        %get3A_277 = tpu.vector_load %arg10[%get3A_275, %get3A_276] {strides = array<i32>} : memref<40x128xf32, #tpu.memory_space<vmem>>, vector<16xf32>,
        %mul3A_278 = arith.mulf %get3A_277, %gather3A : vector<16xf32>
        %add3A_279 = arith.constant 0 : i32
        %add3A_280 = arith.addi %add3A_215, %add3A_279 : i32
        %swap3A_281 = arith.index_cast %add3A_280 : i32 to index
        %swap3A_282 = arith.constant 64 : index
        %swap3A_283 = tpu.vector_load %arg10[%swap3A_281, %swap3A_282] {strides = array<i32>} : memref<40x128xf32, #tpu.memory_space<vmem>>, vector<16xf32>,
        tpu.vector_store %arg10[%swap3A_281, %swap3A_282], %mul3A_278 {strides = array<i32>} : memref<40x128xf32, #tpu.memory_space<vmem>>, vector<16xf32>,
        %add3A_284 = arith.constant 0 : i32
        %add3A_285 = arith.addi %add3A_215, %add3A_284 : i32
        %get3A_286 = arith.index_cast %add3A_285 : i32 to index
        %get3A_287 = arith.constant 80 : index
        %get3A_288 = tpu.vector_load %arg10[%get3A_286, %get3A_287] {strides = array<i32>} : memref<40x128xf32, #tpu.memory_space<vmem>>, vector<16xf32>,
        %mul3A_289 = arith.mulf %get3A_288, %gather3A : vector<16xf32>
        %add3A_290 = arith.constant 0 : i32
        %add3A_291 = arith.addi %add3A_215, %add3A_290 : i32
        %swap3A_292 = arith.index_cast %add3A_291 : i32 to index
        %swap3A_293 = arith.constant 80 : index
        %swap3A_294 = tpu.vector_load %arg10[%swap3A_292, %swap3A_293] {strides = array<i32>} : memref<40x128xf32, #tpu.memory_space<vmem>>, vector<16xf32>,
        tpu.vector_store %arg10[%swap3A_292, %swap3A_293], %mul3A_289 {strides = array<i32>} : memref<40x128xf32, #tpu.memory_space<vmem>>, vector<16xf32>,
        %add3A_295 = arith.constant 0 : i32
        %add3A_296 = arith.addi %add3A_215, %add3A_295 : i32
        %get3A_297 = arith.index_cast %add3A_296 : i32 to index
        %get3A_298 = arith.constant 96 : index
        %get3A_299 = tpu.vector_load %arg10[%get3A_297, %get3A_298] {strides = array<i32>} : memref<40x128xf32, #tpu.memory_space<vmem>>, vector<16xf32>,
        %mul3A_300 = arith.mulf %get3A_299, %gather3A : vector<16xf32>
        %add3A_301 = arith.constant 0 : i32
        %add3A_302 = arith.addi %add3A_215, %add3A_301 : i32
        %swap3A_303 = arith.index_cast %add3A_302 : i32 to index
        %swap3A_304 = arith.constant 96 : index
        %swap3A_305 = tpu.vector_load %arg10[%swap3A_303, %swap3A_304] {strides = array<i32>} : memref<40x128xf32, #tpu.memory_space<vmem>>, vector<16xf32>,
        tpu.vector_store %arg10[%swap3A_303, %swap3A_304], %mul3A_300 {strides = array<i32>} : memref<40x128xf32, #tpu.memory_space<vmem>>, vector<16xf32>,
        %add3A_306 = arith.constant 0 : i32
        %add3A_307 = arith.addi %add3A_215, %add3A_306 : i32
        %get3A_308 = arith.index_cast %add3A_307 : i32 to index
        %get3A_309 = arith.constant 112 : index
        %get3A_310 = tpu.vector_load %arg10[%get3A_308, %get3A_309] {strides = array<i32>} : memref<40x128xf32, #tpu.memory_space<vmem>>, vector<16xf32>,
        %mul3A_311 = arith.mulf %get3A_310, %gather3A : vector<16xf32>
        %add3A_312 = arith.constant 0 : i32
        %add3A_313 = arith.addi %add3A_215, %add3A_312 : i32
        %swap3A_314 = arith.index_cast %add3A_313 : i32 to index
        %swap3A_315 = arith.constant 112 : index
        %swap3A_316 = tpu.vector_load %arg10[%swap3A_314, %swap3A_315] {strides = array<i32>} : memref<40x128xf32, #tpu.memory_space<vmem>>, vector<16xf32>,
        tpu.vector_store %arg10[%swap3A_314, %swap3A_315], %mul3A_311 {strides = array<i32>} : memref<40x128xf32, #tpu.memory_space<vmem>>, vector<16xf32>,
        %add3A_317 = arith.constant 1 : i32
        %add3A_318 = arith.addi %add3A_215, %add3A_317 : i32
        %get3A_319 = arith.index_cast %add3A_318 : i32 to index
        %get3A_320 = arith.constant 0 : index
        %get3A_321 = tpu.vector_load %arg10[%get3A_319, %get3A_320] {strides = array<i32>} : memref<40x128xf32, #tpu.memory_space<vmem>>, vector<16xf32>,
        %mul3A_322 = arith.mulf %get3A_321, %gather3A_222 : vector<16xf32>
        %add3A_323 = arith.constant 1 : i32
        %add3A_324 = arith.addi %add3A_215, %add3A_323 : i32
        %swap3A_325 = arith.index_cast %add3A_324 : i32 to index
        %swap3A_326 = arith.constant 0 : index
        %swap3A_327 = tpu.vector_load %arg10[%swap3A_325, %swap3A_326] {strides = array<i32>} : memref<40x128xf32, #tpu.memory_space<vmem>>, vector<16xf32>,
        tpu.vector_store %arg10[%swap3A_325, %swap3A_326], %mul3A_322 {strides = array<i32>} : memref<40x128xf32, #tpu.memory_space<vmem>>, vector<16xf32>,
        %add3A_328 = arith.constant 1 : i32
        %add3A_329 = arith.addi %add3A_215, %add3A_328 : i32
        %get3A_330 = arith.index_cast %add3A_329 : i32 to index
        %get3A_331 = arith.constant 16 : index
        %get3A_332 = tpu.vector_load %arg10[%get3A_330, %get3A_331] {strides = array<i32>} : memref<40x128xf32, #tpu.memory_space<vmem>>, vector<16xf32>,
        %mul3A_333 = arith.mulf %get3A_332, %gather3A_222 : vector<16xf32>
        %add3A_334 = arith.constant 1 : i32
        %add3A_335 = arith.addi %add3A_215, %add3A_334 : i32
        %swap3A_336 = arith.index_cast %add3A_335 : i32 to index
        %swap3A_337 = arith.constant 16 : index
        %swap3A_338 = tpu.vector_load %arg10[%swap3A_336, %swap3A_337] {strides = array<i32>} : memref<40x128xf32, #tpu.memory_space<vmem>>, vector<16xf32>,
        tpu.vector_store %arg10[%swap3A_336, %swap3A_337], %mul3A_333 {strides = array<i32>} : memref<40x128xf32, #tpu.memory_space<vmem>>, vector<16xf32>,
        %add3A_339 = arith.constant 1 : i32
        %add3A_340 = arith.addi %add3A_215, %add3A_339 : i32
        %get3A_341 = arith.index_cast %add3A_340 : i32 to index
        %get3A_342 = arith.constant 32 : index
        %get3A_343 = tpu.vector_load %arg10[%get3A_341, %get3A_342] {strides = array<i32>} : memref<40x128xf32, #tpu.memory_space<vmem>>, vector<16xf32>,
        %mul3A_344 = arith.mulf %get3A_343, %gather3A_222 : vector<16xf32>
        %add3A_345 = arith.constant 1 : i32
        %add3A_346 = arith.addi %add3A_215, %add3A_345 : i32
        %swap3A_347 = arith.index_cast %add3A_346 : i32 to index
        %swap3A_348 = arith.constant 32 : index
        %swap3A_349 = tpu.vector_load %arg10[%swap3A_347, %swap3A_348] {strides = array<i32>} : memref<40x128xf32, #tpu.memory_space<vmem>>, vector<16xf32>,
        tpu.vector_store %arg10[%swap3A_347, %swap3A_348], %mul3A_344 {strides = array<i32>} : memref<40x128xf32, #tpu.memory_space<vmem>>, vector<16xf32>,
        %add3A_350 = arith.constant 1 : i32
        %add3A_351 = arith.addi %add3A_215, %add3A_350 : i32
        %get3A_352 = arith.index_cast %add3A_351 : i32 to index
        %get3A_353 = arith.constant 48 : index
        %get3A_354 = tpu.vector_load %arg10[%get3A_352, %get3A_353] {strides = array<i32>} : memref<40x128xf32, #tpu.memory_space<vmem>>, vector<16xf32>,
        %mul3A_355 = arith.mulf %get3A_354, %gather3A_222 : vector<16xf32>
        %add3A_356 = arith.constant 1 : i32
        %add3A_357 = arith.addi %add3A_215, %add3A_356 : i32
        %swap3A_358 = arith.index_cast %add3A_357 : i32 to index
        %swap3A_359 = arith.constant 48 : index
        %swap3A_360 = tpu.vector_load %arg10[%swap3A_358, %swap3A_359] {strides = array<i32>} : memref<40x128xf32, #tpu.memory_space<vmem>>, vector<16xf32>,
        tpu.vector_store %arg10[%swap3A_358, %swap3A_359], %mul3A_355 {strides = array<i32>} : memref<40x128xf32, #tpu.memory_space<vmem>>, vector<16xf32>,
        %add3A_361 = arith.constant 1 : i32
        %add3A_362 = arith.addi %add3A_215, %add3A_361 : i32
        %get3A_363 = arith.index_cast %add3A_362 : i32 to index
        %get3A_364 = arith.constant 64 : index
        %get3A_365 = tpu.vector_load %arg10[%get3A_363, %get3A_364] {strides = array<i32>} : memref<40x128xf32, #tpu.memory_space<vmem>>, vector<16xf32>,
        %mul3A_366 = arith.mulf %get3A_365, %gather3A_222 : vector<16xf32>
        %add3A_367 = arith.constant 1 : i32
        %add3A_368 = arith.addi %add3A_215, %add3A_367 : i32
        %swap3A_369 = arith.index_cast %add3A_368 : i32 to index
        %swap3A_370 = arith.constant 64 : index
        %swap3A_371 = tpu.vector_load %arg10[%swap3A_369, %swap3A_370] {strides = array<i32>} : memref<40x128xf32, #tpu.memory_space<vmem>>, vector<16xf32>,
        tpu.vector_store %arg10[%swap3A_369, %swap3A_370], %mul3A_366 {strides = array<i32>} : memref<40x128xf32, #tpu.memory_space<vmem>>, vector<16xf32>,
        %add3A_372 = arith.constant 1 : i32
        %add3A_373 = arith.addi %add3A_215, %add3A_372 : i32
        %get3A_374 = arith.index_cast %add3A_373 : i32 to index
        %get3A_375 = arith.constant 80 : index
        %get3A_376 = tpu.vector_load %arg10[%get3A_374, %get3A_375] {strides = array<i32>} : memref<40x128xf32, #tpu.memory_space<vmem>>, vector<16xf32>,
        %mul3A_377 = arith.mulf %get3A_376, %gather3A_222 : vector<16xf32>
        %add3A_378 = arith.constant 1 : i32
        %add3A_379 = arith.addi %add3A_215, %add3A_378 : i32
        %swap3A_380 = arith.index_cast %add3A_379 : i32 to index
        %swap3A_381 = arith.constant 80 : index
        %swap3A_382 = tpu.vector_load %arg10[%swap3A_380, %swap3A_381] {strides = array<i32>} : memref<40x128xf32, #tpu.memory_space<vmem>>, vector<16xf32>,
        tpu.vector_store %arg10[%swap3A_380, %swap3A_381], %mul3A_377 {strides = array<i32>} : memref<40x128xf32, #tpu.memory_space<vmem>>, vector<16xf32>,
        %add3A_383 = arith.constant 1 : i32
        %add3A_384 = arith.addi %add3A_215, %add3A_383 : i32
        %get3A_385 = arith.index_cast %add3A_384 : i32 to index
        %get3A_386 = arith.constant 96 : index
        %get3A_387 = tpu.vector_load %arg10[%get3A_385, %get3A_386] {strides = array<i32>} : memref<40x128xf32, #tpu.memory_space<vmem>>, vector<16xf32>,
        %mul3A_388 = arith.mulf %get3A_387, %gather3A_222 : vector<16xf32>
        %add3A_389 = arith.constant 1 : i32
        %add3A_390 = arith.addi %add3A_215, %add3A_389 : i32
        %swap3A_391 = arith.index_cast %add3A_390 : i32 to index
        %swap3A_392 = arith.constant 96 : index
        %swap3A_393 = tpu.vector_load %arg10[%swap3A_391, %swap3A_392] {strides = array<i32>} : memref<40x128xf32, #tpu.memory_space<vmem>>, vector<16xf32>,
        tpu.vector_store %arg10[%swap3A_391, %swap3A_392], %mul3A_388 {strides = array<i32>} : memref<40x128xf32, #tpu.memory_space<vmem>>, vector<16xf32>,
        %add3A_394 = arith.constant 1 : i32
        %add3A_395 = arith.addi %add3A_215, %add3A_394 : i32
        %get3A_396 = arith.index_cast %add3A_395 : i32 to index
        %get3A_397 = arith.constant 112 : index
        %get3A_398 = tpu.vector_load %arg10[%get3A_396, %get3A_397] {strides = array<i32>} : memref<40x128xf32, #tpu.memory_space<vmem>>, vector<16xf32>,
        %mul3A_399 = arith.mulf %get3A_398, %gather3A_222 : vector<16xf32>
        %add3A_400 = arith.constant 1 : i32
        %add3A_401 = arith.addi %add3A_215, %add3A_400 : i32
        %swap3A_402 = arith.index_cast %add3A_401 : i32 to index
        %swap3A_403 = arith.constant 112 : index
        %swap3A_404 = tpu.vector_load %arg10[%swap3A_402, %swap3A_403] {strides = array<i32>} : memref<40x128xf32, #tpu.memory_space<vmem>>, vector<16xf32>,
        tpu.vector_store %arg10[%swap3A_402, %swap3A_403], %mul3A_399 {strides = array<i32>} : memref<40x128xf32, #tpu.memory_space<vmem>>, vector<16xf32>,
        %add3A_405 = arith.constant 2 : i32
        %add3A_406 = arith.addi %add3A_215, %add3A_405 : i32
        %get3A_407 = arith.index_cast %add3A_406 : i32 to index
        %get3A_408 = arith.constant 0 : index
        %get3A_409 = tpu.vector_load %arg10[%get3A_407, %get3A_408] {strides = array<i32>} : memref<40x128xf32, #tpu.memory_space<vmem>>, vector<16xf32>,
        %mul3A_410 = arith.mulf %get3A_409, %gather3A_226 : vector<16xf32>
        %add3A_411 = arith.constant 2 : i32
        %add3A_412 = arith.addi %add3A_215, %add3A_411 : i32
        %swap3A_413 = arith.index_cast %add3A_412 : i32 to index
        %swap3A_414 = arith.constant 0 : index
        %swap3A_415 = tpu.vector_load %arg10[%swap3A_413, %swap3A_414] {strides = array<i32>} : memref<40x128xf32, #tpu.memory_space<vmem>>, vector<16xf32>,
        tpu.vector_store %arg10[%swap3A_413, %swap3A_414], %mul3A_410 {strides = array<i32>} : memref<40x128xf32, #tpu.memory_space<vmem>>, vector<16xf32>,
        %add3A_416 = arith.constant 2 : i32
        %add3A_417 = arith.addi %add3A_215, %add3A_416 : i32
        %get3A_418 = arith.index_cast %add3A_417 : i32 to index
        %get3A_419 = arith.constant 16 : index
        %get3A_420 = tpu.vector_load %arg10[%get3A_418, %get3A_419] {strides = array<i32>} : memref<40x128xf32, #tpu.memory_space<vmem>>, vector<16xf32>,
        %mul3A_421 = arith.mulf %get3A_420, %gather3A_226 : vector<16xf32>
        %add3A_422 = arith.constant 2 : i32
        %add3A_423 = arith.addi %add3A_215, %add3A_422 : i32
        %swap3A_424 = arith.index_cast %add3A_423 : i32 to index
        %swap3A_425 = arith.constant 16 : index
        %swap3A_426 = tpu.vector_load %arg10[%swap3A_424, %swap3A_425] {strides = array<i32>} : memref<40x128xf32, #tpu.memory_space<vmem>>, vector<16xf32>,
        tpu.vector_store %arg10[%swap3A_424, %swap3A_425], %mul3A_421 {strides = array<i32>} : memref<40x128xf32, #tpu.memory_space<vmem>>, vector<16xf32>,
        %add3A_427 = arith.constant 2 : i32
        %add3A_428 = arith.addi %add3A_215, %add3A_427 : i32
        %get3A_429 = arith.index_cast %add3A_428 : i32 to index
        %get3A_430 = arith.constant 32 : index
        %get3A_431 = tpu.vector_load %arg10[%get3A_429, %get3A_430] {strides = array<i32>} : memref<40x128xf32, #tpu.memory_space<vmem>>, vector<16xf32>,
        %mul3A_432 = arith.mulf %get3A_431, %gather3A_226 : vector<16xf32>
        %add3A_433 = arith.constant 2 : i32
        %add3A_434 = arith.addi %add3A_215, %add3A_433 : i32
        %swap3A_435 = arith.index_cast %add3A_434 : i32 to index
        %swap3A_436 = arith.constant 32 : index
        %swap3A_437 = tpu.vector_load %arg10[%swap3A_435, %swap3A_436] {strides = array<i32>} : memref<40x128xf32, #tpu.memory_space<vmem>>, vector<16xf32>,
        tpu.vector_store %arg10[%swap3A_435, %swap3A_436], %mul3A_432 {strides = array<i32>} : memref<40x128xf32, #tpu.memory_space<vmem>>, vector<16xf32>,
        %add3A_438 = arith.constant 2 : i32
        %add3A_439 = arith.addi %add3A_215, %add3A_438 : i32
        %get3A_440 = arith.index_cast %add3A_439 : i32 to index
        %get3A_441 = arith.constant 48 : index
        %get3A_442 = tpu.vector_load %arg10[%get3A_440, %get3A_441] {strides = array<i32>} : memref<40x128xf32, #tpu.memory_space<vmem>>, vector<16xf32>,
        %mul3A_443 = arith.mulf %get3A_442, %gather3A_226 : vector<16xf32>
        %add3A_444 = arith.constant 2 : i32
        %add3A_445 = arith.addi %add3A_215, %add3A_444 : i32
        %swap3A_446 = arith.index_cast %add3A_445 : i32 to index
        %swap3A_447 = arith.constant 48 : index
        %swap3A_448 = tpu.vector_load %arg10[%swap3A_446, %swap3A_447] {strides = array<i32>} : memref<40x128xf32, #tpu.memory_space<vmem>>, vector<16xf32>,
        tpu.vector_store %arg10[%swap3A_446, %swap3A_447], %mul3A_443 {strides = array<i32>} : memref<40x128xf32, #tpu.memory_space<vmem>>, vector<16xf32>,
        %add3A_449 = arith.constant 2 : i32
        %add3A_450 = arith.addi %add3A_215, %add3A_449 : i32
        %get3A_451 = arith.index_cast %add3A_450 : i32 to index
        %get3A_452 = arith.constant 64 : index
        %get3A_453 = tpu.vector_load %arg10[%get3A_451, %get3A_452] {strides = array<i32>} : memref<40x128xf32, #tpu.memory_space<vmem>>, vector<16xf32>,
        %mul3A_454 = arith.mulf %get3A_453, %gather3A_226 : vector<16xf32>
        %add3A_455 = arith.constant 2 : i32
        %add3A_456 = arith.addi %add3A_215, %add3A_455 : i32
        %swap3A_457 = arith.index_cast %add3A_456 : i32 to index
        %swap3A_458 = arith.constant 64 : index
        %swap3A_459 = tpu.vector_load %arg10[%swap3A_457, %swap3A_458] {strides = array<i32>} : memref<40x128xf32, #tpu.memory_space<vmem>>, vector<16xf32>,
        tpu.vector_store %arg10[%swap3A_457, %swap3A_458], %mul3A_454 {strides = array<i32>} : memref<40x128xf32, #tpu.memory_space<vmem>>, vector<16xf32>,
        %add3A_460 = arith.constant 2 : i32
        %add3A_461 = arith.addi %add3A_215, %add3A_460 : i32
        %get3A_462 = arith.index_cast %add3A_461 : i32 to index
        %get3A_463 = arith.constant 80 : index
        %get3A_464 = tpu.vector_load %arg10[%get3A_462, %get3A_463] {strides = array<i32>} : memref<40x128xf32, #tpu.memory_space<vmem>>, vector<16xf32>,
        %mul3A_465 = arith.mulf %get3A_464, %gather3A_226 : vector<16xf32>
        %add3A_466 = arith.constant 2 : i32
        %add3A_467 = arith.addi %add3A_215, %add3A_466 : i32
        %swap3A_468 = arith.index_cast %add3A_467 : i32 to index
        %swap3A_469 = arith.constant 80 : index
        %swap3A_470 = tpu.vector_load %arg10[%swap3A_468, %swap3A_469] {strides = array<i32>} : memref<40x128xf32, #tpu.memory_space<vmem>>, vector<16xf32>,
        tpu.vector_store %arg10[%swap3A_468, %swap3A_469], %mul3A_465 {strides = array<i32>} : memref<40x128xf32, #tpu.memory_space<vmem>>, vector<16xf32>,
        %add3A_471 = arith.constant 2 : i32
        %add3A_472 = arith.addi %add3A_215, %add3A_471 : i32
        %get3A_473 = arith.index_cast %add3A_472 : i32 to index
        %get3A_474 = arith.constant 96 : index
        %get3A_475 = tpu.vector_load %arg10[%get3A_473, %get3A_474] {strides = array<i32>} : memref<40x128xf32, #tpu.memory_space<vmem>>, vector<16xf32>,
        %mul3A_476 = arith.mulf %get3A_475, %gather3A_226 : vector<16xf32>
        %add3A_477 = arith.constant 2 : i32
        %add3A_478 = arith.addi %add3A_215, %add3A_477 : i32
        %swap3A_479 = arith.index_cast %add3A_478 : i32 to index
        %swap3A_480 = arith.constant 96 : index
        %swap3A_481 = tpu.vector_load %arg10[%swap3A_479, %swap3A_480] {strides = array<i32>} : memref<40x128xf32, #tpu.memory_space<vmem>>, vector<16xf32>,
        tpu.vector_store %arg10[%swap3A_479, %swap3A_480], %mul3A_476 {strides = array<i32>} : memref<40x128xf32, #tpu.memory_space<vmem>>, vector<16xf32>,
        %add3A_482 = arith.constant 2 : i32
        %add3A_483 = arith.addi %add3A_215, %add3A_482 : i32
        %get3A_484 = arith.index_cast %add3A_483 : i32 to index
        %get3A_485 = arith.constant 112 : index
        %get3A_486 = tpu.vector_load %arg10[%get3A_484, %get3A_485] {strides = array<i32>} : memref<40x128xf32, #tpu.memory_space<vmem>>, vector<16xf32>,
        %mul3A_487 = arith.mulf %get3A_486, %gather3A_226 : vector<16xf32>
        %add3A_488 = arith.constant 2 : i32
        %add3A_489 = arith.addi %add3A_215, %add3A_488 : i32
        %swap3A_490 = arith.index_cast %add3A_489 : i32 to index
        %swap3A_491 = arith.constant 112 : index
        %swap3A_492 = tpu.vector_load %arg10[%swap3A_490, %swap3A_491] {strides = array<i32>} : memref<40x128xf32, #tpu.memory_space<vmem>>, vector<16xf32>,
        tpu.vector_store %arg10[%swap3A_490, %swap3A_491], %mul3A_487 {strides = array<i32>} : memref<40x128xf32, #tpu.memory_space<vmem>>, vector<16xf32>,
        %add3A_493 = arith.constant 3 : i32
        %add3A_494 = arith.addi %add3A_215, %add3A_493 : i32
        %get3A_495 = arith.index_cast %add3A_494 : i32 to index
        %get3A_496 = arith.constant 0 : index
        %get3A_497 = tpu.vector_load %arg10[%get3A_495, %get3A_496] {strides = array<i32>} : memref<40x128xf32, #tpu.memory_space<vmem>>, vector<16xf32>,
        %mul3A_498 = arith.mulf %get3A_497, %gather3A_230 : vector<16xf32>
        %add3A_499 = arith.constant 3 : i32
        %add3A_500 = arith.addi %add3A_215, %add3A_499 : i32
        %swap3A_501 = arith.index_cast %add3A_500 : i32 to index
        %swap3A_502 = arith.constant 0 : index
        %swap3A_503 = tpu.vector_load %arg10[%swap3A_501, %swap3A_502] {strides = array<i32>} : memref<40x128xf32, #tpu.memory_space<vmem>>, vector<16xf32>,
        tpu.vector_store %arg10[%swap3A_501, %swap3A_502], %mul3A_498 {strides = array<i32>} : memref<40x128xf32, #tpu.memory_space<vmem>>, vector<16xf32>,
        %add3A_504 = arith.constant 3 : i32
        %add3A_505 = arith.addi %add3A_215, %add3A_504 : i32
        %get3A_506 = arith.index_cast %add3A_505 : i32 to index
        %get3A_507 = arith.constant 16 : index
        %get3A_508 = tpu.vector_load %arg10[%get3A_506, %get3A_507] {strides = array<i32>} : memref<40x128xf32, #tpu.memory_space<vmem>>, vector<16xf32>,
        %mul3A_509 = arith.mulf %get3A_508, %gather3A_230 : vector<16xf32>
        %add3A_510 = arith.constant 3 : i32
        %add3A_511 = arith.addi %add3A_215, %add3A_510 : i32
        %swap3A_512 = arith.index_cast %add3A_511 : i32 to index
        %swap3A_513 = arith.constant 16 : index
        %swap3A_514 = tpu.vector_load %arg10[%swap3A_512, %swap3A_513] {strides = array<i32>} : memref<40x128xf32, #tpu.memory_space<vmem>>, vector<16xf32>,
        tpu.vector_store %arg10[%swap3A_512, %swap3A_513], %mul3A_509 {strides = array<i32>} : memref<40x128xf32, #tpu.memory_space<vmem>>, vector<16xf32>,
        %add3A_515 = arith.constant 3 : i32
        %add3A_516 = arith.addi %add3A_215, %add3A_515 : i32
        %get3A_517 = arith.index_cast %add3A_516 : i32 to index
        %get3A_518 = arith.constant 32 : index
        %get3A_519 = tpu.vector_load %arg10[%get3A_517, %get3A_518] {strides = array<i32>} : memref<40x128xf32, #tpu.memory_space<vmem>>, vector<16xf32>,
        %mul3A_520 = arith.mulf %get3A_519, %gather3A_230 : vector<16xf32>
        %add3A_521 = arith.constant 3 : i32
        %add3A_522 = arith.addi %add3A_215, %add3A_521 : i32
        %swap3A_523 = arith.index_cast %add3A_522 : i32 to index
        %swap3A_524 = arith.constant 32 : index
        %swap3A_525 = tpu.vector_load %arg10[%swap3A_523, %swap3A_524] {strides = array<i32>} : memref<40x128xf32, #tpu.memory_space<vmem>>, vector<16xf32>,
        tpu.vector_store %arg10[%swap3A_523, %swap3A_524], %mul3A_520 {strides = array<i32>} : memref<40x128xf32, #tpu.memory_space<vmem>>, vector<16xf32>,
        %add3A_526 = arith.constant 3 : i32
        %add3A_527 = arith.addi %add3A_215, %add3A_526 : i32
        %get3A_528 = arith.index_cast %add3A_527 : i32 to index
        %get3A_529 = arith.constant 48 : index
        %get3A_530 = tpu.vector_load %arg10[%get3A_528, %get3A_529] {strides = array<i32>} : memref<40x128xf32, #tpu.memory_space<vmem>>, vector<16xf32>,
        %mul3A_531 = arith.mulf %get3A_530, %gather3A_230 : vector<16xf32>
        %add3A_532 = arith.constant 3 : i32
        %add3A_533 = arith.addi %add3A_215, %add3A_532 : i32
        %swap3A_534 = arith.index_cast %add3A_533 : i32 to index
        %swap3A_535 = arith.constant 48 : index
        %swap3A_536 = tpu.vector_load %arg10[%swap3A_534, %swap3A_535] {strides = array<i32>} : memref<40x128xf32, #tpu.memory_space<vmem>>, vector<16xf32>,
        tpu.vector_store %arg10[%swap3A_534, %swap3A_535], %mul3A_531 {strides = array<i32>} : memref<40x128xf32, #tpu.memory_space<vmem>>, vector<16xf32>,
        %add3A_537 = arith.constant 3 : i32
        %add3A_538 = arith.addi %add3A_215, %add3A_537 : i32
        %get3A_539 = arith.index_cast %add3A_538 : i32 to index
        %get3A_540 = arith.constant 64 : index
        %get3A_541 = tpu.vector_load %arg10[%get3A_539, %get3A_540] {strides = array<i32>} : memref<40x128xf32, #tpu.memory_space<vmem>>, vector<16xf32>,
        %mul3A_542 = arith.mulf %get3A_541, %gather3A_230 : vector<16xf32>
        %add3A_543 = arith.constant 3 : i32
        %add3A_544 = arith.addi %add3A_215, %add3A_543 : i32
        %swap3A_545 = arith.index_cast %add3A_544 : i32 to index
        %swap3A_546 = arith.constant 64 : index
        %swap3A_547 = tpu.vector_load %arg10[%swap3A_545, %swap3A_546] {strides = array<i32>} : memref<40x128xf32, #tpu.memory_space<vmem>>, vector<16xf32>,
        tpu.vector_store %arg10[%swap3A_545, %swap3A_546], %mul3A_542 {strides = array<i32>} : memref<40x128xf32, #tpu.memory_space<vmem>>, vector<16xf32>,
        %add3A_548 = arith.constant 3 : i32
        %add3A_549 = arith.addi %add3A_215, %add3A_548 : i32
        %get3A_550 = arith.index_cast %add3A_549 : i32 to index
        %get3A_551 = arith.constant 80 : index
        %get3A_552 = tpu.vector_load %arg10[%get3A_550, %get3A_551] {strides = array<i32>} : memref<40x128xf32, #tpu.memory_space<vmem>>, vector<16xf32>,
        %mul3A_553 = arith.mulf %get3A_552, %gather3A_230 : vector<16xf32>
        %add3A_554 = arith.constant 3 : i32
        %add3A_555 = arith.addi %add3A_215, %add3A_554 : i32
        %swap3A_556 = arith.index_cast %add3A_555 : i32 to index
        %swap3A_557 = arith.constant 80 : index
        %swap3A_558 = tpu.vector_load %arg10[%swap3A_556, %swap3A_557] {strides = array<i32>} : memref<40x128xf32, #tpu.memory_space<vmem>>, vector<16xf32>,
        tpu.vector_store %arg10[%swap3A_556, %swap3A_557], %mul3A_553 {strides = array<i32>} : memref<40x128xf32, #tpu.memory_space<vmem>>, vector<16xf32>,
        %add3A_559 = arith.constant 3 : i32
        %add3A_560 = arith.addi %add3A_215, %add3A_559 : i32
        %get3A_561 = arith.index_cast %add3A_560 : i32 to index
        %get3A_562 = arith.constant 96 : index
        %get3A_563 = tpu.vector_load %arg10[%get3A_561, %get3A_562] {strides = array<i32>} : memref<40x128xf32, #tpu.memory_space<vmem>>, vector<16xf32>,
        %mul3A_564 = arith.mulf %get3A_563, %gather3A_230 : vector<16xf32>
        %add3A_565 = arith.constant 3 : i32
        %add3A_566 = arith.addi %add3A_215, %add3A_565 : i32
        %swap3A_567 = arith.index_cast %add3A_566 : i32 to index
        %swap3A_568 = arith.constant 96 : index
        %swap3A_569 = tpu.vector_load %arg10[%swap3A_567, %swap3A_568] {strides = array<i32>} : memref<40x128xf32, #tpu.memory_space<vmem>>, vector<16xf32>,
        tpu.vector_store %arg10[%swap3A_567, %swap3A_568], %mul3A_564 {strides = array<i32>} : memref<40x128xf32, #tpu.memory_space<vmem>>, vector<16xf32>,
        %add3A_570 = arith.constant 3 : i32
        %add3A_571 = arith.addi %add3A_215, %add3A_570 : i32
        %get3A_572 = arith.index_cast %add3A_571 : i32 to index
        %get3A_573 = arith.constant 112 : index
        %get3A_574 = tpu.vector_load %arg10[%get3A_572, %get3A_573] {strides = array<i32>} : memref<40x128xf32, #tpu.memory_space<vmem>>, vector<16xf32>,
        %mul3A_575 = arith.mulf %get3A_574, %gather3A_230 : vector<16xf32>
        %add3A_576 = arith.constant 3 : i32
        %add3A_577 = arith.addi %add3A_215, %add3A_576 : i32
        %swap3A_578 = arith.index_cast %add3A_577 : i32 to index
        %swap3A_579 = arith.constant 112 : index
        %swap3A_580 = tpu.vector_load %arg10[%swap3A_578, %swap3A_579] {strides = array<i32>} : memref<40x128xf32, #tpu.memory_space<vmem>>, vector<16xf32>,
        tpu.vector_store %arg10[%swap3A_578, %swap3A_579], %mul3A_575 {strides = array<i32>} : memref<40x128xf32, #tpu.memory_space<vmem>>, vector<16xf32>,
      }
      %scan3A_147 = arith.constant 10 : i32
      %dma_start3A_148 = arith.constant 0 : i32
      %dma_start3A_149 = tpu.memref_slice %arg8[%add3A_135, %dma_start3A_148] : memref<125x40xi32, #tpu.memory_space<vmem>> -> memref<1x40xi32, #tpu.memory_space<vmem>>
      %dma_start3A_150 = tpu.memref_squeeze %dma_start3A_149 : memref<1x40xi32, #tpu.memory_space<vmem>> -> memref<40xi32, #tpu.memory_space<vmem>>
      %dma_start3A_151 = arith.constant 0 : i32
      %dma_start3A_152 = arith.constant 0 : i32
      %dma_start3A_153 = tpu.memref_slice %arg12[%dma_start3A_151, %dma_start3A_152] : memref<8000x128xf32, #tpu.memory_space<vmem_shared>> -> memref<8000x128xf32, #tpu.memory_space<vmem_shared>>
      tpu.enqueue_indirect_dma source(%arg10 : memref<40x128xf32, #tpu.memory_space<vmem>>) target(%dma_start3A_153 : memref<8000x128xf32, #tpu.memory_space<vmem_shared>>) offsets(%dma_start3A_150 : memref<40xi32, #tpu.memory_space<vmem>>) semaphore(%arg15 : memref<!tpu.dma_semaphore, #tpu.memory_space<semaphore_mem>>) {add = true}
      %add3A_154 = arith.constant 1 : i32
      %add3A_155 = arith.addi %add3A_135, %add3A_154 : i32
      %dma_wait3A_156 = arith.constant 0 : i32
      %dma_wait3A_157 = tpu.memref_slice %arg7[%add3A_155, %dma_wait3A_156] : memref<125x40xi32, #tpu.memory_space<vmem>> -> memref<1x40xi32, #tpu.memory_space<vmem>>
      %dma_wait3A_158 = tpu.memref_squeeze %dma_wait3A_157 : memref<1x40xi32, #tpu.memory_space<vmem>> -> memref<40xi32, #tpu.memory_space<vmem>>
      %dma_wait3A_159 = arith.constant 0 : i32
      %dma_wait3A_160 = arith.constant 0 : i32
      %dma_wait3A_161 = tpu.memref_slice %arg2[%dma_wait3A_159, %dma_wait3A_160] : memref<10000x128xf32, #tpu.memory_space<hbm>> -> memref<10000x128xf32, #tpu.memory_space<hbm>>
      tpu.wait_indirect_dma semaphore(%arg14 : memref<!tpu.dma_semaphore, #tpu.memory_space<semaphore_mem>>) src(%dma_wait3A_161 : memref<10000x128xf32, #tpu.memory_space<hbm>>) dst(%arg11 : memref<40x128xf32, #tpu.memory_space<vmem>>)
      %add3A_162 = arith.constant 1 : i32
      %add3A_163 = arith.addi %add3A_135, %add3A_162 : i32
      %broadcast_in_dim3A_164 = vector.broadcast %add3A_163 : i32 to vector<16xi32>
      %scan3A_165 = arith.constant 0 : i32
      %scan3A_166 = arith.constant 10 : i32
      %scan3A_167 = arith.addi %scan3A_165, %scan3A_166 : i32
      %scan3A_168 = arith.constant 1 : i32
      scf.for %scan3A_211 = %scan3A_165 to %scan3A_167 step %scan3A_168  : i32 {
        %mul3A_212 = arith.constant 4 : i32
        %mul3A_213 = arith.muli %scan3A_211, %mul3A_212 : i32
        %add3A_214 = arith.constant 0 : i32
        %add3A_215 = arith.addi %add3A_214, %mul3A_213 : i32
        %add3A_216 = arith.constant 0 : i32
        %add3A_217 = arith.addi %add3A_215, %add3A_216 : i32
        %broadcast_in_dim3A_218 = vector.broadcast %add3A_217 : i32 to vector<16xi32>
        %gather3A = tpu.vector_load_idx %arg9[%broadcast_in_dim3A_164, %broadcast_in_dim3A_218] : memref<125x40xf32, #tpu.memory_space<vmem>>[vector<16xi32>, vector<16xi32>], vector<16xf32>,
        %add3A_219 = arith.constant 1 : i32
        %add3A_220 = arith.addi %add3A_215, %add3A_219 : i32
        %broadcast_in_dim3A_221 = vector.broadcast %add3A_220 : i32 to vector<16xi32>
        %gather3A_222 = tpu.vector_load_idx %arg9[%broadcast_in_dim3A_164, %broadcast_in_dim3A_221] : memref<125x40xf32, #tpu.memory_space<vmem>>[vector<16xi32>, vector<16xi32>], vector<16xf32>,
        %add3A_223 = arith.constant 2 : i32
        %add3A_224 = arith.addi %add3A_215, %add3A_223 : i32
        %broadcast_in_dim3A_225 = vector.broadcast %add3A_224 : i32 to vector<16xi32>
        %gather3A_226 = tpu.vector_load_idx %arg9[%broadcast_in_dim3A_164, %broadcast_in_dim3A_225] : memref<125x40xf32, #tpu.memory_space<vmem>>[vector<16xi32>, vector<16xi32>], vector<16xf32>,
        %add3A_227 = arith.constant 3 : i32
        %add3A_228 = arith.addi %add3A_215, %add3A_227 : i32
        %broadcast_in_dim3A_229 = vector.broadcast %add3A_228 : i32 to vector<16xi32>
        %gather3A_230 = tpu.vector_load_idx %arg9[%broadcast_in_dim3A_164, %broadcast_in_dim3A_229] : memref<125x40xf32, #tpu.memory_space<vmem>>[vector<16xi32>, vector<16xi32>], vector<16xf32>,
        %add3A_231 = arith.constant 0 : i32
        %add3A_232 = arith.addi %add3A_215, %add3A_231 : i32
        %get3A = arith.index_cast %add3A_232 : i32 to index
        %get3A_233 = arith.constant 0 : index
        %get3A_234 = tpu.vector_load %arg11[%get3A, %get3A_233] {strides = array<i32>} : memref<40x128xf32, #tpu.memory_space<vmem>>, vector<16xf32>,
        %mul3A_235 = arith.mulf %get3A_234, %gather3A : vector<16xf32>
        %add3A_236 = arith.constant 0 : i32
        %add3A_237 = arith.addi %add3A_215, %add3A_236 : i32
        %swap3A = arith.index_cast %add3A_237 : i32 to index
        %swap3A_238 = arith.constant 0 : index
        %swap3A_239 = tpu.vector_load %arg11[%swap3A, %swap3A_238] {strides = array<i32>} : memref<40x128xf32, #tpu.memory_space<vmem>>, vector<16xf32>,
        tpu.vector_store %arg11[%swap3A, %swap3A_238], %mul3A_235 {strides = array<i32>} : memref<40x128xf32, #tpu.memory_space<vmem>>, vector<16xf32>,
        %add3A_240 = arith.constant 0 : i32
        %add3A_241 = arith.addi %add3A_215, %add3A_240 : i32
        %get3A_242 = arith.index_cast %add3A_241 : i32 to index
        %get3A_243 = arith.constant 16 : index
        %get3A_244 = tpu.vector_load %arg11[%get3A_242, %get3A_243] {strides = array<i32>} : memref<40x128xf32, #tpu.memory_space<vmem>>, vector<16xf32>,
        %mul3A_245 = arith.mulf %get3A_244, %gather3A : vector<16xf32>
        %add3A_246 = arith.constant 0 : i32
        %add3A_247 = arith.addi %add3A_215, %add3A_246 : i32
        %swap3A_248 = arith.index_cast %add3A_247 : i32 to index
        %swap3A_249 = arith.constant 16 : index
        %swap3A_250 = tpu.vector_load %arg11[%swap3A_248, %swap3A_249] {strides = array<i32>} : memref<40x128xf32, #tpu.memory_space<vmem>>, vector<16xf32>,
        tpu.vector_store %arg11[%swap3A_248, %swap3A_249], %mul3A_245 {strides = array<i32>} : memref<40x128xf32, #tpu.memory_space<vmem>>, vector<16xf32>,
        %add3A_251 = arith.constant 0 : i32
        %add3A_252 = arith.addi %add3A_215, %add3A_251 : i32
        %get3A_253 = arith.index_cast %add3A_252 : i32 to index
        %get3A_254 = arith.constant 32 : index
        %get3A_255 = tpu.vector_load %arg11[%get3A_253, %get3A_254] {strides = array<i32>} : memref<40x128xf32, #tpu.memory_space<vmem>>, vector<16xf32>,
        %mul3A_256 = arith.mulf %get3A_255, %gather3A : vector<16xf32>
        %add3A_257 = arith.constant 0 : i32
        %add3A_258 = arith.addi %add3A_215, %add3A_257 : i32
        %swap3A_259 = arith.index_cast %add3A_258 : i32 to index
        %swap3A_260 = arith.constant 32 : index
        %swap3A_261 = tpu.vector_load %arg11[%swap3A_259, %swap3A_260] {strides = array<i32>} : memref<40x128xf32, #tpu.memory_space<vmem>>, vector<16xf32>,
        tpu.vector_store %arg11[%swap3A_259, %swap3A_260], %mul3A_256 {strides = array<i32>} : memref<40x128xf32, #tpu.memory_space<vmem>>, vector<16xf32>,
        %add3A_262 = arith.constant 0 : i32
        %add3A_263 = arith.addi %add3A_215, %add3A_262 : i32
        %get3A_264 = arith.index_cast %add3A_263 : i32 to index
        %get3A_265 = arith.constant 48 : index
        %get3A_266 = tpu.vector_load %arg11[%get3A_264, %get3A_265] {strides = array<i32>} : memref<40x128xf32, #tpu.memory_space<vmem>>, vector<16xf32>,
        %mul3A_267 = arith.mulf %get3A_266, %gather3A : vector<16xf32>
        %add3A_268 = arith.constant 0 : i32
        %add3A_269 = arith.addi %add3A_215, %add3A_268 : i32
        %swap3A_270 = arith.index_cast %add3A_269 : i32 to index
        %swap3A_271 = arith.constant 48 : index
        %swap3A_272 = tpu.vector_load %arg11[%swap3A_270, %swap3A_271] {strides = array<i32>} : memref<40x128xf32, #tpu.memory_space<vmem>>, vector<16xf32>,
        tpu.vector_store %arg11[%swap3A_270, %swap3A_271], %mul3A_267 {strides = array<i32>} : memref<40x128xf32, #tpu.memory_space<vmem>>, vector<16xf32>,
        %add3A_273 = arith.constant 0 : i32
        %add3A_274 = arith.addi %add3A_215, %add3A_273 : i32
        %get3A_275 = arith.index_cast %add3A_274 : i32 to index
        %get3A_276 = arith.constant 64 : index
        %get3A_277 = tpu.vector_load %arg11[%get3A_275, %get3A_276] {strides = array<i32>} : memref<40x128xf32, #tpu.memory_space<vmem>>, vector<16xf32>,
        %mul3A_278 = arith.mulf %get3A_277, %gather3A : vector<16xf32>
        %add3A_279 = arith.constant 0 : i32
        %add3A_280 = arith.addi %add3A_215, %add3A_279 : i32
        %swap3A_281 = arith.index_cast %add3A_280 : i32 to index
        %swap3A_282 = arith.constant 64 : index
        %swap3A_283 = tpu.vector_load %arg11[%swap3A_281, %swap3A_282] {strides = array<i32>} : memref<40x128xf32, #tpu.memory_space<vmem>>, vector<16xf32>,
        tpu.vector_store %arg11[%swap3A_281, %swap3A_282], %mul3A_278 {strides = array<i32>} : memref<40x128xf32, #tpu.memory_space<vmem>>, vector<16xf32>,
        %add3A_284 = arith.constant 0 : i32
        %add3A_285 = arith.addi %add3A_215, %add3A_284 : i32
        %get3A_286 = arith.index_cast %add3A_285 : i32 to index
        %get3A_287 = arith.constant 80 : index
        %get3A_288 = tpu.vector_load %arg11[%get3A_286, %get3A_287] {strides = array<i32>} : memref<40x128xf32, #tpu.memory_space<vmem>>, vector<16xf32>,
        %mul3A_289 = arith.mulf %get3A_288, %gather3A : vector<16xf32>
        %add3A_290 = arith.constant 0 : i32
        %add3A_291 = arith.addi %add3A_215, %add3A_290 : i32
        %swap3A_292 = arith.index_cast %add3A_291 : i32 to index
        %swap3A_293 = arith.constant 80 : index
        %swap3A_294 = tpu.vector_load %arg11[%swap3A_292, %swap3A_293] {strides = array<i32>} : memref<40x128xf32, #tpu.memory_space<vmem>>, vector<16xf32>,
        tpu.vector_store %arg11[%swap3A_292, %swap3A_293], %mul3A_289 {strides = array<i32>} : memref<40x128xf32, #tpu.memory_space<vmem>>, vector<16xf32>,
        %add3A_295 = arith.constant 0 : i32
        %add3A_296 = arith.addi %add3A_215, %add3A_295 : i32
        %get3A_297 = arith.index_cast %add3A_296 : i32 to index
        %get3A_298 = arith.constant 96 : index
        %get3A_299 = tpu.vector_load %arg11[%get3A_297, %get3A_298] {strides = array<i32>} : memref<40x128xf32, #tpu.memory_space<vmem>>, vector<16xf32>,
        %mul3A_300 = arith.mulf %get3A_299, %gather3A : vector<16xf32>
        %add3A_301 = arith.constant 0 : i32
        %add3A_302 = arith.addi %add3A_215, %add3A_301 : i32
        %swap3A_303 = arith.index_cast %add3A_302 : i32 to index
        %swap3A_304 = arith.constant 96 : index
        %swap3A_305 = tpu.vector_load %arg11[%swap3A_303, %swap3A_304] {strides = array<i32>} : memref<40x128xf32, #tpu.memory_space<vmem>>, vector<16xf32>,
        tpu.vector_store %arg11[%swap3A_303, %swap3A_304], %mul3A_300 {strides = array<i32>} : memref<40x128xf32, #tpu.memory_space<vmem>>, vector<16xf32>,
        %add3A_306 = arith.constant 0 : i32
        %add3A_307 = arith.addi %add3A_215, %add3A_306 : i32
        %get3A_308 = arith.index_cast %add3A_307 : i32 to index
        %get3A_309 = arith.constant 112 : index
        %get3A_310 = tpu.vector_load %arg11[%get3A_308, %get3A_309] {strides = array<i32>} : memref<40x128xf32, #tpu.memory_space<vmem>>, vector<16xf32>,
        %mul3A_311 = arith.mulf %get3A_310, %gather3A : vector<16xf32>
        %add3A_312 = arith.constant 0 : i32
        %add3A_313 = arith.addi %add3A_215, %add3A_312 : i32
        %swap3A_314 = arith.index_cast %add3A_313 : i32 to index
        %swap3A_315 = arith.constant 112 : index
        %swap3A_316 = tpu.vector_load %arg11[%swap3A_314, %swap3A_315] {strides = array<i32>} : memref<40x128xf32, #tpu.memory_space<vmem>>, vector<16xf32>,
        tpu.vector_store %arg11[%swap3A_314, %swap3A_315], %mul3A_311 {strides = array<i32>} : memref<40x128xf32, #tpu.memory_space<vmem>>, vector<16xf32>,
        %add3A_317 = arith.constant 1 : i32
        %add3A_318 = arith.addi %add3A_215, %add3A_317 : i32
        %get3A_319 = arith.index_cast %add3A_318 : i32 to index
        %get3A_320 = arith.constant 0 : index
        %get3A_321 = tpu.vector_load %arg11[%get3A_319, %get3A_320] {strides = array<i32>} : memref<40x128xf32, #tpu.memory_space<vmem>>, vector<16xf32>,
        %mul3A_322 = arith.mulf %get3A_321, %gather3A_222 : vector<16xf32>
        %add3A_323 = arith.constant 1 : i32
        %add3A_324 = arith.addi %add3A_215, %add3A_323 : i32
        %swap3A_325 = arith.index_cast %add3A_324 : i32 to index
        %swap3A_326 = arith.constant 0 : index
        %swap3A_327 = tpu.vector_load %arg11[%swap3A_325, %swap3A_326] {strides = array<i32>} : memref<40x128xf32, #tpu.memory_space<vmem>>, vector<16xf32>,
        tpu.vector_store %arg11[%swap3A_325, %swap3A_326], %mul3A_322 {strides = array<i32>} : memref<40x128xf32, #tpu.memory_space<vmem>>, vector<16xf32>,
        %add3A_328 = arith.constant 1 : i32
        %add3A_329 = arith.addi %add3A_215, %add3A_328 : i32
        %get3A_330 = arith.index_cast %add3A_329 : i32 to index
        %get3A_331 = arith.constant 16 : index
        %get3A_332 = tpu.vector_load %arg11[%get3A_330, %get3A_331] {strides = array<i32>} : memref<40x128xf32, #tpu.memory_space<vmem>>, vector<16xf32>,
        %mul3A_333 = arith.mulf %get3A_332, %gather3A_222 : vector<16xf32>
        %add3A_334 = arith.constant 1 : i32
        %add3A_335 = arith.addi %add3A_215, %add3A_334 : i32
        %swap3A_336 = arith.index_cast %add3A_335 : i32 to index
        %swap3A_337 = arith.constant 16 : index
        %swap3A_338 = tpu.vector_load %arg11[%swap3A_336, %swap3A_337] {strides = array<i32>} : memref<40x128xf32, #tpu.memory_space<vmem>>, vector<16xf32>,
        tpu.vector_store %arg11[%swap3A_336, %swap3A_337], %mul3A_333 {strides = array<i32>} : memref<40x128xf32, #tpu.memory_space<vmem>>, vector<16xf32>,
        %add3A_339 = arith.constant 1 : i32
        %add3A_340 = arith.addi %add3A_215, %add3A_339 : i32
        %get3A_341 = arith.index_cast %add3A_340 : i32 to index
        %get3A_342 = arith.constant 32 : index
        %get3A_343 = tpu.vector_load %arg11[%get3A_341, %get3A_342] {strides = array<i32>} : memref<40x128xf32, #tpu.memory_space<vmem>>, vector<16xf32>,
        %mul3A_344 = arith.mulf %get3A_343, %gather3A_222 : vector<16xf32>
        %add3A_345 = arith.constant 1 : i32
        %add3A_346 = arith.addi %add3A_215, %add3A_345 : i32
        %swap3A_347 = arith.index_cast %add3A_346 : i32 to index
        %swap3A_348 = arith.constant 32 : index
        %swap3A_349 = tpu.vector_load %arg11[%swap3A_347, %swap3A_348] {strides = array<i32>} : memref<40x128xf32, #tpu.memory_space<vmem>>, vector<16xf32>,
        tpu.vector_store %arg11[%swap3A_347, %swap3A_348], %mul3A_344 {strides = array<i32>} : memref<40x128xf32, #tpu.memory_space<vmem>>, vector<16xf32>,
        %add3A_350 = arith.constant 1 : i32
        %add3A_351 = arith.addi %add3A_215, %add3A_350 : i32
        %get3A_352 = arith.index_cast %add3A_351 : i32 to index
        %get3A_353 = arith.constant 48 : index
        %get3A_354 = tpu.vector_load %arg11[%get3A_352, %get3A_353] {strides = array<i32>} : memref<40x128xf32, #tpu.memory_space<vmem>>, vector<16xf32>,
        %mul3A_355 = arith.mulf %get3A_354, %gather3A_222 : vector<16xf32>
        %add3A_356 = arith.constant 1 : i32
        %add3A_357 = arith.addi %add3A_215, %add3A_356 : i32
        %swap3A_358 = arith.index_cast %add3A_357 : i32 to index
        %swap3A_359 = arith.constant 48 : index
        %swap3A_360 = tpu.vector_load %arg11[%swap3A_358, %swap3A_359] {strides = array<i32>} : memref<40x128xf32, #tpu.memory_space<vmem>>, vector<16xf32>,
        tpu.vector_store %arg11[%swap3A_358, %swap3A_359], %mul3A_355 {strides = array<i32>} : memref<40x128xf32, #tpu.memory_space<vmem>>, vector<16xf32>,
        %add3A_361 = arith.constant 1 : i32
        %add3A_362 = arith.addi %add3A_215, %add3A_361 : i32
        %get3A_363 = arith.index_cast %add3A_362 : i32 to index
        %get3A_364 = arith.constant 64 : index
        %get3A_365 = tpu.vector_load %arg11[%get3A_363, %get3A_364] {strides = array<i32>} : memref<40x128xf32, #tpu.memory_space<vmem>>, vector<16xf32>,
        %mul3A_366 = arith.mulf %get3A_365, %gather3A_222 : vector<16xf32>
        %add3A_367 = arith.constant 1 : i32
        %add3A_368 = arith.addi %add3A_215, %add3A_367 : i32
        %swap3A_369 = arith.index_cast %add3A_368 : i32 to index
        %swap3A_370 = arith.constant 64 : index
        %swap3A_371 = tpu.vector_load %arg11[%swap3A_369, %swap3A_370] {strides = array<i32>} : memref<40x128xf32, #tpu.memory_space<vmem>>, vector<16xf32>,
        tpu.vector_store %arg11[%swap3A_369, %swap3A_370], %mul3A_366 {strides = array<i32>} : memref<40x128xf32, #tpu.memory_space<vmem>>, vector<16xf32>,
        %add3A_372 = arith.constant 1 : i32
        %add3A_373 = arith.addi %add3A_215, %add3A_372 : i32
        %get3A_374 = arith.index_cast %add3A_373 : i32 to index
        %get3A_375 = arith.constant 80 : index
        %get3A_376 = tpu.vector_load %arg11[%get3A_374, %get3A_375] {strides = array<i32>} : memref<40x128xf32, #tpu.memory_space<vmem>>, vector<16xf32>,
        %mul3A_377 = arith.mulf %get3A_376, %gather3A_222 : vector<16xf32>
        %add3A_378 = arith.constant 1 : i32
        %add3A_379 = arith.addi %add3A_215, %add3A_378 : i32
        %swap3A_380 = arith.index_cast %add3A_379 : i32 to index
        %swap3A_381 = arith.constant 80 : index
        %swap3A_382 = tpu.vector_load %arg11[%swap3A_380, %swap3A_381] {strides = array<i32>} : memref<40x128xf32, #tpu.memory_space<vmem>>, vector<16xf32>,
        tpu.vector_store %arg11[%swap3A_380, %swap3A_381], %mul3A_377 {strides = array<i32>} : memref<40x128xf32, #tpu.memory_space<vmem>>, vector<16xf32>,
        %add3A_383 = arith.constant 1 : i32
        %add3A_384 = arith.addi %add3A_215, %add3A_383 : i32
        %get3A_385 = arith.index_cast %add3A_384 : i32 to index
        %get3A_386 = arith.constant 96 : index
        %get3A_387 = tpu.vector_load %arg11[%get3A_385, %get3A_386] {strides = array<i32>} : memref<40x128xf32, #tpu.memory_space<vmem>>, vector<16xf32>,
        %mul3A_388 = arith.mulf %get3A_387, %gather3A_222 : vector<16xf32>
        %add3A_389 = arith.constant 1 : i32
        %add3A_390 = arith.addi %add3A_215, %add3A_389 : i32
        %swap3A_391 = arith.index_cast %add3A_390 : i32 to index
        %swap3A_392 = arith.constant 96 : index
        %swap3A_393 = tpu.vector_load %arg11[%swap3A_391, %swap3A_392] {strides = array<i32>} : memref<40x128xf32, #tpu.memory_space<vmem>>, vector<16xf32>,
        tpu.vector_store %arg11[%swap3A_391, %swap3A_392], %mul3A_388 {strides = array<i32>} : memref<40x128xf32, #tpu.memory_space<vmem>>, vector<16xf32>,
        %add3A_394 = arith.constant 1 : i32
        %add3A_395 = arith.addi %add3A_215, %add3A_394 : i32
        %get3A_396 = arith.index_cast %add3A_395 : i32 to index
        %get3A_397 = arith.constant 112 : index
        %get3A_398 = tpu.vector_load %arg11[%get3A_396, %get3A_397] {strides = array<i32>} : memref<40x128xf32, #tpu.memory_space<vmem>>, vector<16xf32>,
        %mul3A_399 = arith.mulf %get3A_398, %gather3A_222 : vector<16xf32>
        %add3A_400 = arith.constant 1 : i32
        %add3A_401 = arith.addi %add3A_215, %add3A_400 : i32
        %swap3A_402 = arith.index_cast %add3A_401 : i32 to index
        %swap3A_403 = arith.constant 112 : index
        %swap3A_404 = tpu.vector_load %arg11[%swap3A_402, %swap3A_403] {strides = array<i32>} : memref<40x128xf32, #tpu.memory_space<vmem>>, vector<16xf32>,
        tpu.vector_store %arg11[%swap3A_402, %swap3A_403], %mul3A_399 {strides = array<i32>} : memref<40x128xf32, #tpu.memory_space<vmem>>, vector<16xf32>,
        %add3A_405 = arith.constant 2 : i32
        %add3A_406 = arith.addi %add3A_215, %add3A_405 : i32
        %get3A_407 = arith.index_cast %add3A_406 : i32 to index
        %get3A_408 = arith.constant 0 : index
        %get3A_409 = tpu.vector_load %arg11[%get3A_407, %get3A_408] {strides = array<i32>} : memref<40x128xf32, #tpu.memory_space<vmem>>, vector<16xf32>,
        %mul3A_410 = arith.mulf %get3A_409, %gather3A_226 : vector<16xf32>
        %add3A_411 = arith.constant 2 : i32
        %add3A_412 = arith.addi %add3A_215, %add3A_411 : i32
        %swap3A_413 = arith.index_cast %add3A_412 : i32 to index
        %swap3A_414 = arith.constant 0 : index
        %swap3A_415 = tpu.vector_load %arg11[%swap3A_413, %swap3A_414] {strides = array<i32>} : memref<40x128xf32, #tpu.memory_space<vmem>>, vector<16xf32>,
        tpu.vector_store %arg11[%swap3A_413, %swap3A_414], %mul3A_410 {strides = array<i32>} : memref<40x128xf32, #tpu.memory_space<vmem>>, vector<16xf32>,
        %add3A_416 = arith.constant 2 : i32
        %add3A_417 = arith.addi %add3A_215, %add3A_416 : i32
        %get3A_418 = arith.index_cast %add3A_417 : i32 to index
        %get3A_419 = arith.constant 16 : index
        %get3A_420 = tpu.vector_load %arg11[%get3A_418, %get3A_419] {strides = array<i32>} : memref<40x128xf32, #tpu.memory_space<vmem>>, vector<16xf32>,
        %mul3A_421 = arith.mulf %get3A_420, %gather3A_226 : vector<16xf32>
        %add3A_422 = arith.constant 2 : i32
        %add3A_423 = arith.addi %add3A_215, %add3A_422 : i32
        %swap3A_424 = arith.index_cast %add3A_423 : i32 to index
        %swap3A_425 = arith.constant 16 : index
        %swap3A_426 = tpu.vector_load %arg11[%swap3A_424, %swap3A_425] {strides = array<i32>} : memref<40x128xf32, #tpu.memory_space<vmem>>, vector<16xf32>,
        tpu.vector_store %arg11[%swap3A_424, %swap3A_425], %mul3A_421 {strides = array<i32>} : memref<40x128xf32, #tpu.memory_space<vmem>>, vector<16xf32>,
        %add3A_427 = arith.constant 2 : i32
        %add3A_428 = arith.addi %add3A_215, %add3A_427 : i32
        %get3A_429 = arith.index_cast %add3A_428 : i32 to index
        %get3A_430 = arith.constant 32 : index
        %get3A_431 = tpu.vector_load %arg11[%get3A_429, %get3A_430] {strides = array<i32>} : memref<40x128xf32, #tpu.memory_space<vmem>>, vector<16xf32>,
        %mul3A_432 = arith.mulf %get3A_431, %gather3A_226 : vector<16xf32>
        %add3A_433 = arith.constant 2 : i32
        %add3A_434 = arith.addi %add3A_215, %add3A_433 : i32
        %swap3A_435 = arith.index_cast %add3A_434 : i32 to index
        %swap3A_436 = arith.constant 32 : index
        %swap3A_437 = tpu.vector_load %arg11[%swap3A_435, %swap3A_436] {strides = array<i32>} : memref<40x128xf32, #tpu.memory_space<vmem>>, vector<16xf32>,
        tpu.vector_store %arg11[%swap3A_435, %swap3A_436], %mul3A_432 {strides = array<i32>} : memref<40x128xf32, #tpu.memory_space<vmem>>, vector<16xf32>,
        %add3A_438 = arith.constant 2 : i32
        %add3A_439 = arith.addi %add3A_215, %add3A_438 : i32
        %get3A_440 = arith.index_cast %add3A_439 : i32 to index
        %get3A_441 = arith.constant 48 : index
        %get3A_442 = tpu.vector_load %arg11[%get3A_440, %get3A_441] {strides = array<i32>} : memref<40x128xf32, #tpu.memory_space<vmem>>, vector<16xf32>,
        %mul3A_443 = arith.mulf %get3A_442, %gather3A_226 : vector<16xf32>
        %add3A_444 = arith.constant 2 : i32
        %add3A_445 = arith.addi %add3A_215, %add3A_444 : i32
        %swap3A_446 = arith.index_cast %add3A_445 : i32 to index
        %swap3A_447 = arith.constant 48 : index
        %swap3A_448 = tpu.vector_load %arg11[%swap3A_446, %swap3A_447] {strides = array<i32>} : memref<40x128xf32, #tpu.memory_space<vmem>>, vector<16xf32>,
        tpu.vector_store %arg11[%swap3A_446, %swap3A_447], %mul3A_443 {strides = array<i32>} : memref<40x128xf32, #tpu.memory_space<vmem>>, vector<16xf32>,
        %add3A_449 = arith.constant 2 : i32
        %add3A_450 = arith.addi %add3A_215, %add3A_449 : i32
        %get3A_451 = arith.index_cast %add3A_450 : i32 to index
        %get3A_452 = arith.constant 64 : index
        %get3A_453 = tpu.vector_load %arg11[%get3A_451, %get3A_452] {strides = array<i32>} : memref<40x128xf32, #tpu.memory_space<vmem>>, vector<16xf32>,
        %mul3A_454 = arith.mulf %get3A_453, %gather3A_226 : vector<16xf32>
        %add3A_455 = arith.constant 2 : i32
        %add3A_456 = arith.addi %add3A_215, %add3A_455 : i32
        %swap3A_457 = arith.index_cast %add3A_456 : i32 to index
        %swap3A_458 = arith.constant 64 : index
        %swap3A_459 = tpu.vector_load %arg11[%swap3A_457, %swap3A_458] {strides = array<i32>} : memref<40x128xf32, #tpu.memory_space<vmem>>, vector<16xf32>,
        tpu.vector_store %arg11[%swap3A_457, %swap3A_458], %mul3A_454 {strides = array<i32>} : memref<40x128xf32, #tpu.memory_space<vmem>>, vector<16xf32>,
        %add3A_460 = arith.constant 2 : i32
        %add3A_461 = arith.addi %add3A_215, %add3A_460 : i32
        %get3A_462 = arith.index_cast %add3A_461 : i32 to index
        %get3A_463 = arith.constant 80 : index
        %get3A_464 = tpu.vector_load %arg11[%get3A_462, %get3A_463] {strides = array<i32>} : memref<40x128xf32, #tpu.memory_space<vmem>>, vector<16xf32>,
        %mul3A_465 = arith.mulf %get3A_464, %gather3A_226 : vector<16xf32>
        %add3A_466 = arith.constant 2 : i32
        %add3A_467 = arith.addi %add3A_215, %add3A_466 : i32
        %swap3A_468 = arith.index_cast %add3A_467 : i32 to index
        %swap3A_469 = arith.constant 80 : index
        %swap3A_470 = tpu.vector_load %arg11[%swap3A_468, %swap3A_469] {strides = array<i32>} : memref<40x128xf32, #tpu.memory_space<vmem>>, vector<16xf32>,
        tpu.vector_store %arg11[%swap3A_468, %swap3A_469], %mul3A_465 {strides = array<i32>} : memref<40x128xf32, #tpu.memory_space<vmem>>, vector<16xf32>,
        %add3A_471 = arith.constant 2 : i32
        %add3A_472 = arith.addi %add3A_215, %add3A_471 : i32
        %get3A_473 = arith.index_cast %add3A_472 : i32 to index
        %get3A_474 = arith.constant 96 : index
        %get3A_475 = tpu.vector_load %arg11[%get3A_473, %get3A_474] {strides = array<i32>} : memref<40x128xf32, #tpu.memory_space<vmem>>, vector<16xf32>,
        %mul3A_476 = arith.mulf %get3A_475, %gather3A_226 : vector<16xf32>
        %add3A_477 = arith.constant 2 : i32
        %add3A_478 = arith.addi %add3A_215, %add3A_477 : i32
        %swap3A_479 = arith.index_cast %add3A_478 : i32 to index
        %swap3A_480 = arith.constant 96 : index
        %swap3A_481 = tpu.vector_load %arg11[%swap3A_479, %swap3A_480] {strides = array<i32>} : memref<40x128xf32, #tpu.memory_space<vmem>>, vector<16xf32>,
        tpu.vector_store %arg11[%swap3A_479, %swap3A_480], %mul3A_476 {strides = array<i32>} : memref<40x128xf32, #tpu.memory_space<vmem>>, vector<16xf32>,
        %add3A_482 = arith.constant 2 : i32
        %add3A_483 = arith.addi %add3A_215, %add3A_482 : i32
        %get3A_484 = arith.index_cast %add3A_483 : i32 to index
        %get3A_485 = arith.constant 112 : index
        %get3A_486 = tpu.vector_load %arg11[%get3A_484, %get3A_485] {strides = array<i32>} : memref<40x128xf32, #tpu.memory_space<vmem>>, vector<16xf32>,
        %mul3A_487 = arith.mulf %get3A_486, %gather3A_226 : vector<16xf32>
        %add3A_488 = arith.constant 2 : i32
        %add3A_489 = arith.addi %add3A_215, %add3A_488 : i32
        %swap3A_490 = arith.index_cast %add3A_489 : i32 to index
        %swap3A_491 = arith.constant 112 : index
        %swap3A_492 = tpu.vector_load %arg11[%swap3A_490, %swap3A_491] {strides = array<i32>} : memref<40x128xf32, #tpu.memory_space<vmem>>, vector<16xf32>,
        tpu.vector_store %arg11[%swap3A_490, %swap3A_491], %mul3A_487 {strides = array<i32>} : memref<40x128xf32, #tpu.memory_space<vmem>>, vector<16xf32>,
        %add3A_493 = arith.constant 3 : i32
        %add3A_494 = arith.addi %add3A_215, %add3A_493 : i32
        %get3A_495 = arith.index_cast %add3A_494 : i32 to index
        %get3A_496 = arith.constant 0 : index
        %get3A_497 = tpu.vector_load %arg11[%get3A_495, %get3A_496] {strides = array<i32>} : memref<40x128xf32, #tpu.memory_space<vmem>>, vector<16xf32>,
        %mul3A_498 = arith.mulf %get3A_497, %gather3A_230 : vector<16xf32>
        %add3A_499 = arith.constant 3 : i32
        %add3A_500 = arith.addi %add3A_215, %add3A_499 : i32
        %swap3A_501 = arith.index_cast %add3A_500 : i32 to index
        %swap3A_502 = arith.constant 0 : index
        %swap3A_503 = tpu.vector_load %arg11[%swap3A_501, %swap3A_502] {strides = array<i32>} : memref<40x128xf32, #tpu.memory_space<vmem>>, vector<16xf32>,
        tpu.vector_store %arg11[%swap3A_501, %swap3A_502], %mul3A_498 {strides = array<i32>} : memref<40x128xf32, #tpu.memory_space<vmem>>, vector<16xf32>,
        %add3A_504 = arith.constant 3 : i32
        %add3A_505 = arith.addi %add3A_215, %add3A_504 : i32
        %get3A_506 = arith.index_cast %add3A_505 : i32 to index
        %get3A_507 = arith.constant 16 : index
        %get3A_508 = tpu.vector_load %arg11[%get3A_506, %get3A_507] {strides = array<i32>} : memref<40x128xf32, #tpu.memory_space<vmem>>, vector<16xf32>,
        %mul3A_509 = arith.mulf %get3A_508, %gather3A_230 : vector<16xf32>
        %add3A_510 = arith.constant 3 : i32
        %add3A_511 = arith.addi %add3A_215, %add3A_510 : i32
        %swap3A_512 = arith.index_cast %add3A_511 : i32 to index
        %swap3A_513 = arith.constant 16 : index
        %swap3A_514 = tpu.vector_load %arg11[%swap3A_512, %swap3A_513] {strides = array<i32>} : memref<40x128xf32, #tpu.memory_space<vmem>>, vector<16xf32>,
        tpu.vector_store %arg11[%swap3A_512, %swap3A_513], %mul3A_509 {strides = array<i32>} : memref<40x128xf32, #tpu.memory_space<vmem>>, vector<16xf32>,
        %add3A_515 = arith.constant 3 : i32
        %add3A_516 = arith.addi %add3A_215, %add3A_515 : i32
        %get3A_517 = arith.index_cast %add3A_516 : i32 to index
        %get3A_518 = arith.constant 32 : index
        %get3A_519 = tpu.vector_load %arg11[%get3A_517, %get3A_518] {strides = array<i32>} : memref<40x128xf32, #tpu.memory_space<vmem>>, vector<16xf32>,
        %mul3A_520 = arith.mulf %get3A_519, %gather3A_230 : vector<16xf32>
        %add3A_521 = arith.constant 3 : i32
        %add3A_522 = arith.addi %add3A_215, %add3A_521 : i32
        %swap3A_523 = arith.index_cast %add3A_522 : i32 to index
        %swap3A_524 = arith.constant 32 : index
        %swap3A_525 = tpu.vector_load %arg11[%swap3A_523, %swap3A_524] {strides = array<i32>} : memref<40x128xf32, #tpu.memory_space<vmem>>, vector<16xf32>,
        tpu.vector_store %arg11[%swap3A_523, %swap3A_524], %mul3A_520 {strides = array<i32>} : memref<40x128xf32, #tpu.memory_space<vmem>>, vector<16xf32>,
        %add3A_526 = arith.constant 3 : i32
        %add3A_527 = arith.addi %add3A_215, %add3A_526 : i32
        %get3A_528 = arith.index_cast %add3A_527 : i32 to index
        %get3A_529 = arith.constant 48 : index
        %get3A_530 = tpu.vector_load %arg11[%get3A_528, %get3A_529] {strides = array<i32>} : memref<40x128xf32, #tpu.memory_space<vmem>>, vector<16xf32>,
        %mul3A_531 = arith.mulf %get3A_530, %gather3A_230 : vector<16xf32>
        %add3A_532 = arith.constant 3 : i32
        %add3A_533 = arith.addi %add3A_215, %add3A_532 : i32
        %swap3A_534 = arith.index_cast %add3A_533 : i32 to index
        %swap3A_535 = arith.constant 48 : index
        %swap3A_536 = tpu.vector_load %arg11[%swap3A_534, %swap3A_535] {strides = array<i32>} : memref<40x128xf32, #tpu.memory_space<vmem>>, vector<16xf32>,
        tpu.vector_store %arg11[%swap3A_534, %swap3A_535], %mul3A_531 {strides = array<i32>} : memref<40x128xf32, #tpu.memory_space<vmem>>, vector<16xf32>,
        %add3A_537 = arith.constant 3 : i32
        %add3A_538 = arith.addi %add3A_215, %add3A_537 : i32
        %get3A_539 = arith.index_cast %add3A_538 : i32 to index
        %get3A_540 = arith.constant 64 : index
        %get3A_541 = tpu.vector_load %arg11[%get3A_539, %get3A_540] {strides = array<i32>} : memref<40x128xf32, #tpu.memory_space<vmem>>, vector<16xf32>,
        %mul3A_542 = arith.mulf %get3A_541, %gather3A_230 : vector<16xf32>
        %add3A_543 = arith.constant 3 : i32
        %add3A_544 = arith.addi %add3A_215, %add3A_543 : i32
        %swap3A_545 = arith.index_cast %add3A_544 : i32 to index
        %swap3A_546 = arith.constant 64 : index
        %swap3A_547 = tpu.vector_load %arg11[%swap3A_545, %swap3A_546] {strides = array<i32>} : memref<40x128xf32, #tpu.memory_space<vmem>>, vector<16xf32>,
        tpu.vector_store %arg11[%swap3A_545, %swap3A_546], %mul3A_542 {strides = array<i32>} : memref<40x128xf32, #tpu.memory_space<vmem>>, vector<16xf32>,
        %add3A_548 = arith.constant 3 : i32
        %add3A_549 = arith.addi %add3A_215, %add3A_548 : i32
        %get3A_550 = arith.index_cast %add3A_549 : i32 to index
        %get3A_551 = arith.constant 80 : index
        %get3A_552 = tpu.vector_load %arg11[%get3A_550, %get3A_551] {strides = array<i32>} : memref<40x128xf32, #tpu.memory_space<vmem>>, vector<16xf32>,
        %mul3A_553 = arith.mulf %get3A_552, %gather3A_230 : vector<16xf32>
        %add3A_554 = arith.constant 3 : i32
        %add3A_555 = arith.addi %add3A_215, %add3A_554 : i32
        %swap3A_556 = arith.index_cast %add3A_555 : i32 to index
        %swap3A_557 = arith.constant 80 : index
        %swap3A_558 = tpu.vector_load %arg11[%swap3A_556, %swap3A_557] {strides = array<i32>} : memref<40x128xf32, #tpu.memory_space<vmem>>, vector<16xf32>,
        tpu.vector_store %arg11[%swap3A_556, %swap3A_557], %mul3A_553 {strides = array<i32>} : memref<40x128xf32, #tpu.memory_space<vmem>>, vector<16xf32>,
        %add3A_559 = arith.constant 3 : i32
        %add3A_560 = arith.addi %add3A_215, %add3A_559 : i32
        %get3A_561 = arith.index_cast %add3A_560 : i32 to index
        %get3A_562 = arith.constant 96 : index
        %get3A_563 = tpu.vector_load %arg11[%get3A_561, %get3A_562] {strides = array<i32>} : memref<40x128xf32, #tpu.memory_space<vmem>>, vector<16xf32>,
        %mul3A_564 = arith.mulf %get3A_563, %gather3A_230 : vector<16xf32>
        %add3A_565 = arith.constant 3 : i32
        %add3A_566 = arith.addi %add3A_215, %add3A_565 : i32
        %swap3A_567 = arith.index_cast %add3A_566 : i32 to index
        %swap3A_568 = arith.constant 96 : index
        %swap3A_569 = tpu.vector_load %arg11[%swap3A_567, %swap3A_568] {strides = array<i32>} : memref<40x128xf32, #tpu.memory_space<vmem>>, vector<16xf32>,
        tpu.vector_store %arg11[%swap3A_567, %swap3A_568], %mul3A_564 {strides = array<i32>} : memref<40x128xf32, #tpu.memory_space<vmem>>, vector<16xf32>,
        %add3A_570 = arith.constant 3 : i32
        %add3A_571 = arith.addi %add3A_215, %add3A_570 : i32
        %get3A_572 = arith.index_cast %add3A_571 : i32 to index
        %get3A_573 = arith.constant 112 : index
        %get3A_574 = tpu.vector_load %arg11[%get3A_572, %get3A_573] {strides = array<i32>} : memref<40x128xf32, #tpu.memory_space<vmem>>, vector<16xf32>,
        %mul3A_575 = arith.mulf %get3A_574, %gather3A_230 : vector<16xf32>
        %add3A_576 = arith.constant 3 : i32
        %add3A_577 = arith.addi %add3A_215, %add3A_576 : i32
        %swap3A_578 = arith.index_cast %add3A_577 : i32 to index
        %swap3A_579 = arith.constant 112 : index
        %swap3A_580 = tpu.vector_load %arg11[%swap3A_578, %swap3A_579] {strides = array<i32>} : memref<40x128xf32, #tpu.memory_space<vmem>>, vector<16xf32>,
        tpu.vector_store %arg11[%swap3A_578, %swap3A_579], %mul3A_575 {strides = array<i32>} : memref<40x128xf32, #tpu.memory_space<vmem>>, vector<16xf32>,
      }
      %scan3A_169 = arith.constant 10 : i32
      %add3A_170 = arith.constant 1 : i32
      %add3A_171 = arith.addi %add3A_135, %add3A_170 : i32
      %dma_start3A_172 = arith.constant 0 : i32
      %dma_start3A_173 = tpu.memref_slice %arg8[%add3A_171, %dma_start3A_172] : memref<125x40xi32, #tpu.memory_space<vmem>> -> memref<1x40xi32, #tpu.memory_space<vmem>>
      %dma_start3A_174 = tpu.memref_squeeze %dma_start3A_173 : memref<1x40xi32, #tpu.memory_space<vmem>> -> memref<40xi32, #tpu.memory_space<vmem>>
      %dma_start3A_175 = arith.constant 0 : i32
      %dma_start3A_176 = arith.constant 0 : i32
      %dma_start3A_177 = tpu.memref_slice %arg12[%dma_start3A_175, %dma_start3A_176] : memref<8000x128xf32, #tpu.memory_space<vmem_shared>> -> memref<8000x128xf32, #tpu.memory_space<vmem_shared>>
      tpu.enqueue_indirect_dma source(%arg11 : memref<40x128xf32, #tpu.memory_space<vmem>>) target(%dma_start3A_177 : memref<8000x128xf32, #tpu.memory_space<vmem_shared>>) offsets(%dma_start3A_174 : memref<40xi32, #tpu.memory_space<vmem>>) semaphore(%arg16 : memref<!tpu.dma_semaphore, #tpu.memory_space<semaphore_mem>>) {add = true}
      %dma_wait3A_178 = arith.constant 0 : i32
      %dma_wait3A_179 = tpu.memref_slice %arg8[%add3A_135, %dma_wait3A_178] : memref<125x40xi32, #tpu.memory_space<vmem>> -> memref<1x40xi32, #tpu.memory_space<vmem>>
      %dma_wait3A_180 = tpu.memref_squeeze %dma_wait3A_179 : memref<1x40xi32, #tpu.memory_space<vmem>> -> memref<40xi32, #tpu.memory_space<vmem>>
      %dma_wait3A_181 = arith.constant 0 : i32
      %dma_wait3A_182 = arith.constant 0 : i32
      %dma_wait3A_183 = tpu.memref_slice %arg12[%dma_wait3A_181, %dma_wait3A_182] : memref<8000x128xf32, #tpu.memory_space<vmem_shared>> -> memref<8000x128xf32, #tpu.memory_space<vmem_shared>>
      tpu.wait_indirect_dma semaphore(%arg15 : memref<!tpu.dma_semaphore, #tpu.memory_space<semaphore_mem>>) src(%arg10 : memref<40x128xf32, #tpu.memory_space<vmem>>) dst(%dma_wait3A_183 : memref<8000x128xf32, #tpu.memory_space<vmem_shared>>)
      %add3A_184 = arith.constant 2 : i32
      %add3A_185 = arith.addi %add3A_135, %add3A_184 : i32
      %min3A = arith.constant 124 : i32
      %min3A_186 = arith.minsi %add3A_185, %min3A : i32
      %dma_start3A_187 = arith.constant 0 : i32
      %dma_start3A_188 = tpu.memref_slice %arg7[%min3A_186, %dma_start3A_187] : memref<125x40xi32, #tpu.memory_space<vmem>> -> memref<1x40xi32, #tpu.memory_space<vmem>>
      %dma_start3A_189 = tpu.memref_squeeze %dma_start3A_188 : memref<1x40xi32, #tpu.memory_space<vmem>> -> memref<40xi32, #tpu.memory_space<vmem>>
      %dma_start3A_190 = arith.constant 0 : i32
      %dma_start3A_191 = arith.constant 0 : i32
      %dma_start3A_192 = tpu.memref_slice %arg2[%dma_start3A_190, %dma_start3A_191] : memref<10000x128xf32, #tpu.memory_space<hbm>> -> memref<10000x128xf32, #tpu.memory_space<hbm>>
      tpu.enqueue_indirect_dma source(%dma_start3A_192 : memref<10000x128xf32, #tpu.memory_space<hbm>>) target(%arg10 : memref<40x128xf32, #tpu.memory_space<vmem>>) offsets(%dma_start3A_189 : memref<40xi32, #tpu.memory_space<vmem>>) semaphore(%arg13 : memref<!tpu.dma_semaphore, #tpu.memory_space<semaphore_mem>>)
      %add3A_193 = arith.constant 1 : i32
      %add3A_194 = arith.addi %add3A_135, %add3A_193 : i32
      %dma_wait3A_195 = arith.constant 0 : i32
      %dma_wait3A_196 = tpu.memref_slice %arg8[%add3A_194, %dma_wait3A_195] : memref<125x40xi32, #tpu.memory_space<vmem>> -> memref<1x40xi32, #tpu.memory_space<vmem>>
      %dma_wait3A_197 = tpu.memref_squeeze %dma_wait3A_196 : memref<1x40xi32, #tpu.memory_space<vmem>> -> memref<40xi32, #tpu.memory_space<vmem>>
      %dma_wait3A_198 = arith.constant 0 : i32
      %dma_wait3A_199 = arith.constant 0 : i32
      %dma_wait3A_200 = tpu.memref_slice %arg12[%dma_wait3A_198, %dma_wait3A_199] : memref<8000x128xf32, #tpu.memory_space<vmem_shared>> -> memref<8000x128xf32, #tpu.memory_space<vmem_shared>>
      tpu.wait_indirect_dma semaphore(%arg16 : memref<!tpu.dma_semaphore, #tpu.memory_space<semaphore_mem>>) src(%arg11 : memref<40x128xf32, #tpu.memory_space<vmem>>) dst(%dma_wait3A_200 : memref<8000x128xf32, #tpu.memory_space<vmem_shared>>)
      %add3A_201 = arith.constant 3 : i32
      %add3A_202 = arith.addi %add3A_135, %add3A_201 : i32
      %min3A_203 = arith.constant 124 : i32
      %min3A_204 = arith.minsi %add3A_202, %min3A_203 : i32
      %dma_start3A_205 = arith.constant 0 : i32
      %dma_start3A_206 = tpu.memref_slice %arg7[%min3A_204, %dma_start3A_205] : memref<125x40xi32, #tpu.memory_space<vmem>> -> memref<1x40xi32, #tpu.memory_space<vmem>>
      %dma_start3A_207 = tpu.memref_squeeze %dma_start3A_206 : memref<1x40xi32, #tpu.memory_space<vmem>> -> memref<40xi32, #tpu.memory_space<vmem>>
      %dma_start3A_208 = arith.constant 0 : i32
      %dma_start3A_209 = arith.constant 0 : i32
      %dma_start3A_210 = tpu.memref_slice %arg2[%dma_start3A_208, %dma_start3A_209] : memref<10000x128xf32, #tpu.memory_space<hbm>> -> memref<10000x128xf32, #tpu.memory_space<hbm>>
      tpu.enqueue_indirect_dma source(%dma_start3A_210 : memref<10000x128xf32, #tpu.memory_space<hbm>>) target(%arg11 : memref<40x128xf32, #tpu.memory_space<vmem>>) offsets(%dma_start3A_207 : memref<40xi32, #tpu.memory_space<vmem>>) semaphore(%arg14 : memref<!tpu.dma_semaphore, #tpu.memory_space<semaphore_mem>>)
    }
    %scan3A_58 = arith.constant 62 : i32
    %dma_wait3A = arith.constant 124 : i32
    %dma_wait3A_59 = arith.constant 0 : i32
    %dma_wait3A_60 = tpu.memref_slice %arg7[%dma_wait3A, %dma_wait3A_59] : memref<125x40xi32, #tpu.memory_space<vmem>> -> memref<1x40xi32, #tpu.memory_space<vmem>>
    %dma_wait3A_61 = tpu.memref_squeeze %dma_wait3A_60 : memref<1x40xi32, #tpu.memory_space<vmem>> -> memref<40xi32, #tpu.memory_space<vmem>>
    %dma_wait3A_62 = arith.constant 0 : i32
    %dma_wait3A_63 = arith.constant 0 : i32
    %dma_wait3A_64 = tpu.memref_slice %arg2[%dma_wait3A_62, %dma_wait3A_63] : memref<10000x128xf32, #tpu.memory_space<hbm>> -> memref<10000x128xf32, #tpu.memory_space<hbm>>
    tpu.wait_indirect_dma semaphore(%arg13 : memref<!tpu.dma_semaphore, #tpu.memory_space<semaphore_mem>>) src(%dma_wait3A_64 : memref<10000x128xf32, #tpu.memory_space<hbm>>) dst(%arg10 : memref<40x128xf32, #tpu.memory_space<vmem>>)
    %broadcast_in_dim3A_65 = arith.constant 124 : i32
    %broadcast_in_dim3A_66 = vector.broadcast %broadcast_in_dim3A_65 : i32 to vector<16xi32>
    %scan3A_67 = arith.constant 0 : i32
    %scan3A_68 = arith.constant 10 : i32
    %scan3A_69 = arith.addi %scan3A_67, %scan3A_68 : i32
    %scan3A_70 = arith.constant 1 : i32
    scf.for %scan3A_131 = %scan3A_67 to %scan3A_69 step %scan3A_70  : i32 {
      %mul3A_132 = arith.constant 4 : i32
      %mul3A_133 = arith.muli %scan3A_131, %mul3A_132 : i32
      %add3A_134 = arith.constant 0 : i32
      %add3A_135 = arith.addi %add3A_134, %mul3A_133 : i32
      %add3A_136 = arith.constant 0 : i32
      %add3A_137 = arith.addi %add3A_135, %add3A_136 : i32
      %broadcast_in_dim3A_138 = vector.broadcast %add3A_137 : i32 to vector<16xi32>
      %gather3A = tpu.vector_load_idx %arg9[%broadcast_in_dim3A_66, %broadcast_in_dim3A_138] : memref<125x40xf32, #tpu.memory_space<vmem>>[vector<16xi32>, vector<16xi32>], vector<16xf32>,
      %add3A_139 = arith.constant 1 : i32
      %add3A_140 = arith.addi %add3A_135, %add3A_139 : i32
      %broadcast_in_dim3A_141 = vector.broadcast %add3A_140 : i32 to vector<16xi32>
      %gather3A_142 = tpu.vector_load_idx %arg9[%broadcast_in_dim3A_66, %broadcast_in_dim3A_141] : memref<125x40xf32, #tpu.memory_space<vmem>>[vector<16xi32>, vector<16xi32>], vector<16xf32>,
      %add3A_143 = arith.constant 2 : i32
      %add3A_144 = arith.addi %add3A_135, %add3A_143 : i32
      %broadcast_in_dim3A_145 = vector.broadcast %add3A_144 : i32 to vector<16xi32>
      %gather3A_146 = tpu.vector_load_idx %arg9[%broadcast_in_dim3A_66, %broadcast_in_dim3A_145] : memref<125x40xf32, #tpu.memory_space<vmem>>[vector<16xi32>, vector<16xi32>], vector<16xf32>,
      %add3A_147 = arith.constant 3 : i32
      %add3A_148 = arith.addi %add3A_135, %add3A_147 : i32
      %broadcast_in_dim3A_149 = vector.broadcast %add3A_148 : i32 to vector<16xi32>
      %gather3A_150 = tpu.vector_load_idx %arg9[%broadcast_in_dim3A_66, %broadcast_in_dim3A_149] : memref<125x40xf32, #tpu.memory_space<vmem>>[vector<16xi32>, vector<16xi32>], vector<16xf32>,
      %add3A_151 = arith.constant 0 : i32
      %add3A_152 = arith.addi %add3A_135, %add3A_151 : i32
      %get3A = arith.index_cast %add3A_152 : i32 to index
      %get3A_153 = arith.constant 0 : index
      %get3A_154 = tpu.vector_load %arg10[%get3A, %get3A_153] {strides = array<i32>} : memref<40x128xf32, #tpu.memory_space<vmem>>, vector<16xf32>,
      %mul3A_155 = arith.mulf %get3A_154, %gather3A : vector<16xf32>
      %add3A_156 = arith.constant 0 : i32
      %add3A_157 = arith.addi %add3A_135, %add3A_156 : i32
      %swap3A = arith.index_cast %add3A_157 : i32 to index
      %swap3A_158 = arith.constant 0 : index
      %swap3A_159 = tpu.vector_load %arg10[%swap3A, %swap3A_158] {strides = array<i32>} : memref<40x128xf32, #tpu.memory_space<vmem>>, vector<16xf32>,
      tpu.vector_store %arg10[%swap3A, %swap3A_158], %mul3A_155 {strides = array<i32>} : memref<40x128xf32, #tpu.memory_space<vmem>>, vector<16xf32>,
      %add3A_160 = arith.constant 0 : i32
      %add3A_161 = arith.addi %add3A_135, %add3A_160 : i32
      %get3A_162 = arith.index_cast %add3A_161 : i32 to index
      %get3A_163 = arith.constant 16 : index
      %get3A_164 = tpu.vector_load %arg10[%get3A_162, %get3A_163] {strides = array<i32>} : memref<40x128xf32, #tpu.memory_space<vmem>>, vector<16xf32>,
      %mul3A_165 = arith.mulf %get3A_164, %gather3A : vector<16xf32>
      %add3A_166 = arith.constant 0 : i32
      %add3A_167 = arith.addi %add3A_135, %add3A_166 : i32
      %swap3A_168 = arith.index_cast %add3A_167 : i32 to index
      %swap3A_169 = arith.constant 16 : index
      %swap3A_170 = tpu.vector_load %arg10[%swap3A_168, %swap3A_169] {strides = array<i32>} : memref<40x128xf32, #tpu.memory_space<vmem>>, vector<16xf32>,
      tpu.vector_store %arg10[%swap3A_168, %swap3A_169], %mul3A_165 {strides = array<i32>} : memref<40x128xf32, #tpu.memory_space<vmem>>, vector<16xf32>,
      %add3A_171 = arith.constant 0 : i32
      %add3A_172 = arith.addi %add3A_135, %add3A_171 : i32
      %get3A_173 = arith.index_cast %add3A_172 : i32 to index
      %get3A_174 = arith.constant 32 : index
      %get3A_175 = tpu.vector_load %arg10[%get3A_173, %get3A_174] {strides = array<i32>} : memref<40x128xf32, #tpu.memory_space<vmem>>, vector<16xf32>,
      %mul3A_176 = arith.mulf %get3A_175, %gather3A : vector<16xf32>
      %add3A_177 = arith.constant 0 : i32
      %add3A_178 = arith.addi %add3A_135, %add3A_177 : i32
      %swap3A_179 = arith.index_cast %add3A_178 : i32 to index
      %swap3A_180 = arith.constant 32 : index
      %swap3A_181 = tpu.vector_load %arg10[%swap3A_179, %swap3A_180] {strides = array<i32>} : memref<40x128xf32, #tpu.memory_space<vmem>>, vector<16xf32>,
      tpu.vector_store %arg10[%swap3A_179, %swap3A_180], %mul3A_176 {strides = array<i32>} : memref<40x128xf32, #tpu.memory_space<vmem>>, vector<16xf32>,
      %add3A_182 = arith.constant 0 : i32
      %add3A_183 = arith.addi %add3A_135, %add3A_182 : i32
      %get3A_184 = arith.index_cast %add3A_183 : i32 to index
      %get3A_185 = arith.constant 48 : index
      %get3A_186 = tpu.vector_load %arg10[%get3A_184, %get3A_185] {strides = array<i32>} : memref<40x128xf32, #tpu.memory_space<vmem>>, vector<16xf32>,
      %mul3A_187 = arith.mulf %get3A_186, %gather3A : vector<16xf32>
      %add3A_188 = arith.constant 0 : i32
      %add3A_189 = arith.addi %add3A_135, %add3A_188 : i32
      %swap3A_190 = arith.index_cast %add3A_189 : i32 to index
      %swap3A_191 = arith.constant 48 : index
      %swap3A_192 = tpu.vector_load %arg10[%swap3A_190, %swap3A_191] {strides = array<i32>} : memref<40x128xf32, #tpu.memory_space<vmem>>, vector<16xf32>,
      tpu.vector_store %arg10[%swap3A_190, %swap3A_191], %mul3A_187 {strides = array<i32>} : memref<40x128xf32, #tpu.memory_space<vmem>>, vector<16xf32>,
      %add3A_193 = arith.constant 0 : i32
      %add3A_194 = arith.addi %add3A_135, %add3A_193 : i32
      %get3A_195 = arith.index_cast %add3A_194 : i32 to index
      %get3A_196 = arith.constant 64 : index
      %get3A_197 = tpu.vector_load %arg10[%get3A_195, %get3A_196] {strides = array<i32>} : memref<40x128xf32, #tpu.memory_space<vmem>>, vector<16xf32>,
      %mul3A_198 = arith.mulf %get3A_197, %gather3A : vector<16xf32>
      %add3A_199 = arith.constant 0 : i32
      %add3A_200 = arith.addi %add3A_135, %add3A_199 : i32
      %swap3A_201 = arith.index_cast %add3A_200 : i32 to index
      %swap3A_202 = arith.constant 64 : index
      %swap3A_203 = tpu.vector_load %arg10[%swap3A_201, %swap3A_202] {strides = array<i32>} : memref<40x128xf32, #tpu.memory_space<vmem>>, vector<16xf32>,
      tpu.vector_store %arg10[%swap3A_201, %swap3A_202], %mul3A_198 {strides = array<i32>} : memref<40x128xf32, #tpu.memory_space<vmem>>, vector<16xf32>,
      %add3A_204 = arith.constant 0 : i32
      %add3A_205 = arith.addi %add3A_135, %add3A_204 : i32
      %get3A_206 = arith.index_cast %add3A_205 : i32 to index
      %get3A_207 = arith.constant 80 : index
      %get3A_208 = tpu.vector_load %arg10[%get3A_206, %get3A_207] {strides = array<i32>} : memref<40x128xf32, #tpu.memory_space<vmem>>, vector<16xf32>,
      %mul3A_209 = arith.mulf %get3A_208, %gather3A : vector<16xf32>
      %add3A_210 = arith.constant 0 : i32
      %add3A_211 = arith.addi %add3A_135, %add3A_210 : i32
      %swap3A_212 = arith.index_cast %add3A_211 : i32 to index
      %swap3A_213 = arith.constant 80 : index
      %swap3A_214 = tpu.vector_load %arg10[%swap3A_212, %swap3A_213] {strides = array<i32>} : memref<40x128xf32, #tpu.memory_space<vmem>>, vector<16xf32>,
      tpu.vector_store %arg10[%swap3A_212, %swap3A_213], %mul3A_209 {strides = array<i32>} : memref<40x128xf32, #tpu.memory_space<vmem>>, vector<16xf32>,
      %add3A_215 = arith.constant 0 : i32
      %add3A_216 = arith.addi %add3A_135, %add3A_215 : i32
      %get3A_217 = arith.index_cast %add3A_216 : i32 to index
      %get3A_218 = arith.constant 96 : index
      %get3A_219 = tpu.vector_load %arg10[%get3A_217, %get3A_218] {strides = array<i32>} : memref<40x128xf32, #tpu.memory_space<vmem>>, vector<16xf32>,
      %mul3A_220 = arith.mulf %get3A_219, %gather3A : vector<16xf32>
      %add3A_221 = arith.constant 0 : i32
      %add3A_222 = arith.addi %add3A_135, %add3A_221 : i32
      %swap3A_223 = arith.index_cast %add3A_222 : i32 to index
      %swap3A_224 = arith.constant 96 : index
      %swap3A_225 = tpu.vector_load %arg10[%swap3A_223, %swap3A_224] {strides = array<i32>} : memref<40x128xf32, #tpu.memory_space<vmem>>, vector<16xf32>,
      tpu.vector_store %arg10[%swap3A_223, %swap3A_224], %mul3A_220 {strides = array<i32>} : memref<40x128xf32, #tpu.memory_space<vmem>>, vector<16xf32>,
      %add3A_226 = arith.constant 0 : i32
      %add3A_227 = arith.addi %add3A_135, %add3A_226 : i32
      %get3A_228 = arith.index_cast %add3A_227 : i32 to index
      %get3A_229 = arith.constant 112 : index
      %get3A_230 = tpu.vector_load %arg10[%get3A_228, %get3A_229] {strides = array<i32>} : memref<40x128xf32, #tpu.memory_space<vmem>>, vector<16xf32>,
      %mul3A_231 = arith.mulf %get3A_230, %gather3A : vector<16xf32>
      %add3A_232 = arith.constant 0 : i32
      %add3A_233 = arith.addi %add3A_135, %add3A_232 : i32
      %swap3A_234 = arith.index_cast %add3A_233 : i32 to index
      %swap3A_235 = arith.constant 112 : index
      %swap3A_236 = tpu.vector_load %arg10[%swap3A_234, %swap3A_235] {strides = array<i32>} : memref<40x128xf32, #tpu.memory_space<vmem>>, vector<16xf32>,
      tpu.vector_store %arg10[%swap3A_234, %swap3A_235], %mul3A_231 {strides = array<i32>} : memref<40x128xf32, #tpu.memory_space<vmem>>, vector<16xf32>,
      %add3A_237 = arith.constant 1 : i32
      %add3A_238 = arith.addi %add3A_135, %add3A_237 : i32
      %get3A_239 = arith.index_cast %add3A_238 : i32 to index
      %get3A_240 = arith.constant 0 : index
      %get3A_241 = tpu.vector_load %arg10[%get3A_239, %get3A_240] {strides = array<i32>} : memref<40x128xf32, #tpu.memory_space<vmem>>, vector<16xf32>,
      %mul3A_242 = arith.mulf %get3A_241, %gather3A_142 : vector<16xf32>
      %add3A_243 = arith.constant 1 : i32
      %add3A_244 = arith.addi %add3A_135, %add3A_243 : i32
      %swap3A_245 = arith.index_cast %add3A_244 : i32 to index
      %swap3A_246 = arith.constant 0 : index
      %swap3A_247 = tpu.vector_load %arg10[%swap3A_245, %swap3A_246] {strides = array<i32>} : memref<40x128xf32, #tpu.memory_space<vmem>>, vector<16xf32>,
      tpu.vector_store %arg10[%swap3A_245, %swap3A_246], %mul3A_242 {strides = array<i32>} : memref<40x128xf32, #tpu.memory_space<vmem>>, vector<16xf32>,
      %add3A_248 = arith.constant 1 : i32
      %add3A_249 = arith.addi %add3A_135, %add3A_248 : i32
      %get3A_250 = arith.index_cast %add3A_249 : i32 to index
      %get3A_251 = arith.constant 16 : index
      %get3A_252 = tpu.vector_load %arg10[%get3A_250, %get3A_251] {strides = array<i32>} : memref<40x128xf32, #tpu.memory_space<vmem>>, vector<16xf32>,
      %mul3A_253 = arith.mulf %get3A_252, %gather3A_142 : vector<16xf32>
      %add3A_254 = arith.constant 1 : i32
      %add3A_255 = arith.addi %add3A_135, %add3A_254 : i32
      %swap3A_256 = arith.index_cast %add3A_255 : i32 to index
      %swap3A_257 = arith.constant 16 : index
      %swap3A_258 = tpu.vector_load %arg10[%swap3A_256, %swap3A_257] {strides = array<i32>} : memref<40x128xf32, #tpu.memory_space<vmem>>, vector<16xf32>,
      tpu.vector_store %arg10[%swap3A_256, %swap3A_257], %mul3A_253 {strides = array<i32>} : memref<40x128xf32, #tpu.memory_space<vmem>>, vector<16xf32>,
      %add3A_259 = arith.constant 1 : i32
      %add3A_260 = arith.addi %add3A_135, %add3A_259 : i32
      %get3A_261 = arith.index_cast %add3A_260 : i32 to index
      %get3A_262 = arith.constant 32 : index
      %get3A_263 = tpu.vector_load %arg10[%get3A_261, %get3A_262] {strides = array<i32>} : memref<40x128xf32, #tpu.memory_space<vmem>>, vector<16xf32>,
      %mul3A_264 = arith.mulf %get3A_263, %gather3A_142 : vector<16xf32>
      %add3A_265 = arith.constant 1 : i32
      %add3A_266 = arith.addi %add3A_135, %add3A_265 : i32
      %swap3A_267 = arith.index_cast %add3A_266 : i32 to index
      %swap3A_268 = arith.constant 32 : index
      %swap3A_269 = tpu.vector_load %arg10[%swap3A_267, %swap3A_268] {strides = array<i32>} : memref<40x128xf32, #tpu.memory_space<vmem>>, vector<16xf32>,
      tpu.vector_store %arg10[%swap3A_267, %swap3A_268], %mul3A_264 {strides = array<i32>} : memref<40x128xf32, #tpu.memory_space<vmem>>, vector<16xf32>,
      %add3A_270 = arith.constant 1 : i32
      %add3A_271 = arith.addi %add3A_135, %add3A_270 : i32
      %get3A_272 = arith.index_cast %add3A_271 : i32 to index
      %get3A_273 = arith.constant 48 : index
      %get3A_274 = tpu.vector_load %arg10[%get3A_272, %get3A_273] {strides = array<i32>} : memref<40x128xf32, #tpu.memory_space<vmem>>, vector<16xf32>,
      %mul3A_275 = arith.mulf %get3A_274, %gather3A_142 : vector<16xf32>
      %add3A_276 = arith.constant 1 : i32
      %add3A_277 = arith.addi %add3A_135, %add3A_276 : i32
      %swap3A_278 = arith.index_cast %add3A_277 : i32 to index
      %swap3A_279 = arith.constant 48 : index
      %swap3A_280 = tpu.vector_load %arg10[%swap3A_278, %swap3A_279] {strides = array<i32>} : memref<40x128xf32, #tpu.memory_space<vmem>>, vector<16xf32>,
      tpu.vector_store %arg10[%swap3A_278, %swap3A_279], %mul3A_275 {strides = array<i32>} : memref<40x128xf32, #tpu.memory_space<vmem>>, vector<16xf32>,
      %add3A_281 = arith.constant 1 : i32
      %add3A_282 = arith.addi %add3A_135, %add3A_281 : i32
      %get3A_283 = arith.index_cast %add3A_282 : i32 to index
      %get3A_284 = arith.constant 64 : index
      %get3A_285 = tpu.vector_load %arg10[%get3A_283, %get3A_284] {strides = array<i32>} : memref<40x128xf32, #tpu.memory_space<vmem>>, vector<16xf32>,
      %mul3A_286 = arith.mulf %get3A_285, %gather3A_142 : vector<16xf32>
      %add3A_287 = arith.constant 1 : i32
      %add3A_288 = arith.addi %add3A_135, %add3A_287 : i32
      %swap3A_289 = arith.index_cast %add3A_288 : i32 to index
      %swap3A_290 = arith.constant 64 : index
      %swap3A_291 = tpu.vector_load %arg10[%swap3A_289, %swap3A_290] {strides = array<i32>} : memref<40x128xf32, #tpu.memory_space<vmem>>, vector<16xf32>,
      tpu.vector_store %arg10[%swap3A_289, %swap3A_290], %mul3A_286 {strides = array<i32>} : memref<40x128xf32, #tpu.memory_space<vmem>>, vector<16xf32>,
      %add3A_292 = arith.constant 1 : i32
      %add3A_293 = arith.addi %add3A_135, %add3A_292 : i32
      %get3A_294 = arith.index_cast %add3A_293 : i32 to index
      %get3A_295 = arith.constant 80 : index
      %get3A_296 = tpu.vector_load %arg10[%get3A_294, %get3A_295] {strides = array<i32>} : memref<40x128xf32, #tpu.memory_space<vmem>>, vector<16xf32>,
      %mul3A_297 = arith.mulf %get3A_296, %gather3A_142 : vector<16xf32>
      %add3A_298 = arith.constant 1 : i32
      %add3A_299 = arith.addi %add3A_135, %add3A_298 : i32
      %swap3A_300 = arith.index_cast %add3A_299 : i32 to index
      %swap3A_301 = arith.constant 80 : index
      %swap3A_302 = tpu.vector_load %arg10[%swap3A_300, %swap3A_301] {strides = array<i32>} : memref<40x128xf32, #tpu.memory_space<vmem>>, vector<16xf32>,
      tpu.vector_store %arg10[%swap3A_300, %swap3A_301], %mul3A_297 {strides = array<i32>} : memref<40x128xf32, #tpu.memory_space<vmem>>, vector<16xf32>,
      %add3A_303 = arith.constant 1 : i32
      %add3A_304 = arith.addi %add3A_135, %add3A_303 : i32
      %get3A_305 = arith.index_cast %add3A_304 : i32 to index
      %get3A_306 = arith.constant 96 : index
      %get3A_307 = tpu.vector_load %arg10[%get3A_305, %get3A_306] {strides = array<i32>} : memref<40x128xf32, #tpu.memory_space<vmem>>, vector<16xf32>,
      %mul3A_308 = arith.mulf %get3A_307, %gather3A_142 : vector<16xf32>
      %add3A_309 = arith.constant 1 : i32
      %add3A_310 = arith.addi %add3A_135, %add3A_309 : i32
      %swap3A_311 = arith.index_cast %add3A_310 : i32 to index
      %swap3A_312 = arith.constant 96 : index
      %swap3A_313 = tpu.vector_load %arg10[%swap3A_311, %swap3A_312] {strides = array<i32>} : memref<40x128xf32, #tpu.memory_space<vmem>>, vector<16xf32>,
      tpu.vector_store %arg10[%swap3A_311, %swap3A_312], %mul3A_308 {strides = array<i32>} : memref<40x128xf32, #tpu.memory_space<vmem>>, vector<16xf32>,
      %add3A_314 = arith.constant 1 : i32
      %add3A_315 = arith.addi %add3A_135, %add3A_314 : i32
      %get3A_316 = arith.index_cast %add3A_315 : i32 to index
      %get3A_317 = arith.constant 112 : index
      %get3A_318 = tpu.vector_load %arg10[%get3A_316, %get3A_317] {strides = array<i32>} : memref<40x128xf32, #tpu.memory_space<vmem>>, vector<16xf32>,
      %mul3A_319 = arith.mulf %get3A_318, %gather3A_142 : vector<16xf32>
      %add3A_320 = arith.constant 1 : i32
      %add3A_321 = arith.addi %add3A_135, %add3A_320 : i32
      %swap3A_322 = arith.index_cast %add3A_321 : i32 to index
      %swap3A_323 = arith.constant 112 : index
      %swap3A_324 = tpu.vector_load %arg10[%swap3A_322, %swap3A_323] {strides = array<i32>} : memref<40x128xf32, #tpu.memory_space<vmem>>, vector<16xf32>,
      tpu.vector_store %arg10[%swap3A_322, %swap3A_323], %mul3A_319 {strides = array<i32>} : memref<40x128xf32, #tpu.memory_space<vmem>>, vector<16xf32>,
      %add3A_325 = arith.constant 2 : i32
      %add3A_326 = arith.addi %add3A_135, %add3A_325 : i32
      %get3A_327 = arith.index_cast %add3A_326 : i32 to index
      %get3A_328 = arith.constant 0 : index
      %get3A_329 = tpu.vector_load %arg10[%get3A_327, %get3A_328] {strides = array<i32>} : memref<40x128xf32, #tpu.memory_space<vmem>>, vector<16xf32>,
      %mul3A_330 = arith.mulf %get3A_329, %gather3A_146 : vector<16xf32>
      %add3A_331 = arith.constant 2 : i32
      %add3A_332 = arith.addi %add3A_135, %add3A_331 : i32
      %swap3A_333 = arith.index_cast %add3A_332 : i32 to index
      %swap3A_334 = arith.constant 0 : index
      %swap3A_335 = tpu.vector_load %arg10[%swap3A_333, %swap3A_334] {strides = array<i32>} : memref<40x128xf32, #tpu.memory_space<vmem>>, vector<16xf32>,
      tpu.vector_store %arg10[%swap3A_333, %swap3A_334], %mul3A_330 {strides = array<i32>} : memref<40x128xf32, #tpu.memory_space<vmem>>, vector<16xf32>,
      %add3A_336 = arith.constant 2 : i32
      %add3A_337 = arith.addi %add3A_135, %add3A_336 : i32
      %get3A_338 = arith.index_cast %add3A_337 : i32 to index
      %get3A_339 = arith.constant 16 : index
      %get3A_340 = tpu.vector_load %arg10[%get3A_338, %get3A_339] {strides = array<i32>} : memref<40x128xf32, #tpu.memory_space<vmem>>, vector<16xf32>,
      %mul3A_341 = arith.mulf %get3A_340, %gather3A_146 : vector<16xf32>
      %add3A_342 = arith.constant 2 : i32
      %add3A_343 = arith.addi %add3A_135, %add3A_342 : i32
      %swap3A_344 = arith.index_cast %add3A_343 : i32 to index
      %swap3A_345 = arith.constant 16 : index
      %swap3A_346 = tpu.vector_load %arg10[%swap3A_344, %swap3A_345] {strides = array<i32>} : memref<40x128xf32, #tpu.memory_space<vmem>>, vector<16xf32>,
      tpu.vector_store %arg10[%swap3A_344, %swap3A_345], %mul3A_341 {strides = array<i32>} : memref<40x128xf32, #tpu.memory_space<vmem>>, vector<16xf32>,
      %add3A_347 = arith.constant 2 : i32
      %add3A_348 = arith.addi %add3A_135, %add3A_347 : i32
      %get3A_349 = arith.index_cast %add3A_348 : i32 to index
      %get3A_350 = arith.constant 32 : index
      %get3A_351 = tpu.vector_load %arg10[%get3A_349, %get3A_350] {strides = array<i32>} : memref<40x128xf32, #tpu.memory_space<vmem>>, vector<16xf32>,
      %mul3A_352 = arith.mulf %get3A_351, %gather3A_146 : vector<16xf32>
      %add3A_353 = arith.constant 2 : i32
      %add3A_354 = arith.addi %add3A_135, %add3A_353 : i32
      %swap3A_355 = arith.index_cast %add3A_354 : i32 to index
      %swap3A_356 = arith.constant 32 : index
      %swap3A_357 = tpu.vector_load %arg10[%swap3A_355, %swap3A_356] {strides = array<i32>} : memref<40x128xf32, #tpu.memory_space<vmem>>, vector<16xf32>,
      tpu.vector_store %arg10[%swap3A_355, %swap3A_356], %mul3A_352 {strides = array<i32>} : memref<40x128xf32, #tpu.memory_space<vmem>>, vector<16xf32>,
      %add3A_358 = arith.constant 2 : i32
      %add3A_359 = arith.addi %add3A_135, %add3A_358 : i32
      %get3A_360 = arith.index_cast %add3A_359 : i32 to index
      %get3A_361 = arith.constant 48 : index
      %get3A_362 = tpu.vector_load %arg10[%get3A_360, %get3A_361] {strides = array<i32>} : memref<40x128xf32, #tpu.memory_space<vmem>>, vector<16xf32>,
      %mul3A_363 = arith.mulf %get3A_362, %gather3A_146 : vector<16xf32>
      %add3A_364 = arith.constant 2 : i32
      %add3A_365 = arith.addi %add3A_135, %add3A_364 : i32
      %swap3A_366 = arith.index_cast %add3A_365 : i32 to index
      %swap3A_367 = arith.constant 48 : index
      %swap3A_368 = tpu.vector_load %arg10[%swap3A_366, %swap3A_367] {strides = array<i32>} : memref<40x128xf32, #tpu.memory_space<vmem>>, vector<16xf32>,
      tpu.vector_store %arg10[%swap3A_366, %swap3A_367], %mul3A_363 {strides = array<i32>} : memref<40x128xf32, #tpu.memory_space<vmem>>, vector<16xf32>,
      %add3A_369 = arith.constant 2 : i32
      %add3A_370 = arith.addi %add3A_135, %add3A_369 : i32
      %get3A_371 = arith.index_cast %add3A_370 : i32 to index
      %get3A_372 = arith.constant 64 : index
      %get3A_373 = tpu.vector_load %arg10[%get3A_371, %get3A_372] {strides = array<i32>} : memref<40x128xf32, #tpu.memory_space<vmem>>, vector<16xf32>,
      %mul3A_374 = arith.mulf %get3A_373, %gather3A_146 : vector<16xf32>
      %add3A_375 = arith.constant 2 : i32
      %add3A_376 = arith.addi %add3A_135, %add3A_375 : i32
      %swap3A_377 = arith.index_cast %add3A_376 : i32 to index
      %swap3A_378 = arith.constant 64 : index
      %swap3A_379 = tpu.vector_load %arg10[%swap3A_377, %swap3A_378] {strides = array<i32>} : memref<40x128xf32, #tpu.memory_space<vmem>>, vector<16xf32>,
      tpu.vector_store %arg10[%swap3A_377, %swap3A_378], %mul3A_374 {strides = array<i32>} : memref<40x128xf32, #tpu.memory_space<vmem>>, vector<16xf32>,
      %add3A_380 = arith.constant 2 : i32
      %add3A_381 = arith.addi %add3A_135, %add3A_380 : i32
      %get3A_382 = arith.index_cast %add3A_381 : i32 to index
      %get3A_383 = arith.constant 80 : index
      %get3A_384 = tpu.vector_load %arg10[%get3A_382, %get3A_383] {strides = array<i32>} : memref<40x128xf32, #tpu.memory_space<vmem>>, vector<16xf32>,
      %mul3A_385 = arith.mulf %get3A_384, %gather3A_146 : vector<16xf32>
      %add3A_386 = arith.constant 2 : i32
      %add3A_387 = arith.addi %add3A_135, %add3A_386 : i32
      %swap3A_388 = arith.index_cast %add3A_387 : i32 to index
      %swap3A_389 = arith.constant 80 : index
      %swap3A_390 = tpu.vector_load %arg10[%swap3A_388, %swap3A_389] {strides = array<i32>} : memref<40x128xf32, #tpu.memory_space<vmem>>, vector<16xf32>,
      tpu.vector_store %arg10[%swap3A_388, %swap3A_389], %mul3A_385 {strides = array<i32>} : memref<40x128xf32, #tpu.memory_space<vmem>>, vector<16xf32>,
      %add3A_391 = arith.constant 2 : i32
      %add3A_392 = arith.addi %add3A_135, %add3A_391 : i32
      %get3A_393 = arith.index_cast %add3A_392 : i32 to index
      %get3A_394 = arith.constant 96 : index
      %get3A_395 = tpu.vector_load %arg10[%get3A_393, %get3A_394] {strides = array<i32>} : memref<40x128xf32, #tpu.memory_space<vmem>>, vector<16xf32>,
      %mul3A_396 = arith.mulf %get3A_395, %gather3A_146 : vector<16xf32>
      %add3A_397 = arith.constant 2 : i32
      %add3A_398 = arith.addi %add3A_135, %add3A_397 : i32
      %swap3A_399 = arith.index_cast %add3A_398 : i32 to index
      %swap3A_400 = arith.constant 96 : index
      %swap3A_401 = tpu.vector_load %arg10[%swap3A_399, %swap3A_400] {strides = array<i32>} : memref<40x128xf32, #tpu.memory_space<vmem>>, vector<16xf32>,
      tpu.vector_store %arg10[%swap3A_399, %swap3A_400], %mul3A_396 {strides = array<i32>} : memref<40x128xf32, #tpu.memory_space<vmem>>, vector<16xf32>,
      %add3A_402 = arith.constant 2 : i32
      %add3A_403 = arith.addi %add3A_135, %add3A_402 : i32
      %get3A_404 = arith.index_cast %add3A_403 : i32 to index
      %get3A_405 = arith.constant 112 : index
      %get3A_406 = tpu.vector_load %arg10[%get3A_404, %get3A_405] {strides = array<i32>} : memref<40x128xf32, #tpu.memory_space<vmem>>, vector<16xf32>,
      %mul3A_407 = arith.mulf %get3A_406, %gather3A_146 : vector<16xf32>
      %add3A_408 = arith.constant 2 : i32
      %add3A_409 = arith.addi %add3A_135, %add3A_408 : i32
      %swap3A_410 = arith.index_cast %add3A_409 : i32 to index
      %swap3A_411 = arith.constant 112 : index
      %swap3A_412 = tpu.vector_load %arg10[%swap3A_410, %swap3A_411] {strides = array<i32>} : memref<40x128xf32, #tpu.memory_space<vmem>>, vector<16xf32>,
      tpu.vector_store %arg10[%swap3A_410, %swap3A_411], %mul3A_407 {strides = array<i32>} : memref<40x128xf32, #tpu.memory_space<vmem>>, vector<16xf32>,
      %add3A_413 = arith.constant 3 : i32
      %add3A_414 = arith.addi %add3A_135, %add3A_413 : i32
      %get3A_415 = arith.index_cast %add3A_414 : i32 to index
      %get3A_416 = arith.constant 0 : index
      %get3A_417 = tpu.vector_load %arg10[%get3A_415, %get3A_416] {strides = array<i32>} : memref<40x128xf32, #tpu.memory_space<vmem>>, vector<16xf32>,
      %mul3A_418 = arith.mulf %get3A_417, %gather3A_150 : vector<16xf32>
      %add3A_419 = arith.constant 3 : i32
      %add3A_420 = arith.addi %add3A_135, %add3A_419 : i32
      %swap3A_421 = arith.index_cast %add3A_420 : i32 to index
      %swap3A_422 = arith.constant 0 : index
      %swap3A_423 = tpu.vector_load %arg10[%swap3A_421, %swap3A_422] {strides = array<i32>} : memref<40x128xf32, #tpu.memory_space<vmem>>, vector<16xf32>,
      tpu.vector_store %arg10[%swap3A_421, %swap3A_422], %mul3A_418 {strides = array<i32>} : memref<40x128xf32, #tpu.memory_space<vmem>>, vector<16xf32>,
      %add3A_424 = arith.constant 3 : i32
      %add3A_425 = arith.addi %add3A_135, %add3A_424 : i32
      %get3A_426 = arith.index_cast %add3A_425 : i32 to index
      %get3A_427 = arith.constant 16 : index
      %get3A_428 = tpu.vector_load %arg10[%get3A_426, %get3A_427] {strides = array<i32>} : memref<40x128xf32, #tpu.memory_space<vmem>>, vector<16xf32>,
      %mul3A_429 = arith.mulf %get3A_428, %gather3A_150 : vector<16xf32>
      %add3A_430 = arith.constant 3 : i32
      %add3A_431 = arith.addi %add3A_135, %add3A_430 : i32
      %swap3A_432 = arith.index_cast %add3A_431 : i32 to index
      %swap3A_433 = arith.constant 16 : index
      %swap3A_434 = tpu.vector_load %arg10[%swap3A_432, %swap3A_433] {strides = array<i32>} : memref<40x128xf32, #tpu.memory_space<vmem>>, vector<16xf32>,
      tpu.vector_store %arg10[%swap3A_432, %swap3A_433], %mul3A_429 {strides = array<i32>} : memref<40x128xf32, #tpu.memory_space<vmem>>, vector<16xf32>,
      %add3A_435 = arith.constant 3 : i32
      %add3A_436 = arith.addi %add3A_135, %add3A_435 : i32
      %get3A_437 = arith.index_cast %add3A_436 : i32 to index
      %get3A_438 = arith.constant 32 : index
      %get3A_439 = tpu.vector_load %arg10[%get3A_437, %get3A_438] {strides = array<i32>} : memref<40x128xf32, #tpu.memory_space<vmem>>, vector<16xf32>,
      %mul3A_440 = arith.mulf %get3A_439, %gather3A_150 : vector<16xf32>
      %add3A_441 = arith.constant 3 : i32
      %add3A_442 = arith.addi %add3A_135, %add3A_441 : i32
      %swap3A_443 = arith.index_cast %add3A_442 : i32 to index
      %swap3A_444 = arith.constant 32 : index
      %swap3A_445 = tpu.vector_load %arg10[%swap3A_443, %swap3A_444] {strides = array<i32>} : memref<40x128xf32, #tpu.memory_space<vmem>>, vector<16xf32>,
      tpu.vector_store %arg10[%swap3A_443, %swap3A_444], %mul3A_440 {strides = array<i32>} : memref<40x128xf32, #tpu.memory_space<vmem>>, vector<16xf32>,
      %add3A_446 = arith.constant 3 : i32
      %add3A_447 = arith.addi %add3A_135, %add3A_446 : i32
      %get3A_448 = arith.index_cast %add3A_447 : i32 to index
      %get3A_449 = arith.constant 48 : index
      %get3A_450 = tpu.vector_load %arg10[%get3A_448, %get3A_449] {strides = array<i32>} : memref<40x128xf32, #tpu.memory_space<vmem>>, vector<16xf32>,
      %mul3A_451 = arith.mulf %get3A_450, %gather3A_150 : vector<16xf32>
      %add3A_452 = arith.constant 3 : i32
      %add3A_453 = arith.addi %add3A_135, %add3A_452 : i32
      %swap3A_454 = arith.index_cast %add3A_453 : i32 to index
      %swap3A_455 = arith.constant 48 : index
      %swap3A_456 = tpu.vector_load %arg10[%swap3A_454, %swap3A_455] {strides = array<i32>} : memref<40x128xf32, #tpu.memory_space<vmem>>, vector<16xf32>,
      tpu.vector_store %arg10[%swap3A_454, %swap3A_455], %mul3A_451 {strides = array<i32>} : memref<40x128xf32, #tpu.memory_space<vmem>>, vector<16xf32>,
      %add3A_457 = arith.constant 3 : i32
      %add3A_458 = arith.addi %add3A_135, %add3A_457 : i32
      %get3A_459 = arith.index_cast %add3A_458 : i32 to index
      %get3A_460 = arith.constant 64 : index
      %get3A_461 = tpu.vector_load %arg10[%get3A_459, %get3A_460] {strides = array<i32>} : memref<40x128xf32, #tpu.memory_space<vmem>>, vector<16xf32>,
      %mul3A_462 = arith.mulf %get3A_461, %gather3A_150 : vector<16xf32>
      %add3A_463 = arith.constant 3 : i32
      %add3A_464 = arith.addi %add3A_135, %add3A_463 : i32
      %swap3A_465 = arith.index_cast %add3A_464 : i32 to index
      %swap3A_466 = arith.constant 64 : index
      %swap3A_467 = tpu.vector_load %arg10[%swap3A_465, %swap3A_466] {strides = array<i32>} : memref<40x128xf32, #tpu.memory_space<vmem>>, vector<16xf32>,
      tpu.vector_store %arg10[%swap3A_465, %swap3A_466], %mul3A_462 {strides = array<i32>} : memref<40x128xf32, #tpu.memory_space<vmem>>, vector<16xf32>,
      %add3A_468 = arith.constant 3 : i32
      %add3A_469 = arith.addi %add3A_135, %add3A_468 : i32
      %get3A_470 = arith.index_cast %add3A_469 : i32 to index
      %get3A_471 = arith.constant 80 : index
      %get3A_472 = tpu.vector_load %arg10[%get3A_470, %get3A_471] {strides = array<i32>} : memref<40x128xf32, #tpu.memory_space<vmem>>, vector<16xf32>,
      %mul3A_473 = arith.mulf %get3A_472, %gather3A_150 : vector<16xf32>
      %add3A_474 = arith.constant 3 : i32
      %add3A_475 = arith.addi %add3A_135, %add3A_474 : i32
      %swap3A_476 = arith.index_cast %add3A_475 : i32 to index
      %swap3A_477 = arith.constant 80 : index
      %swap3A_478 = tpu.vector_load %arg10[%swap3A_476, %swap3A_477] {strides = array<i32>} : memref<40x128xf32, #tpu.memory_space<vmem>>, vector<16xf32>,
      tpu.vector_store %arg10[%swap3A_476, %swap3A_477], %mul3A_473 {strides = array<i32>} : memref<40x128xf32, #tpu.memory_space<vmem>>, vector<16xf32>,
      %add3A_479 = arith.constant 3 : i32
      %add3A_480 = arith.addi %add3A_135, %add3A_479 : i32
      %get3A_481 = arith.index_cast %add3A_480 : i32 to index
      %get3A_482 = arith.constant 96 : index
      %get3A_483 = tpu.vector_load %arg10[%get3A_481, %get3A_482] {strides = array<i32>} : memref<40x128xf32, #tpu.memory_space<vmem>>, vector<16xf32>,
      %mul3A_484 = arith.mulf %get3A_483, %gather3A_150 : vector<16xf32>
      %add3A_485 = arith.constant 3 : i32
      %add3A_486 = arith.addi %add3A_135, %add3A_485 : i32
      %swap3A_487 = arith.index_cast %add3A_486 : i32 to index
      %swap3A_488 = arith.constant 96 : index
      %swap3A_489 = tpu.vector_load %arg10[%swap3A_487, %swap3A_488] {strides = array<i32>} : memref<40x128xf32, #tpu.memory_space<vmem>>, vector<16xf32>,
      tpu.vector_store %arg10[%swap3A_487, %swap3A_488], %mul3A_484 {strides = array<i32>} : memref<40x128xf32, #tpu.memory_space<vmem>>, vector<16xf32>,
      %add3A_490 = arith.constant 3 : i32
      %add3A_491 = arith.addi %add3A_135, %add3A_490 : i32
      %get3A_492 = arith.index_cast %add3A_491 : i32 to index
      %get3A_493 = arith.constant 112 : index
      %get3A_494 = tpu.vector_load %arg10[%get3A_492, %get3A_493] {strides = array<i32>} : memref<40x128xf32, #tpu.memory_space<vmem>>, vector<16xf32>,
      %mul3A_495 = arith.mulf %get3A_494, %gather3A_150 : vector<16xf32>
      %add3A_496 = arith.constant 3 : i32
      %add3A_497 = arith.addi %add3A_135, %add3A_496 : i32
      %swap3A_498 = arith.index_cast %add3A_497 : i32 to index
      %swap3A_499 = arith.constant 112 : index
      %swap3A_500 = tpu.vector_load %arg10[%swap3A_498, %swap3A_499] {strides = array<i32>} : memref<40x128xf32, #tpu.memory_space<vmem>>, vector<16xf32>,
      tpu.vector_store %arg10[%swap3A_498, %swap3A_499], %mul3A_495 {strides = array<i32>} : memref<40x128xf32, #tpu.memory_space<vmem>>, vector<16xf32>,
    }
    %scan3A_71 = arith.constant 10 : i32
    %dma_start3A_72 = arith.constant 124 : i32
    %dma_start3A_73 = arith.constant 0 : i32
    %dma_start3A_74 = tpu.memref_slice %arg8[%dma_start3A_72, %dma_start3A_73] : memref<125x40xi32, #tpu.memory_space<vmem>> -> memref<1x40xi32, #tpu.memory_space<vmem>>
    %dma_start3A_75 = tpu.memref_squeeze %dma_start3A_74 : memref<1x40xi32, #tpu.memory_space<vmem>> -> memref<40xi32, #tpu.memory_space<vmem>>
    %dma_start3A_76 = arith.constant 0 : i32
    %dma_start3A_77 = arith.constant 0 : i32
    %dma_start3A_78 = tpu.memref_slice %arg12[%dma_start3A_76, %dma_start3A_77] : memref<8000x128xf32, #tpu.memory_space<vmem_shared>> -> memref<8000x128xf32, #tpu.memory_space<vmem_shared>>
    tpu.enqueue_indirect_dma source(%arg10 : memref<40x128xf32, #tpu.memory_space<vmem>>) target(%dma_start3A_78 : memref<8000x128xf32, #tpu.memory_space<vmem_shared>>) offsets(%dma_start3A_75 : memref<40xi32, #tpu.memory_space<vmem>>) semaphore(%arg15 : memref<!tpu.dma_semaphore, #tpu.memory_space<semaphore_mem>>) {add = true}
    %dma_wait3A_79 = arith.constant 124 : i32
    %dma_wait3A_80 = arith.constant 0 : i32
    %dma_wait3A_81 = tpu.memref_slice %arg8[%dma_wait3A_79, %dma_wait3A_80] : memref<125x40xi32, #tpu.memory_space<vmem>> -> memref<1x40xi32, #tpu.memory_space<vmem>>
    %dma_wait3A_82 = tpu.memref_squeeze %dma_wait3A_81 : memref<1x40xi32, #tpu.memory_space<vmem>> -> memref<40xi32, #tpu.memory_space<vmem>>
    %dma_wait3A_83 = arith.constant 0 : i32
    %dma_wait3A_84 = arith.constant 0 : i32
    %dma_wait3A_85 = tpu.memref_slice %arg12[%dma_wait3A_83, %dma_wait3A_84] : memref<8000x128xf32, #tpu.memory_space<vmem_shared>> -> memref<8000x128xf32, #tpu.memory_space<vmem_shared>>
    tpu.wait_indirect_dma semaphore(%arg15 : memref<!tpu.dma_semaphore, #tpu.memory_space<semaphore_mem>>) src(%arg10 : memref<40x128xf32, #tpu.memory_space<vmem>>) dst(%dma_wait3A_85 : memref<8000x128xf32, #tpu.memory_space<vmem_shared>>)
    %dma_wait3A_86 = arith.constant 124 : i32
    %dma_wait3A_87 = arith.constant 0 : i32
    %dma_wait3A_88 = tpu.memref_slice %arg7[%dma_wait3A_86, %dma_wait3A_87] : memref<125x40xi32, #tpu.memory_space<vmem>> -> memref<1x40xi32, #tpu.memory_space<vmem>>
    %dma_wait3A_89 = tpu.memref_squeeze %dma_wait3A_88 : memref<1x40xi32, #tpu.memory_space<vmem>> -> memref<40xi32, #tpu.memory_space<vmem>>
    %dma_wait3A_90 = arith.constant 0 : i32
    %dma_wait3A_91 = arith.constant 0 : i32
    %dma_wait3A_92 = tpu.memref_slice %arg2[%dma_wait3A_90, %dma_wait3A_91] : memref<10000x128xf32, #tpu.memory_space<hbm>> -> memref<10000x128xf32, #tpu.memory_space<hbm>>
    tpu.wait_indirect_dma semaphore(%arg14 : memref<!tpu.dma_semaphore, #tpu.memory_space<semaphore_mem>>) src(%dma_wait3A_92 : memref<10000x128xf32, #tpu.memory_space<hbm>>) dst(%arg11 : memref<40x128xf32, #tpu.memory_space<vmem>>)
    %scan3A_93 = arith.constant 1 : i32
    %barrier3A_94 = arith.constant 0 : index
    tpu.barrier barrier_id(%barrier3A_94)
    %sub3A_95 = arith.constant 200 : i32
    %sub3A_96 = arith.subi %sub3A_95, %arg1 : i32
    %sub3A_97 = arith.constant 16 : i32
    %sub3A_98 = arith.constant 1 : i32
    %sub3A_99 = arith.subi %sub3A_97, %sub3A_98 : i32
    %add3A_100 = arith.addi %sub3A_96, %sub3A_99 : i32
    %div3A_101 = arith.constant 16 : i32
    %div3A_102 = arith.divsi %add3A_100, %div3A_101 : i32
    %while3A_103 = arith.constant 16 : i32
    %while3A_104 = arith.constant 0 : i32
    %while3A_105 = arith.subi %div3A_102, %while3A_104 : i32
    %while3A_106 = arith.addi %while3A_104, %while3A_105 : i32
    %while3A_107 = arith.constant 1 : i32
    %while3A_108 = arith.divsi %while3A_105, %while3A_107 : i32
    %while3A_109 = arith.muli %while3A_108, %while3A_107 : i32
    %while3A_110 = arith.addi %while3A_104, %while3A_109 : i32
    %while3A_111 = arith.constant 1 : i32
    scf.for %while3A_131 = %while3A_104 to %while3A_110 step %while3A_111  : i32 {
      %mul3A_132 = arith.muli %while3A_131, %while3A_103 : i32
      %add3A_133 = arith.addi %arg1, %mul3A_132 : i32
      %mul3A_134 = arith.constant 40 : i32
      %mul3A_135 = arith.muli %add3A_133, %mul3A_134 : i32
      %mul3A_136 = arith.constant 40 : i32
      %mul3A_137 = arith.muli %add3A_133, %mul3A_136 : i32
      %dma_start3A_138 = arith.constant 0 : i32
      %dma_start3A_139 = tpu.memref_slice %arg6[%arg0, %mul3A_137, %dma_start3A_138] : memref<2x8000x128xf32, #tpu.memory_space<hbm>> -> memref<1x40x128xf32, #tpu.memory_space<hbm>>
      %dma_start3A_140 = tpu.memref_squeeze %dma_start3A_139 : memref<1x40x128xf32, #tpu.memory_space<hbm>> -> memref<40x128xf32, #tpu.memory_space<hbm>>
      %dma_start3A_141 = arith.constant 0 : i32
      %dma_start3A_142 = tpu.memref_slice %arg12[%mul3A_135, %dma_start3A_141] : memref<8000x128xf32, #tpu.memory_space<vmem_shared>> -> memref<40x128xf32, #tpu.memory_space<vmem_shared>>
      tpu.enqueue_dma source(%dma_start3A_142 : memref<40x128xf32, #tpu.memory_space<vmem_shared>>) target(%dma_start3A_140 : memref<40x128xf32, #tpu.memory_space<hbm>>) target_semaphore(%arg13 : memref<!tpu.dma_semaphore, #tpu.memory_space<semaphore_mem>>)
    }
    %while3A_112 = arith.constant 1 : i32
    scf.for %while3A_131 = %while3A_110 to %while3A_106 step %while3A_112  : i32 {
      %mul3A_132 = arith.muli %while3A_131, %while3A_103 : i32
      %add3A_133 = arith.addi %arg1, %mul3A_132 : i32
      %mul3A_134 = arith.constant 40 : i32
      %mul3A_135 = arith.muli %add3A_133, %mul3A_134 : i32
      %mul3A_136 = arith.constant 40 : i32
      %mul3A_137 = arith.muli %add3A_133, %mul3A_136 : i32
      %dma_start3A_138 = arith.constant 0 : i32
      %dma_start3A_139 = tpu.memref_slice %arg6[%arg0, %mul3A_137, %dma_start3A_138] : memref<2x8000x128xf32, #tpu.memory_space<hbm>> -> memref<1x40x128xf32, #tpu.memory_space<hbm>>
      %dma_start3A_140 = tpu.memref_squeeze %dma_start3A_139 : memref<1x40x128xf32, #tpu.memory_space<hbm>> -> memref<40x128xf32, #tpu.memory_space<hbm>>
      %dma_start3A_141 = arith.constant 0 : i32
      %dma_start3A_142 = tpu.memref_slice %arg12[%mul3A_135, %dma_start3A_141] : memref<8000x128xf32, #tpu.memory_space<vmem_shared>> -> memref<40x128xf32, #tpu.memory_space<vmem_shared>>
      tpu.enqueue_dma source(%dma_start3A_142 : memref<40x128xf32, #tpu.memory_space<vmem_shared>>) target(%dma_start3A_140 : memref<40x128xf32, #tpu.memory_space<hbm>>) target_semaphore(%arg13 : memref<!tpu.dma_semaphore, #tpu.memory_space<semaphore_mem>>)
    }
    %sub3A_113 = arith.constant 200 : i32
    %sub3A_114 = arith.subi %sub3A_113, %arg1 : i32
    %sub3A_115 = arith.constant 16 : i32
    %sub3A_116 = arith.constant 1 : i32
    %sub3A_117 = arith.subi %sub3A_115, %sub3A_116 : i32
    %add3A_118 = arith.addi %sub3A_114, %sub3A_117 : i32
    %div3A_119 = arith.constant 16 : i32
    %div3A_120 = arith.divsi %add3A_118, %div3A_119 : i32
    %while3A_121 = arith.constant 16 : i32
    %while3A_122 = arith.constant 0 : i32
    %while3A_123 = arith.subi %div3A_120, %while3A_122 : i32
    %while3A_124 = arith.addi %while3A_122, %while3A_123 : i32
    %while3A_125 = arith.constant 1 : i32
    %while3A_126 = arith.divsi %while3A_123, %while3A_125 : i32
    %while3A_127 = arith.muli %while3A_126, %while3A_125 : i32
    %while3A_128 = arith.addi %while3A_122, %while3A_127 : i32
    %while3A_129 = arith.constant 1 : i32
    scf.for %while3A_131 = %while3A_122 to %while3A_128 step %while3A_129  : i32 {
      %mul3A_132 = arith.muli %while3A_131, %while3A_121 : i32
      %add3A_133 = arith.addi %arg1, %mul3A_132 : i32
      %mul3A_134 = arith.constant 40 : i32
      %mul3A_135 = arith.muli %add3A_133, %mul3A_134 : i32
      %mul3A_136 = arith.constant 40 : i32
      %mul3A_137 = arith.muli %add3A_133, %mul3A_136 : i32
      %dma_wait3A_138 = arith.constant 0 : i32
      %dma_wait3A_139 = tpu.memref_slice %arg6[%arg0, %mul3A_137, %dma_wait3A_138] : memref<2x8000x128xf32, #tpu.memory_space<hbm>> -> memref<1x40x128xf32, #tpu.memory_space<hbm>>
      %dma_wait3A_140 = tpu.memref_squeeze %dma_wait3A_139 : memref<1x40x128xf32, #tpu.memory_space<hbm>> -> memref<40x128xf32, #tpu.memory_space<hbm>>
      %dma_wait3A_141 = arith.constant 0 : i32
      %dma_wait3A_142 = tpu.memref_slice %arg12[%mul3A_135, %dma_wait3A_141] : memref<8000x128xf32, #tpu.memory_space<vmem_shared>> -> memref<40x128xf32, #tpu.memory_space<vmem_shared>>
      tpu.wait_dma2 semaphore(%arg13 : memref<!tpu.dma_semaphore, #tpu.memory_space<semaphore_mem>>) src(%dma_wait3A_142 : memref<40x128xf32, #tpu.memory_space<vmem_shared>>) dst(%dma_wait3A_140 : memref<40x128xf32, #tpu.memory_space<hbm>>)
    }
    %while3A_130 = arith.constant 1 : i32
    scf.for %while3A_131 = %while3A_128 to %while3A_124 step %while3A_130  : i32 {
      %mul3A_132 = arith.muli %while3A_131, %while3A_121 : i32
      %add3A_133 = arith.addi %arg1, %mul3A_132 : i32
      %mul3A_134 = arith.constant 40 : i32
      %mul3A_135 = arith.muli %add3A_133, %mul3A_134 : i32
      %mul3A_136 = arith.constant 40 : i32
      %mul3A_137 = arith.muli %add3A_133, %mul3A_136 : i32
      %dma_wait3A_138 = arith.constant 0 : i32
      %dma_wait3A_139 = tpu.memref_slice %arg6[%arg0, %mul3A_137, %dma_wait3A_138] : memref<2x8000x128xf32, #tpu.memory_space<hbm>> -> memref<1x40x128xf32, #tpu.memory_space<hbm>>
      %dma_wait3A_140 = tpu.memref_squeeze %dma_wait3A_139 : memref<1x40x128xf32, #tpu.memory_space<hbm>> -> memref<40x128xf32, #tpu.memory_space<hbm>>
      %dma_wait3A_141 = arith.constant 0 : i32
      %dma_wait3A_142 = tpu.memref_slice %arg12[%mul3A_135, %dma_wait3A_141] : memref<8000x128xf32, #tpu.memory_space<vmem_shared>> -> memref<40x128xf32, #tpu.memory_space<vmem_shared>>
      tpu.wait_dma2 semaphore(%arg13 : memref<!tpu.dma_semaphore, #tpu.memory_space<semaphore_mem>>) src(%dma_wait3A_142 : memref<40x128xf32, #tpu.memory_space<vmem_shared>>) dst(%dma_wait3A_140 : memref<40x128xf32, #tpu.memory_space<hbm>>)
    }
    return
  }
}

module attributes {stable_mosaic.version = 14 : i64} {
  func.func @_table_body(%arg0: i32, %arg1: memref<1000x128xf32, #tpu.memory_space<vmem>>, %arg2: memref<16x128xf32, #tpu.memory_space<vmem>>, %arg3: memref<16x1000x128xf32, #tpu.memory_space<vmem>>) attributes {dimension_semantics = [#tpu.dimension_semantics<arbitrary>], iteration_bounds = array<i64: 10>, scalar_prefetch = 0 : i64, scratch_operands = 0 : i64, tpu.core_type = #tpu.core_type<tc>, window_params = [{transform_indices = @transform_0, window_bounds = array<i64: 1000, 128>}, {pipeline_mode = #tpu.pipeline_mode<synchronous>, transform_indices = @transform_1, window_bounds = array<i64: 16, 128>}, {transform_indices = @transform_2, window_bounds = array<i64: 16, 1000, 128>}]} {
    %get3A = arith.constant 0 : index
    %get3A_0 = arith.constant 0 : index
    %get3A_1 = vector.load %arg1[%get3A, %get3A_0] : memref<1000x128xf32, #tpu.memory_space<vmem>>, vector<1000x128xf32>
    %get3A_2 = arith.constant 0 : index
    %get3A_3 = arith.constant 0 : index
    %get3A_4 = vector.load %arg2[%get3A_2, %get3A_3] : memref<16x128xf32, #tpu.memory_space<vmem>>, vector<1x128xf32>
    %mul3A = vector.broadcast %get3A_4 : vector<1x128xf32> to vector<1000x128xf32>
    %mul3A_5 = arith.mulf %get3A_1, %mul3A : vector<1000x128xf32>
    %swap3A = arith.constant 0 : index
    %swap3A_6 = arith.constant 0 : index
    %swap3A_7 = arith.constant 0 : index
    %swap3A_8 = vector.load %arg3[%swap3A, %swap3A_6, %swap3A_7] : memref<16x1000x128xf32, #tpu.memory_space<vmem>>, vector<1x1000x128xf32>
    %swap3A_9 = vector.shape_cast %swap3A_8 : vector<1x1000x128xf32> to vector<1000x128xf32>
    %swap3A_10 = vector.shape_cast %mul3A_5 : vector<1000x128xf32> to vector<1x1000x128xf32>
    tpu.vector_store %arg3[%swap3A, %swap3A_6, %swap3A_7], %swap3A_10 {strides = array<i32>} : memref<16x1000x128xf32, #tpu.memory_space<vmem>>, vector<1x1000x128xf32>,
    %get3A_11 = arith.constant 0 : index
    %get3A_12 = arith.constant 0 : index
    %get3A_13 = vector.load %arg1[%get3A_11, %get3A_12] : memref<1000x128xf32, #tpu.memory_space<vmem>>, vector<1000x128xf32>
    %get3A_14 = arith.constant 1 : index
    %get3A_15 = arith.constant 0 : index
    %get3A_16 = vector.load %arg2[%get3A_14, %get3A_15] : memref<16x128xf32, #tpu.memory_space<vmem>>, vector<1x128xf32>
    %mul3A_17 = vector.broadcast %get3A_16 : vector<1x128xf32> to vector<1000x128xf32>
    %mul3A_18 = arith.mulf %get3A_13, %mul3A_17 : vector<1000x128xf32>
    %swap3A_19 = arith.constant 1 : index
    %swap3A_20 = arith.constant 0 : index
    %swap3A_21 = arith.constant 0 : index
    %swap3A_22 = vector.load %arg3[%swap3A_19, %swap3A_20, %swap3A_21] : memref<16x1000x128xf32, #tpu.memory_space<vmem>>, vector<1x1000x128xf32>
    %swap3A_23 = vector.shape_cast %swap3A_22 : vector<1x1000x128xf32> to vector<1000x128xf32>
    %swap3A_24 = vector.shape_cast %mul3A_18 : vector<1000x128xf32> to vector<1x1000x128xf32>
    tpu.vector_store %arg3[%swap3A_19, %swap3A_20, %swap3A_21], %swap3A_24 {strides = array<i32>} : memref<16x1000x128xf32, #tpu.memory_space<vmem>>, vector<1x1000x128xf32>,
    %get3A_25 = arith.constant 0 : index
    %get3A_26 = arith.constant 0 : index
    %get3A_27 = vector.load %arg1[%get3A_25, %get3A_26] : memref<1000x128xf32, #tpu.memory_space<vmem>>, vector<1000x128xf32>
    %get3A_28 = arith.constant 2 : index
    %get3A_29 = arith.constant 0 : index
    %get3A_30 = vector.load %arg2[%get3A_28, %get3A_29] : memref<16x128xf32, #tpu.memory_space<vmem>>, vector<1x128xf32>
    %mul3A_31 = vector.broadcast %get3A_30 : vector<1x128xf32> to vector<1000x128xf32>
    %mul3A_32 = arith.mulf %get3A_27, %mul3A_31 : vector<1000x128xf32>
    %swap3A_33 = arith.constant 2 : index
    %swap3A_34 = arith.constant 0 : index
    %swap3A_35 = arith.constant 0 : index
    %swap3A_36 = vector.load %arg3[%swap3A_33, %swap3A_34, %swap3A_35] : memref<16x1000x128xf32, #tpu.memory_space<vmem>>, vector<1x1000x128xf32>
    %swap3A_37 = vector.shape_cast %swap3A_36 : vector<1x1000x128xf32> to vector<1000x128xf32>
    %swap3A_38 = vector.shape_cast %mul3A_32 : vector<1000x128xf32> to vector<1x1000x128xf32>
    tpu.vector_store %arg3[%swap3A_33, %swap3A_34, %swap3A_35], %swap3A_38 {strides = array<i32>} : memref<16x1000x128xf32, #tpu.memory_space<vmem>>, vector<1x1000x128xf32>,
    %get3A_39 = arith.constant 0 : index
    %get3A_40 = arith.constant 0 : index
    %get3A_41 = vector.load %arg1[%get3A_39, %get3A_40] : memref<1000x128xf32, #tpu.memory_space<vmem>>, vector<1000x128xf32>
    %get3A_42 = arith.constant 3 : index
    %get3A_43 = arith.constant 0 : index
    %get3A_44 = vector.load %arg2[%get3A_42, %get3A_43] : memref<16x128xf32, #tpu.memory_space<vmem>>, vector<1x128xf32>
    %mul3A_45 = vector.broadcast %get3A_44 : vector<1x128xf32> to vector<1000x128xf32>
    %mul3A_46 = arith.mulf %get3A_41, %mul3A_45 : vector<1000x128xf32>
    %swap3A_47 = arith.constant 3 : index
    %swap3A_48 = arith.constant 0 : index
    %swap3A_49 = arith.constant 0 : index
    %swap3A_50 = vector.load %arg3[%swap3A_47, %swap3A_48, %swap3A_49] : memref<16x1000x128xf32, #tpu.memory_space<vmem>>, vector<1x1000x128xf32>
    %swap3A_51 = vector.shape_cast %swap3A_50 : vector<1x1000x128xf32> to vector<1000x128xf32>
    %swap3A_52 = vector.shape_cast %mul3A_46 : vector<1000x128xf32> to vector<1x1000x128xf32>
    tpu.vector_store %arg3[%swap3A_47, %swap3A_48, %swap3A_49], %swap3A_52 {strides = array<i32>} : memref<16x1000x128xf32, #tpu.memory_space<vmem>>, vector<1x1000x128xf32>,
    %get3A_53 = arith.constant 0 : index
    %get3A_54 = arith.constant 0 : index
    %get3A_55 = vector.load %arg1[%get3A_53, %get3A_54] : memref<1000x128xf32, #tpu.memory_space<vmem>>, vector<1000x128xf32>
    %get3A_56 = arith.constant 4 : index
    %get3A_57 = arith.constant 0 : index
    %get3A_58 = vector.load %arg2[%get3A_56, %get3A_57] : memref<16x128xf32, #tpu.memory_space<vmem>>, vector<1x128xf32>
    %mul3A_59 = vector.broadcast %get3A_58 : vector<1x128xf32> to vector<1000x128xf32>
    %mul3A_60 = arith.mulf %get3A_55, %mul3A_59 : vector<1000x128xf32>
    %swap3A_61 = arith.constant 4 : index
    %swap3A_62 = arith.constant 0 : index
    %swap3A_63 = arith.constant 0 : index
    %swap3A_64 = vector.load %arg3[%swap3A_61, %swap3A_62, %swap3A_63] : memref<16x1000x128xf32, #tpu.memory_space<vmem>>, vector<1x1000x128xf32>
    %swap3A_65 = vector.shape_cast %swap3A_64 : vector<1x1000x128xf32> to vector<1000x128xf32>
    %swap3A_66 = vector.shape_cast %mul3A_60 : vector<1000x128xf32> to vector<1x1000x128xf32>
    tpu.vector_store %arg3[%swap3A_61, %swap3A_62, %swap3A_63], %swap3A_66 {strides = array<i32>} : memref<16x1000x128xf32, #tpu.memory_space<vmem>>, vector<1x1000x128xf32>,
    %get3A_67 = arith.constant 0 : index
    %get3A_68 = arith.constant 0 : index
    %get3A_69 = vector.load %arg1[%get3A_67, %get3A_68] : memref<1000x128xf32, #tpu.memory_space<vmem>>, vector<1000x128xf32>
    %get3A_70 = arith.constant 5 : index
    %get3A_71 = arith.constant 0 : index
    %get3A_72 = vector.load %arg2[%get3A_70, %get3A_71] : memref<16x128xf32, #tpu.memory_space<vmem>>, vector<1x128xf32>
    %mul3A_73 = vector.broadcast %get3A_72 : vector<1x128xf32> to vector<1000x128xf32>
    %mul3A_74 = arith.mulf %get3A_69, %mul3A_73 : vector<1000x128xf32>
    %swap3A_75 = arith.constant 5 : index
    %swap3A_76 = arith.constant 0 : index
    %swap3A_77 = arith.constant 0 : index
    %swap3A_78 = vector.load %arg3[%swap3A_75, %swap3A_76, %swap3A_77] : memref<16x1000x128xf32, #tpu.memory_space<vmem>>, vector<1x1000x128xf32>
    %swap3A_79 = vector.shape_cast %swap3A_78 : vector<1x1000x128xf32> to vector<1000x128xf32>
    %swap3A_80 = vector.shape_cast %mul3A_74 : vector<1000x128xf32> to vector<1x1000x128xf32>
    tpu.vector_store %arg3[%swap3A_75, %swap3A_76, %swap3A_77], %swap3A_80 {strides = array<i32>} : memref<16x1000x128xf32, #tpu.memory_space<vmem>>, vector<1x1000x128xf32>,
    %get3A_81 = arith.constant 0 : index
    %get3A_82 = arith.constant 0 : index
    %get3A_83 = vector.load %arg1[%get3A_81, %get3A_82] : memref<1000x128xf32, #tpu.memory_space<vmem>>, vector<1000x128xf32>
    %get3A_84 = arith.constant 6 : index
    %get3A_85 = arith.constant 0 : index
    %get3A_86 = vector.load %arg2[%get3A_84, %get3A_85] : memref<16x128xf32, #tpu.memory_space<vmem>>, vector<1x128xf32>
    %mul3A_87 = vector.broadcast %get3A_86 : vector<1x128xf32> to vector<1000x128xf32>
    %mul3A_88 = arith.mulf %get3A_83, %mul3A_87 : vector<1000x128xf32>
    %swap3A_89 = arith.constant 6 : index
    %swap3A_90 = arith.constant 0 : index
    %swap3A_91 = arith.constant 0 : index
    %swap3A_92 = vector.load %arg3[%swap3A_89, %swap3A_90, %swap3A_91] : memref<16x1000x128xf32, #tpu.memory_space<vmem>>, vector<1x1000x128xf32>
    %swap3A_93 = vector.shape_cast %swap3A_92 : vector<1x1000x128xf32> to vector<1000x128xf32>
    %swap3A_94 = vector.shape_cast %mul3A_88 : vector<1000x128xf32> to vector<1x1000x128xf32>
    tpu.vector_store %arg3[%swap3A_89, %swap3A_90, %swap3A_91], %swap3A_94 {strides = array<i32>} : memref<16x1000x128xf32, #tpu.memory_space<vmem>>, vector<1x1000x128xf32>,
    %get3A_95 = arith.constant 0 : index
    %get3A_96 = arith.constant 0 : index
    %get3A_97 = vector.load %arg1[%get3A_95, %get3A_96] : memref<1000x128xf32, #tpu.memory_space<vmem>>, vector<1000x128xf32>
    %get3A_98 = arith.constant 7 : index
    %get3A_99 = arith.constant 0 : index
    %get3A_100 = vector.load %arg2[%get3A_98, %get3A_99] : memref<16x128xf32, #tpu.memory_space<vmem>>, vector<1x128xf32>
    %mul3A_101 = vector.broadcast %get3A_100 : vector<1x128xf32> to vector<1000x128xf32>
    %mul3A_102 = arith.mulf %get3A_97, %mul3A_101 : vector<1000x128xf32>
    %swap3A_103 = arith.constant 7 : index
    %swap3A_104 = arith.constant 0 : index
    %swap3A_105 = arith.constant 0 : index
    %swap3A_106 = vector.load %arg3[%swap3A_103, %swap3A_104, %swap3A_105] : memref<16x1000x128xf32, #tpu.memory_space<vmem>>, vector<1x1000x128xf32>
    %swap3A_107 = vector.shape_cast %swap3A_106 : vector<1x1000x128xf32> to vector<1000x128xf32>
    %swap3A_108 = vector.shape_cast %mul3A_102 : vector<1000x128xf32> to vector<1x1000x128xf32>
    tpu.vector_store %arg3[%swap3A_103, %swap3A_104, %swap3A_105], %swap3A_108 {strides = array<i32>} : memref<16x1000x128xf32, #tpu.memory_space<vmem>>, vector<1x1000x128xf32>,
    %get3A_109 = arith.constant 0 : index
    %get3A_110 = arith.constant 0 : index
    %get3A_111 = vector.load %arg1[%get3A_109, %get3A_110] : memref<1000x128xf32, #tpu.memory_space<vmem>>, vector<1000x128xf32>
    %get3A_112 = arith.constant 8 : index
    %get3A_113 = arith.constant 0 : index
    %get3A_114 = vector.load %arg2[%get3A_112, %get3A_113] : memref<16x128xf32, #tpu.memory_space<vmem>>, vector<1x128xf32>
    %mul3A_115 = vector.broadcast %get3A_114 : vector<1x128xf32> to vector<1000x128xf32>
    %mul3A_116 = arith.mulf %get3A_111, %mul3A_115 : vector<1000x128xf32>
    %swap3A_117 = arith.constant 8 : index
    %swap3A_118 = arith.constant 0 : index
    %swap3A_119 = arith.constant 0 : index
    %swap3A_120 = vector.load %arg3[%swap3A_117, %swap3A_118, %swap3A_119] : memref<16x1000x128xf32, #tpu.memory_space<vmem>>, vector<1x1000x128xf32>
    %swap3A_121 = vector.shape_cast %swap3A_120 : vector<1x1000x128xf32> to vector<1000x128xf32>
    %swap3A_122 = vector.shape_cast %mul3A_116 : vector<1000x128xf32> to vector<1x1000x128xf32>
    tpu.vector_store %arg3[%swap3A_117, %swap3A_118, %swap3A_119], %swap3A_122 {strides = array<i32>} : memref<16x1000x128xf32, #tpu.memory_space<vmem>>, vector<1x1000x128xf32>,
    %get3A_123 = arith.constant 0 : index
    %get3A_124 = arith.constant 0 : index
    %get3A_125 = vector.load %arg1[%get3A_123, %get3A_124] : memref<1000x128xf32, #tpu.memory_space<vmem>>, vector<1000x128xf32>
    %get3A_126 = arith.constant 9 : index
    %get3A_127 = arith.constant 0 : index
    %get3A_128 = vector.load %arg2[%get3A_126, %get3A_127] : memref<16x128xf32, #tpu.memory_space<vmem>>, vector<1x128xf32>
    %mul3A_129 = vector.broadcast %get3A_128 : vector<1x128xf32> to vector<1000x128xf32>
    %mul3A_130 = arith.mulf %get3A_125, %mul3A_129 : vector<1000x128xf32>
    %swap3A_131 = arith.constant 9 : index
    %swap3A_132 = arith.constant 0 : index
    %swap3A_133 = arith.constant 0 : index
    %swap3A_134 = vector.load %arg3[%swap3A_131, %swap3A_132, %swap3A_133] : memref<16x1000x128xf32, #tpu.memory_space<vmem>>, vector<1x1000x128xf32>
    %swap3A_135 = vector.shape_cast %swap3A_134 : vector<1x1000x128xf32> to vector<1000x128xf32>
    %swap3A_136 = vector.shape_cast %mul3A_130 : vector<1000x128xf32> to vector<1x1000x128xf32>
    tpu.vector_store %arg3[%swap3A_131, %swap3A_132, %swap3A_133], %swap3A_136 {strides = array<i32>} : memref<16x1000x128xf32, #tpu.memory_space<vmem>>, vector<1x1000x128xf32>,
    %get3A_137 = arith.constant 0 : index
    %get3A_138 = arith.constant 0 : index
    %get3A_139 = vector.load %arg1[%get3A_137, %get3A_138] : memref<1000x128xf32, #tpu.memory_space<vmem>>, vector<1000x128xf32>
    %get3A_140 = arith.constant 10 : index
    %get3A_141 = arith.constant 0 : index
    %get3A_142 = vector.load %arg2[%get3A_140, %get3A_141] : memref<16x128xf32, #tpu.memory_space<vmem>>, vector<1x128xf32>
    %mul3A_143 = vector.broadcast %get3A_142 : vector<1x128xf32> to vector<1000x128xf32>
    %mul3A_144 = arith.mulf %get3A_139, %mul3A_143 : vector<1000x128xf32>
    %swap3A_145 = arith.constant 10 : index
    %swap3A_146 = arith.constant 0 : index
    %swap3A_147 = arith.constant 0 : index
    %swap3A_148 = vector.load %arg3[%swap3A_145, %swap3A_146, %swap3A_147] : memref<16x1000x128xf32, #tpu.memory_space<vmem>>, vector<1x1000x128xf32>
    %swap3A_149 = vector.shape_cast %swap3A_148 : vector<1x1000x128xf32> to vector<1000x128xf32>
    %swap3A_150 = vector.shape_cast %mul3A_144 : vector<1000x128xf32> to vector<1x1000x128xf32>
    tpu.vector_store %arg3[%swap3A_145, %swap3A_146, %swap3A_147], %swap3A_150 {strides = array<i32>} : memref<16x1000x128xf32, #tpu.memory_space<vmem>>, vector<1x1000x128xf32>,
    %get3A_151 = arith.constant 0 : index
    %get3A_152 = arith.constant 0 : index
    %get3A_153 = vector.load %arg1[%get3A_151, %get3A_152] : memref<1000x128xf32, #tpu.memory_space<vmem>>, vector<1000x128xf32>
    %get3A_154 = arith.constant 11 : index
    %get3A_155 = arith.constant 0 : index
    %get3A_156 = vector.load %arg2[%get3A_154, %get3A_155] : memref<16x128xf32, #tpu.memory_space<vmem>>, vector<1x128xf32>
    %mul3A_157 = vector.broadcast %get3A_156 : vector<1x128xf32> to vector<1000x128xf32>
    %mul3A_158 = arith.mulf %get3A_153, %mul3A_157 : vector<1000x128xf32>
    %swap3A_159 = arith.constant 11 : index
    %swap3A_160 = arith.constant 0 : index
    %swap3A_161 = arith.constant 0 : index
    %swap3A_162 = vector.load %arg3[%swap3A_159, %swap3A_160, %swap3A_161] : memref<16x1000x128xf32, #tpu.memory_space<vmem>>, vector<1x1000x128xf32>
    %swap3A_163 = vector.shape_cast %swap3A_162 : vector<1x1000x128xf32> to vector<1000x128xf32>
    %swap3A_164 = vector.shape_cast %mul3A_158 : vector<1000x128xf32> to vector<1x1000x128xf32>
    tpu.vector_store %arg3[%swap3A_159, %swap3A_160, %swap3A_161], %swap3A_164 {strides = array<i32>} : memref<16x1000x128xf32, #tpu.memory_space<vmem>>, vector<1x1000x128xf32>,
    %get3A_165 = arith.constant 0 : index
    %get3A_166 = arith.constant 0 : index
    %get3A_167 = vector.load %arg1[%get3A_165, %get3A_166] : memref<1000x128xf32, #tpu.memory_space<vmem>>, vector<1000x128xf32>
    %get3A_168 = arith.constant 12 : index
    %get3A_169 = arith.constant 0 : index
    %get3A_170 = vector.load %arg2[%get3A_168, %get3A_169] : memref<16x128xf32, #tpu.memory_space<vmem>>, vector<1x128xf32>
    %mul3A_171 = vector.broadcast %get3A_170 : vector<1x128xf32> to vector<1000x128xf32>
    %mul3A_172 = arith.mulf %get3A_167, %mul3A_171 : vector<1000x128xf32>
    %swap3A_173 = arith.constant 12 : index
    %swap3A_174 = arith.constant 0 : index
    %swap3A_175 = arith.constant 0 : index
    %swap3A_176 = vector.load %arg3[%swap3A_173, %swap3A_174, %swap3A_175] : memref<16x1000x128xf32, #tpu.memory_space<vmem>>, vector<1x1000x128xf32>
    %swap3A_177 = vector.shape_cast %swap3A_176 : vector<1x1000x128xf32> to vector<1000x128xf32>
    %swap3A_178 = vector.shape_cast %mul3A_172 : vector<1000x128xf32> to vector<1x1000x128xf32>
    tpu.vector_store %arg3[%swap3A_173, %swap3A_174, %swap3A_175], %swap3A_178 {strides = array<i32>} : memref<16x1000x128xf32, #tpu.memory_space<vmem>>, vector<1x1000x128xf32>,
    %get3A_179 = arith.constant 0 : index
    %get3A_180 = arith.constant 0 : index
    %get3A_181 = vector.load %arg1[%get3A_179, %get3A_180] : memref<1000x128xf32, #tpu.memory_space<vmem>>, vector<1000x128xf32>
    %get3A_182 = arith.constant 13 : index
    %get3A_183 = arith.constant 0 : index
    %get3A_184 = vector.load %arg2[%get3A_182, %get3A_183] : memref<16x128xf32, #tpu.memory_space<vmem>>, vector<1x128xf32>
    %mul3A_185 = vector.broadcast %get3A_184 : vector<1x128xf32> to vector<1000x128xf32>
    %mul3A_186 = arith.mulf %get3A_181, %mul3A_185 : vector<1000x128xf32>
    %swap3A_187 = arith.constant 13 : index
    %swap3A_188 = arith.constant 0 : index
    %swap3A_189 = arith.constant 0 : index
    %swap3A_190 = vector.load %arg3[%swap3A_187, %swap3A_188, %swap3A_189] : memref<16x1000x128xf32, #tpu.memory_space<vmem>>, vector<1x1000x128xf32>
    %swap3A_191 = vector.shape_cast %swap3A_190 : vector<1x1000x128xf32> to vector<1000x128xf32>
    %swap3A_192 = vector.shape_cast %mul3A_186 : vector<1000x128xf32> to vector<1x1000x128xf32>
    tpu.vector_store %arg3[%swap3A_187, %swap3A_188, %swap3A_189], %swap3A_192 {strides = array<i32>} : memref<16x1000x128xf32, #tpu.memory_space<vmem>>, vector<1x1000x128xf32>,
    %get3A_193 = arith.constant 0 : index
    %get3A_194 = arith.constant 0 : index
    %get3A_195 = vector.load %arg1[%get3A_193, %get3A_194] : memref<1000x128xf32, #tpu.memory_space<vmem>>, vector<1000x128xf32>
    %get3A_196 = arith.constant 14 : index
    %get3A_197 = arith.constant 0 : index
    %get3A_198 = vector.load %arg2[%get3A_196, %get3A_197] : memref<16x128xf32, #tpu.memory_space<vmem>>, vector<1x128xf32>
    %mul3A_199 = vector.broadcast %get3A_198 : vector<1x128xf32> to vector<1000x128xf32>
    %mul3A_200 = arith.mulf %get3A_195, %mul3A_199 : vector<1000x128xf32>
    %swap3A_201 = arith.constant 14 : index
    %swap3A_202 = arith.constant 0 : index
    %swap3A_203 = arith.constant 0 : index
    %swap3A_204 = vector.load %arg3[%swap3A_201, %swap3A_202, %swap3A_203] : memref<16x1000x128xf32, #tpu.memory_space<vmem>>, vector<1x1000x128xf32>
    %swap3A_205 = vector.shape_cast %swap3A_204 : vector<1x1000x128xf32> to vector<1000x128xf32>
    %swap3A_206 = vector.shape_cast %mul3A_200 : vector<1000x128xf32> to vector<1x1000x128xf32>
    tpu.vector_store %arg3[%swap3A_201, %swap3A_202, %swap3A_203], %swap3A_206 {strides = array<i32>} : memref<16x1000x128xf32, #tpu.memory_space<vmem>>, vector<1x1000x128xf32>,
    %get3A_207 = arith.constant 0 : index
    %get3A_208 = arith.constant 0 : index
    %get3A_209 = vector.load %arg1[%get3A_207, %get3A_208] : memref<1000x128xf32, #tpu.memory_space<vmem>>, vector<1000x128xf32>
    %get3A_210 = arith.constant 15 : index
    %get3A_211 = arith.constant 0 : index
    %get3A_212 = vector.load %arg2[%get3A_210, %get3A_211] : memref<16x128xf32, #tpu.memory_space<vmem>>, vector<1x128xf32>
    %mul3A_213 = vector.broadcast %get3A_212 : vector<1x128xf32> to vector<1000x128xf32>
    %mul3A_214 = arith.mulf %get3A_209, %mul3A_213 : vector<1000x128xf32>
    %swap3A_215 = arith.constant 15 : index
    %swap3A_216 = arith.constant 0 : index
    %swap3A_217 = arith.constant 0 : index
    %swap3A_218 = vector.load %arg3[%swap3A_215, %swap3A_216, %swap3A_217] : memref<16x1000x128xf32, #tpu.memory_space<vmem>>, vector<1x1000x128xf32>
    %swap3A_219 = vector.shape_cast %swap3A_218 : vector<1x1000x128xf32> to vector<1000x128xf32>
    %swap3A_220 = vector.shape_cast %mul3A_214 : vector<1000x128xf32> to vector<1x1000x128xf32>
    tpu.vector_store %arg3[%swap3A_215, %swap3A_216, %swap3A_217], %swap3A_220 {strides = array<i32>} : memref<16x1000x128xf32, #tpu.memory_space<vmem>>, vector<1x1000x128xf32>,
    return
  }
  func.func @transform_0(%arg0: i32) -> (i32, i32) {
    %c0_i32 = arith.constant 0 : i32
    %c0_i32_0 = arith.constant 0 : i32
    return %arg0, %c0_i32 : i32, i32
  }
  func.func @transform_1(%arg0: i32) -> (i32, i32) {
    %c0_i32 = arith.constant 0 : i32
    %c0_i32_0 = arith.constant 0 : i32
    %c0_i32_1 = arith.constant 0 : i32
    return %c0_i32, %c0_i32_0 : i32, i32
  }
  func.func @transform_2(%arg0: i32) -> (i32, i32, i32) {
    %c0_i32 = arith.constant 0 : i32
    %c0_i32_0 = arith.constant 0 : i32
    %c0_i32_1 = arith.constant 0 : i32
    return %c0_i32, %arg0, %c0_i32_0 : i32, i32, i32
  }
}

module attributes {stable_mosaic.version = 14 : i64} {
  func.func @_comb_body(%arg0: i32, %arg1: memref<2x1000x128xf32, #tpu.memory_space<vmem>>, %arg2: memref<1000x128xf32, #tpu.memory_space<vmem>>) attributes {dimension_semantics = [#tpu.dimension_semantics<arbitrary>], iteration_bounds = array<i64: 10>, scalar_prefetch = 0 : i64, scratch_operands = 0 : i64, tpu.core_type = #tpu.core_type<tc>, window_params = [{transform_indices = @transform_0, window_bounds = array<i64: 2, 1000, 128>}, {transform_indices = @transform_1, window_bounds = array<i64: 1000, 128>}]} {
    %get3A = arith.constant 0 : index
    %get3A_0 = arith.constant 0 : index
    %get3A_1 = arith.constant 0 : index
    %get3A_2 = vector.load %arg1[%get3A, %get3A_0, %get3A_1] : memref<2x1000x128xf32, #tpu.memory_space<vmem>>, vector<1x1000x128xf32>
    %get3A_3 = vector.shape_cast %get3A_2 : vector<1x1000x128xf32> to vector<1000x128xf32>
    %get3A_4 = arith.constant 1 : index
    %get3A_5 = arith.constant 0 : index
    %get3A_6 = arith.constant 0 : index
    %get3A_7 = vector.load %arg1[%get3A_4, %get3A_5, %get3A_6] : memref<2x1000x128xf32, #tpu.memory_space<vmem>>, vector<1x1000x128xf32>
    %get3A_8 = vector.shape_cast %get3A_7 : vector<1x1000x128xf32> to vector<1000x128xf32>
    %add3A = arith.addf %get3A_3, %get3A_8 : vector<1000x128xf32>
    %swap3A = arith.constant 0 : index
    %swap3A_9 = arith.constant 0 : index
    %swap3A_10 = vector.load %arg2[%swap3A, %swap3A_9] : memref<1000x128xf32, #tpu.memory_space<vmem>>, vector<1000x128xf32>
    tpu.vector_store %arg2[%swap3A, %swap3A_9], %add3A {strides = array<i32>} : memref<1000x128xf32, #tpu.memory_space<vmem>>, vector<1000x128xf32>,
    return
  }
  func.func @transform_0(%arg0: i32) -> (i32, i32, i32) {
    %c0_i32 = arith.constant 0 : i32
    %c0_i32_0 = arith.constant 0 : i32
    %c0_i32_1 = arith.constant 0 : i32
    return %c0_i32, %arg0, %c0_i32_0 : i32, i32, i32
  }
  func.func @transform_1(%arg0: i32) -> (i32, i32) {
    %c0_i32 = arith.constant 0 : i32
    %c0_i32_0 = arith.constant 0 : i32
    return %arg0, %c0_i32 : i32, i32
  }
}

module attributes {stable_mosaic.version = 14 : i64} {
  func.func @_comb_body(%arg0: i32, %arg1: memref<2x1000x128xf32, #tpu.memory_space<vmem>>, %arg2: memref<1000x128xf32, #tpu.memory_space<vmem>>) attributes {dimension_semantics = [#tpu.dimension_semantics<arbitrary>], iteration_bounds = array<i64: 8>, scalar_prefetch = 0 : i64, scratch_operands = 0 : i64, tpu.core_type = #tpu.core_type<tc>, window_params = [{transform_indices = @transform_0, window_bounds = array<i64: 2, 1000, 128>}, {transform_indices = @transform_1, window_bounds = array<i64: 1000, 128>}]} {
    %get3A = arith.constant 0 : index
    %get3A_0 = arith.constant 0 : index
    %get3A_1 = arith.constant 0 : index
    %get3A_2 = vector.load %arg1[%get3A, %get3A_0, %get3A_1] : memref<2x1000x128xf32, #tpu.memory_space<vmem>>, vector<1x1000x128xf32>
    %get3A_3 = vector.shape_cast %get3A_2 : vector<1x1000x128xf32> to vector<1000x128xf32>
    %get3A_4 = arith.constant 1 : index
    %get3A_5 = arith.constant 0 : index
    %get3A_6 = arith.constant 0 : index
    %get3A_7 = vector.load %arg1[%get3A_4, %get3A_5, %get3A_6] : memref<2x1000x128xf32, #tpu.memory_space<vmem>>, vector<1x1000x128xf32>
    %get3A_8 = vector.shape_cast %get3A_7 : vector<1x1000x128xf32> to vector<1000x128xf32>
    %add3A = arith.addf %get3A_3, %get3A_8 : vector<1000x128xf32>
    %swap3A = arith.constant 0 : index
    %swap3A_9 = arith.constant 0 : index
    %swap3A_10 = vector.load %arg2[%swap3A, %swap3A_9] : memref<1000x128xf32, #tpu.memory_space<vmem>>, vector<1000x128xf32>
    tpu.vector_store %arg2[%swap3A, %swap3A_9], %add3A {strides = array<i32>} : memref<1000x128xf32, #tpu.memory_space<vmem>>, vector<1000x128xf32>,
    return
  }
  func.func @transform_0(%arg0: i32) -> (i32, i32, i32) {
    %c0_i32 = arith.constant 0 : i32
    %c0_i32_0 = arith.constant 0 : i32
    %c0_i32_1 = arith.constant 0 : i32
    return %c0_i32, %arg0, %c0_i32_0 : i32, i32, i32
  }
  func.func @transform_1(%arg0: i32) -> (i32, i32) {
    %c0_i32 = arith.constant 0 : i32
    %c0_i32_0 = arith.constant 0 : i32
    return %arg0, %c0_i32 : i32, i32
  }
}

</mosaic_0001>

<sc_bundles>
// kernel: kernel.10.cloned.1.call-start
scs
__scs_entry_jumppad:
0x0: {  	(pc) =	sbr.rel $0x88, $3  }
0x1: {  	(tag) =	ssettag $0x0;
	lr =	simm.s32 $0x1  }
0x2: {  	[smem:$0x3F9A] =	sst lr;
	_ =	strace $0xD0000000  }
0x3: {  	_ = 	snop  }
0x4: {  	_ = 	snop  }
0x5: {  	_ = 	snop  }
0x6: {  	_ = 	snop  }
0x7: {  	_ = 	snop  }
__scs_overlays_trampoline_lowered:
0x8: {  	[smem:$0x3FA9] =	sst s0  }
0x9: {  	[smem:$0x3FAA] =	sst s1  }
0xa: {  	[smem:$0x3FAB] =	sst s2  }
0xb: {  	[smem:$0x3FAC] =	sst s3  }
0xc: {  	[smem:$0x3FAD] =	sst s4  }
0xd: {  	[smem:$0x3FAE] =	sst s5  }
0xe: {  	[smem:$0x3FAF] =	sst s6  }
0xf: {  	[smem:$0x3FB0] =	sst s7  }
0x10: {  	[smem:$0x3FB1] =	sst s8  }
0x11: {  	[smem:$0x3FB2] =	sst s9;
	s0 =	simm.s32 @!p0 $0x0  }
0x12: {  	s1 =	sld [smem:$0x3F98];
	s0 =	simm.s32 @p0 $0x1  }
0x13: {  	[smem:$0x3FB3] =	sst s0;
	s0 =	simm.s32 @!p1 $0x0  }
0x14: {  	s2 =	sld [smem:$0x3F97];
	s0 =	simm.s32 @p1 $0x1  }
0x15: {  	[smem:$0x3FB4] =	sst s0;
	s0 =	simm.s32 @!p2 $0x0  }
0x16: {  	s3 =	sld [smem:$0x3FDB];
	s0 =	simm.s32 @p2 $0x1  }
0x17: {  	s4 =	simm.s32 $0x1BF5;
	[smem:$0x3FB6] =	sst s0  }
0x18: {  	s0 =	sld [smem:$0x3F99];
	_ =	swait.ge [sflag:s4], $0x0  }
0x19: {  	s7 =	sld [smem:$0x3F9A]  }
0x1a: {  	s8 =	sadd.s32 $0xFFFFE003, lr  }
0x1b: {  	s9 =	sadd.s32 $0xFFFFFEF7, lr;
	s5 =	simm.s32 $0xFFFFFFFF;
	p2 =	slt.u32 s8, $0xFFFFF086  }
0x1c: {  	p1 =	slt.u32 s9, $0xF7A;
	s5 =	simm.s32 @!p2 $0x0  }
0x1d: {  	s5 =	simm.s32 @p1 $0x1;
	p0 =	seq.s32 s7, s2  }
0x1e: {  	s7 =	smul.u32 @!p0 $0xF7A, s2;
	p2 =	seq.s32 @!p0 s5, $0x0  }
0x1f: {  	s9 =	smul.u32 $0xF7A, s1;
	s8 =	simm.s32 @!p0 $0x1BF5;
	p2 =	por !p2, p0  }
0x20: {  	[sflag:s8] =	ssyncset.s32 @!p0 $0xFFFFF086;
	s6 =	sadd.s32 @!p0 s3, s7;
	s7 =	simm.s32 @!p0 $0x108  }
0x21: {  	s3 =	sadd.s32 s3, s9;
	s6 =	sadd.s32 @!p0 $0x88, s6;
	s7 =	simm.s32 @p2 $0x1082  }
0x22: {  	[simem:s7], [sflag:s8] =	dma.local @!p0 [hbm:s6], $0xF7A  }
0x23: {  	s9 =	sor.u32 $0xD0000000, s2;
	s6 =	simm.s32 $0x108;
	_ =	swait.ge @!p0 [sflag:s8], $0x0  }
0x24: {  	s3 =	sadd.s32 $0x88, s3;
	s6 =	simm.s32 @!p1 $0x1082;
	[sflag:s4] =	ssyncset.s32 $0xFFFFF086  }
0x25: {  	[simem:s6], [sflag:s4] =	dma.local [hbm:s3], $0xF7A  }
0x26: {  	[smem:$0x3F9A] =	sst s1;
	(tag) =	ssettag s2;
	_ =	strace s9  }
0x27: {  	s1 =	sld [smem:$0x3FAA]  }
0x28: {  	s2 =	sld [smem:$0x3FAB]  }
0x29: {  	s4 =	sld [smem:$0x3FAD]  }
0x2a: {  	p0 =	seq.s32 s5, $0x0;
	s5 =	sld [smem:$0x3FAE]  }
0x2b: {  	s6 =	sld [smem:$0x3FAF]  }
0x2c: {  	s7 =	sld [smem:$0x3FB0]  }
0x2d: {  	s3 =	simm.s32 $0x108;
	s8 =	sld [smem:$0x3FB1]  }
0x2e: {  	s3 =	simm.s32 @!p0 $0x1082;
	s9 =	sld [smem:$0x3FB2]  }
0x2f: {  	lr =	sadd.s32 s0, s3;
	s0 =	sld [smem:$0x3FA9]  }
0x30: {  	s3 =	sld [smem:$0x3FAC]  }
0x31: {  	[smem:$0x3FB5] =	sst s10  }
0x32: {  	s10 =	sld [smem:$0x3FB3];
	_ =	sdelay $0x3  }
0x33: {  	p0 =	seq.s32 s10, $0x1;
	s10 =	sld [smem:$0x3FB5];
	_ =	sdelay $0x3  }
0x34: {  	[smem:$0x3FB5] =	sst s10  }
0x35: {  	s10 =	sld [smem:$0x3FB4];
	_ =	sdelay $0x3  }
0x36: {  	p1 =	seq.s32 s10, $0x1;
	s10 =	sld [smem:$0x3FB5];
	_ =	sdelay $0x3  }
0x37: {  	[smem:$0x3FB5] =	sst s10  }
0x38: {  	s10 =	sld [smem:$0x3FB6]  }
0x39: {  	_ = 	snop;
	(pc) =	sbr.ind lr, $3  }
0x3a: {  	_ = 	snop  }
0x3b: {  	_ = 	snop  }
0x3c: {  	p2 =	seq.s32 s10, $0x1;
	s10 =	sld [smem:$0x3FB5]  }
0x3d: {  	_ =	shalt  }
0x3e: {  	_ =	shalt  }
0x3f: {  	_ =	shalt  }
0x40: {  	_ =	shalt  }
0x41: {  	_ =	shalt  }
0x42: {  	_ =	shalt  }
0x43: {  	_ =	shalt  }
0x44: {  	_ =	shalt  }
0x45: {  	_ =	shalt  }
0x46: {  	_ =	shalt  }
0x47: {  	_ =	shalt  }
0x48: {  	_ =	shalt  }
0x49: {  	_ =	shalt  }
0x4a: {  	_ =	shalt  }
0x4b: {  	_ =	shalt  }
0x4c: {  	_ =	shalt  }
0x4d: {  	_ =	shalt  }
0x4e: {  	_ =	shalt  }
0x4f: {  	_ =	shalt  }
0x50: {  	_ =	shalt  }
0x51: {  	_ =	shalt  }
0x52: {  	_ =	shalt  }
0x53: {  	_ =	shalt  }
0x54: {  	_ =	shalt  }
0x55: {  	_ =	shalt  }
0x56: {  	_ =	shalt  }
0x57: {  	_ =	shalt  }
0x58: {  	_ =	shalt  }
0x59: {  	_ =	shalt  }
0x5a: {  	_ =	shalt  }
0x5b: {  	_ =	shalt  }
0x5c: {  	_ =	shalt  }
0x5d: {  	_ =	shalt  }
0x5e: {  	_ =	shalt  }
0x5f: {  	_ =	shalt  }
0x60: {  	_ =	shalt  }
0x61: {  	_ =	shalt  }
0x62: {  	_ =	shalt  }
0x63: {  	_ =	shalt  }
0x64: {  	_ =	shalt  }
0x65: {  	_ =	shalt  }
0x66: {  	_ =	shalt  }
0x67: {  	_ =	shalt  }
0x68: {  	_ =	shalt  }
0x69: {  	_ =	shalt  }
0x6a: {  	_ =	shalt  }
0x6b: {  	_ =	shalt  }
0x6c: {  	_ =	shalt  }
0x6d: {  	_ =	shalt  }
0x6e: {  	_ =	shalt  }
0x6f: {  	_ =	shalt  }
0x70: {  	_ =	shalt  }
0x71: {  	_ =	shalt  }
0x72: {  	_ =	shalt  }
0x73: {  	_ =	shalt  }
0x74: {  	_ =	shalt  }
0x75: {  	_ =	shalt  }
0x76: {  	_ =	shalt  }
0x77: {  	_ =	shalt  }
0x78: {  	_ =	shalt  }
0x79: {  	_ =	shalt  }
0x7a: {  	_ =	shalt  }
0x7b: {  	_ =	shalt  }
0x7c: {  	_ =	shalt  }
0x7d: {  	_ =	shalt  }
0x7e: {  	_ =	shalt  }
0x7f: {  	_ =	shalt  }
0x80: {  	_ =	shalt  }
0x81: {  	_ =	shalt  }
0x82: {  	_ =	shalt  }
0x83: {  	_ =	shalt  }
0x84: {  	_ =	shalt  }
0x85: {  	_ =	shalt  }
0x86: {  	_ =	shalt  }
0x87: {  	_ =	shalt  }
.Lfunc_end0:
.L_simem_size_0:
called_computation.1_lowered:
.L_overlay_start_0:
0x88: {  	s2 =	sld [smem:$0x3FD9]  }
0x89: {  	s3 =	sld [smem:$0x3FFE];
	_ =	sdelay $0x1  }
0x8a: {  	s1 =	srdreg.scid  }
0x8b: {  	s0 =	sand.u32 $0x1, s1  }
0x8c: {  	s14 =	sshll.u32 s0, $0xA;
	s2 =	sadd.s32 s3, s2  }
0x8d: {  	s2 =	sadd.s32 s2, s14  }
0x8e: {  	[smem:$0x3FC1] =	sst s2  }
0x8f: {  	_ = 	snop  }
0x90: {  	s2 =	sld [smem:$0x3FD0];
	_ =	sdelay $0x2  }
0x91: {  	s15 =	simm.s32 $0xB;
	s4 =	simm.s32 $0x10  }
0x92: {  	[smem:s4], [sflag:s15] =	dma.local [hbm:s2], $0x1  }
0x93: {  	_ =	swait.eq [sflag:s15], $0x1  }
0x94: {  	[sflag:s15] =	ssyncset.done $0x0  }
0x95: {  	[sflag:s15] =	ssyncadd.s32 $0xFFFFFFFF  }
0x96: {  	s16 =	sld [smem:$0x10];
	(tm) =	ssettm $0x1  }
0x97: {  	s17 =	sld [smem:$0x3FFB];
	_ =	sdelay $0x3  }
0x98: {  	_ =	strace s17  }
0x99: {  	s3 =	sld [smem:$0x3FFC];
	_ =	sdelay $0x3  }
0x9a: {  	_ =	strace s3  }
0x9b: {  	s3 =	sld [smem:$0x3FFD];
	_ =	sdelay $0x3  }
0x9c: {  	_ =	strace s3  }
0x9d: {  	_ =	strace $0x8FFFFFFF  }
0x9e: {  	s18 =	sld [smem:$0x3FDB];
	_ =	sdelay $0x1  }
0x9f: {  	s19 =	simm.s32 $_scs_section_size  }
0xa0: {  	s5 =	simm.s32 $_size__tile_overlayer_lowered;
	s6 =	simm.s32 $_tile_overlayer_lowered  }
0xa1: {  	s22 =	simm.s32 $0x1BFF;
	s21 =	sshll.u32 s6, $0x1;
	s3 =	sadd.s32 s19, s18  }
0xa2: {  	s7 =	simm.s32 $0x0;
	s20 =	sshll.u32 s5, $0x1;
	s5 =	sadd.s32 s21, s3  }
0xa3: {  	[timem:s7], [sflag:s22] =	dma.local [hbm:s5], s20  }
0xa4: {  	_ =	swait.ge [sflag:s22], s20  }
0xa5: {  	s4 =	ssub.s32 $0x0, s20;
	[sflag:s22] =	ssyncset.done $0x0  }
0xa6: {  	[sflag:s22] =	ssyncadd.s32 s4;
	_ =	sdelay $0x1  }
0xa7: {  	s23 =	simm.s32 $0x1B8B  }
0xa8: {  	_ =	swait.ge [sflag:s23], $0x1  }
0xa9: {  	[sflag:s23] =	ssyncset.done $0x0  }
0xaa: {  	s25 =	simm.s32 $0x1B8E;
	s24 =	sld [smem:$0x3FFE];
	[sflag:s23] =	ssyncadd.s32 $0xFFFFFFFF  }
0xab: {  	s26 =	simm.s32 $execute0_lowered;
	[smem:$0x3FD2] =	sst s25  }
0xac: {  	s5 =	sshll.u32 s26, $0x1;
	_ =	strace $0x80000046;
	[dreg:$0x1] =	wrdreg $0xFFFFFFFF  }
0xad: {  	s28 =	simm.s32 $_size_execute0_lowered;
	s3 =	sadd.s32 s3, s5;
	[dreg:$0x0] =	wrdreg $0x0  }
0xae: {  	s5 =	sshll.u32 s28, $0x1;
	[dreg:$0x2] =	wrdreg s3  }
0xaf: {  	[dreg:$0x3] =	wrdreg s5  }
0xb0: {  	[dreg:$0x4] =	wrdreg $0xC0  }
0xb1: {  	_ =	task [dreg:s7], $0x5FFFF  }
0xb2: {  	[dreg:$0x1] =	wrdreg $0xFFFFFFFF  }
0xb3: {  	[dreg:$0x0] =	wrdreg $0x60  }
0xb4: {  	[dreg:$0x2] =	wrdreg s24  }
0xb5: {  	[dreg:$0x3] =	wrdreg s16  }
0xb6: {  	[dreg:$0x4] =	wrdreg $0x60000  }
0xb7: {  	[dreg:$0x5] =	wrdreg $0xA  }
0xb8: {  	_ =	task.clear_ibuf [dreg:s7], $0x6FFFF;
	_ =	strace $0x90000046  }
0xb9: {  	s29 =	simm.s32 $0xA;
	_ =	strace $0x80000048  }
0xba: {  	_ =	swait.ge [sflag:s29], $0x1  }
0xbb: {  	[sflag:s29] =	ssyncadd.s32 $0xFFFFFFFF  }
0xbc: {  	_ =	strace $0x90000048  }
0xbd: {  	_ =	sfence  }
0xbe: {  	s30 =	sld [smem:$0x0];
	_ =	sdelay $0x2  }
0xbf: {  	s31 =	sshll.u32 s1, $0xD;
	s1 =	sshrl.u32 s1, $0x2  }
0xc0: {  	s3 =	sand.u32 $0x4000, s31;
	s1 =	sadd.s32 s1, s30  }
0xc1: {  	s0 =	sor.u32 s3, s0;
	s1 =	sshll.u32 s1, $0x11  }
0xc2: {  	s0 =	sor.u32 s1, s0  }
0xc3: {  	s0 =	sadd.s32 $0x8F2B, s0  }
0xc4: {  	[sflag:s0] =	ssyncadd.remote.s32 $0x1  }
0xc5: {  	_ =	sfence.sel $0xFFFF  }
0xc6: {  	[dreg:$0x0] =	wrdreg $0xFFFFFFFF;
	(pc) =	sbr.abs _section_cstart, $3  }
0xc7: {  	[dreg:$0x1] =	wrdreg $0xFFFFFFFF  }
0xc8: {  	_ =	task.clear_ibuf [dreg:s7], $0x2FFFF;
	_ =	strace $0x9FFFFFFF  }
0xc9: {  	(tm) =	ssettm $0x7FFFFFFF  }
tec
execute0_lowered:
.L_overlay_start_1:
0x0: {  	(tag) =	ssettag $0x1  }
0x1: {  	s0 =	rddreg [dreg:$0x0]  }
0x2: {  	s1 =	rddreg [dreg:$0x1]  }
0x3: {  	s2 =	rddreg [dreg:$0x2]  }
0x4: {  	s3 =	srdreg.scid;
	s4 =	simm.s32 $0x0;
	s29 =	stileid.u32  }
0x5: {  	s14 =	simm.s32 $0x5;
	s15 =	simm.s32 $0x1C00;
	s16 =	simm.s32 $0x28  }
0x6: {  	s17 =	simm.s32 $0x80;
	s18 =	simm.s32 $0x4C00;
	s19 =	simm.s32 $0x2  }
0x7: {  	s20 =	simm.s32 $0x3;
	s21 =	simm.s32 $0x4;
	s22 =	simm.s32 $0x3300  }
0x8: {  	s23 =	simm.s32 $0x3380;
	s24 =	simm.s32 $0x1800;
	s9 =	smul.u32 $0x1400, s29  }
0x9: {  	s25 =	simm.s32 $0x1880;
	s26 =	simm.s32 $0x3400;
	s10 =	smul.u32 $0x8C00, s29  }
0xa: {  	s28 =	simm.s32 $0x3480;
	s7 =	sand.u32 $0x1, s3;
	s13 =	smul.u32 $0x5000, s29  }
0xb: {  	[smem:$0x7FF] =	sst s4;
	s5 =	sadd.s32 $0x24600, s0;
	s8 =	smul.u32 $0x138800, s7  }
0xc: {  	s6 =	sadd.s32 $0x1600, s0;
	s30 =	smul.u32 $0x8C000, s7;
	s7 =	ssub.s32 $0x2, s7  }
0xd: {  	s12 =	ssub.s32 $0x109, s29;
	_ =	strace $0x80000047;
	s11 =	sshrl.u32 s7, $0x1  }
0xe: {  	s31 =	sshrl.u32 s13, $0x2;
	s13 =	simm.s32 $0x1;
	s8 =	sadd.s32 s9, s8  }
0xf: {  	s11 =	ssub.s32 s7, s11;
	s7 =	sshrl.u32 s12, $0x4;
	s8 =	sshrl.u32 s8, $0x3  }
0x10: {  	s12 =	simm.s32 $0x3800;
	s9 =	smax.u32 s11, $0x1;
	s0 =	sadd.s32 s8, s0  }
0x11: {  	v0 =	vimm.f32 $0.0e+00;
	s8 =	sadd.s32 s10, s30;
	s10 =	sadd.s32 s31, s2;
	s0 =	sadd.s32 $0x295600, s0  }
.LBB2_1:
0x12: {  	s29 =	simm.s32 $0x0;
	s30 =	simm.s32 $0x200  }
.LBB2_2:
0x13: {  	p0 =	sne.s32 s30, $0x4E00;
	[tilespmem:s29+$0x3870] =	vst v0  }
0x14: {  	[tilespmem:s29+$0x3800] =	vst v0  }
0x15: {  	[tilespmem:s29+$0x3810] =	vst v0  }
.Ltmp0:
0x16: {  	[tilespmem:s29+$0x3820] =	vst v0;
	(pc) =	sbr.rel @p0 .LBB2_2-.Ltmp0, $4  }
0x17: {  	[tilespmem:s29+$0x3830] =	vst v0  }
0x18: {  	[tilespmem:s29+$0x3840] =	vst v0  }
0x19: {  	[tilespmem:s29+$0x3850] =	vst v0  }
0x1a: {  	[tilespmem:s29+$0x3860] =	vst v0;
	s29 =	sshra.s32 s30, $0x2;
	s30 =	sadd.s32 $0x200, s30  }
0x1b: {  	[tilespmem:s29+$0x3870] =	vst v0  }
0x1c: {  	[tilespmem:s29+$0x3800] =	vst v0  }
0x1d: {  	[tilespmem:s29+$0x3810] =	vst v0  }
0x1e: {  	[tilespmem:s29+$0x3820] =	vst v0;
	p0 =	sne.s32 s7, $0x1  }
.Ltmp1:
0x1f: {  	[tilespmem:s29+$0x3830] =	vst v0;
	(pc) =	sbr.rel @!p0 .LBB2_5-.Ltmp1, $4  }
0x20: {  	[tilespmem:s29+$0x3840] =	vst v0  }
0x21: {  	[tilespmem:s29+$0x3850] =	vst v0  }
0x22: {  	[tilespmem:s29+$0x3860] =	vst v0;
	s11 =	sadd.s32 $0xFFFFFFFF, s7;
	s29 =	smov.u32 s10  }
0x23: {  	[spmem:s10] =	stream.linear.scatter [tilespmem:s12], [sflag:$0x1], $0x1400, $0x38;
	[tilespmem:$0x19880] =	vst v63  }
.LBB2_4:
0x24: {  	p1 =	sne.s32 s11, $0x1  }
.Ltmp2:
0x25: {  	_ = 	snop;
	(pc) =	sbr.rel @p1 .LBB2_4-.Ltmp2, $3  }
0x26: {  	_ = 	snop  }
0x27: {  	s11 =	sadd.s32 $0xFFFFFFFF, s11;
	s29 =	sadd.s32 $0x14000, s29;
	_ =	sdelay $0x1  }
0x28: {  	[spmem:s29] =	stream.linear.scatter [tilespmem:s12], [sflag:$0x1], $0x1400, $0x38;
	[tilespmem:$0x19880] =	vst v63  }
.LBB2_5:
.Ltmp3:
0x29: {  	(pc) =	sbr.rel @!p0 .LBB2_7-.Ltmp3, $3  }
0x2a: {  	_ =	sdelay $0x1  }
0x2b: {  	_ =	swait.ge [sflag:s13], $0x1400  }
0x2c: {  	s29 =	sadd.s32 $0xFFFFFFFF, s7;
	[sflag:s13] =	ssyncset.done $0x0  }
.LBB2_6:
0x2d: {  	p1 =	sne.s32 s29, $0x1;
	s29 =	sadd.s32 $0xFFFFFFFF, s29;
	[sflag:s13] =	ssyncadd.s32 $0xFFFFEC00  }
.Ltmp4:
0x2e: {  	(pc) =	sbr.rel @p1 .LBB2_6-.Ltmp4, $3  }
0x2f: {  	_ =	sdelay $0x1  }
0x30: {  	_ =	swait.ge [sflag:s13], $0x1400  }
0x31: {  	[sflag:s13] =	ssyncset.done $0x0  }
.LBB2_7:
0x32: {  	[sflag:s13] =	ssyncadd.s32 $0xFFFFEC00  }
0x33: {  	s29 =	simm.s32 $0x0;
	s30 =	simm.s32 $0x0;
	[bflag:$0x0] =	sbarrier.arrive $0xFFFF  }
.LBB2_8:
0x34: {  	s11 =	smul.u32 $0x1C00, s30;
	_ =	sdelay $0x1  }
0x35: {  	s11 =	sadd.s32 s11, s8  }
0x36: {  	s11 =	sshrl.u32 s11, $0x3  }
0x37: {  	s31 =	sadd.s32 s1, s11  }
0x38: {  	[tilespmem:s29], [sflag:$0x5] =	stream.linear.gather [hbm4b:s31+s29], $0x1900, $0x38;
	[tilespmem:$0x19880] =	vst v63  }
0x39: {  	_ =	swait.ge [sflag:s14], $0x1900  }
0x3a: {  	[sflag:s14] =	ssyncset.done $0x0  }
0x3b: {  	s11 =	sadd.s32 s6, s11;
	[sflag:s14] =	ssyncadd.s32 $0xFFFFE700  }
0x3c: {  	[tilespmem:s15], [sflag:$0x5] =	stream.linear.gather [hbm4b:s11+s29], $0x1900, $0x38;
	[tilespmem:$0x19880] =	vst v63  }
0x3d: {  	_ =	swait.ge [sflag:s14], $0x1900  }
0x3e: {  	[sflag:s14] =	ssyncset.done $0x0  }
0x3f: {  	[sflag:s14] =	ssyncadd.s32 $0xFFFFE700  }
0x40: {  	[tilespmem:s12], [sflag:$0x1] =	stream.indirect.gather [hbm4b:s5+s16], $0x80, s29, s16, $0xb8;
	[tilespmem:$0x19880] =	vst v63  }
0x41: {  	_ = 	snop  }
0x42: {  	[tilespmem:s18], [sflag:$0x2] =	stream.indirect.gather [hbm4b:s5+s16], $0x80, s17, s16, $0xb8;
	[tilespmem:$0x19880] =	vst v63  }
0x43: {  	_ =	swait.ge [sflag:s13], $0x1400  }
0x44: {  	[sflag:s13] =	ssyncset.done $0x0  }
0x45: {  	s3 =	simm.s32 $0x1C00;
	[sflag:s13] =	ssyncadd.s32 $0xFFFFEC00  }
0x46: {  	[spmem:s2] =	stream.indirect.scatter.add.f32 [tilespmem:s12], [sflag:$0x3], $0x80, s3, s16, $0xb8;
	[tilespmem:$0x19880] =	vst v63  }
0x47: {  	_ =	swait.ge [sflag:s19], $0x1400  }
0x48: {  	[sflag:s19] =	ssyncset.done $0x0  }
0x49: {  	s3 =	simm.s32 $0x1C80;
	[sflag:s19] =	ssyncadd.s32 $0xFFFFEC00  }
0x4a: {  	[spmem:s2] =	stream.indirect.scatter.add.f32 [tilespmem:s18], [sflag:$0x4], $0x80, s3, s16, $0xb8;
	[tilespmem:$0x19880] =	vst v63  }
0x4b: {  	_ =	swait.ge [sflag:s20], $0x1400  }
0x4c: {  	[sflag:s20] =	ssyncset.done $0x0  }
0x4d: {  	s3 =	simm.s32 $0x100;
	[sflag:s20] =	ssyncadd.s32 $0xFFFFEC00  }
0x4e: {  	[tilespmem:s12], [sflag:$0x1] =	stream.indirect.gather [hbm4b:s5+s16], $0x80, s3, s16, $0xb8;
	[tilespmem:$0x19880] =	vst v63  }
0x4f: {  	_ =	swait.ge [sflag:s21], $0x1400  }
0x50: {  	[sflag:s21] =	ssyncset.done $0x0  }
0x51: {  	s31 =	simm.s32 $0x400;
	s11 =	simm.s32 $0x180;
	[sflag:s21] =	ssyncadd.s32 $0xFFFFEC00  }
.LBB2_9:
0x52: {  	[tilespmem:s18], [sflag:$0x2] =	stream.indirect.gather [hbm4b:s5+s16], $0x80, s11, s16, $0xb8;
	[tilespmem:$0x19880] =	vst v63  }
0x53: {  	s11 =	smov.u32 s31  }
0x54: {  	p1 =	sne.s32 s31, $0x5800;
	s31 =	sadd.s32 $0x400, s31;
	_ =	swait.ge [sflag:s13], $0x1400  }
0x55: {  	s11 =	sshra.s32 s11, $0x2;
	[sflag:s13] =	ssyncset.done $0x0  }
0x56: {  	s3 =	sadd.s32 $0x1C00, s11;
	[sflag:s13] =	ssyncadd.s32 $0xFFFFEC00  }
0x57: {  	[spmem:s2] =	stream.indirect.scatter.add.f32 [tilespmem:s12], [sflag:$0x3], $0x80, s3, s16, $0xb8;
	[tilespmem:$0x19880] =	vst v63  }
0x58: {  	_ =	swait.ge [sflag:s19], $0x1400  }
0x59: {  	[sflag:s19] =	ssyncset.done $0x0  }
0x5a: {  	s3 =	sadd.s32 $0x1C80, s11;
	[sflag:s19] =	ssyncadd.s32 $0xFFFFEC00  }
0x5b: {  	[spmem:s2] =	stream.indirect.scatter.add.f32 [tilespmem:s18], [sflag:$0x4], $0x80, s3, s16, $0xb8;
	[tilespmem:$0x19880] =	vst v63  }
0x5c: {  	_ =	swait.ge [sflag:s20], $0x1400  }
0x5d: {  	[sflag:s20] =	ssyncset.done $0x0  }
.Ltmp5:
0x5e: {  	s3 =	sadd.s32 $0x100, s11;
	[sflag:s20] =	ssyncadd.s32 $0xFFFFEC00;
	(pc) =	sbr.rel @p1 .LBB2_9-.Ltmp5, $4  }
0x5f: {  	[tilespmem:s12], [sflag:$0x1] =	stream.indirect.gather [hbm4b:s5+s16], $0x80, s3, s16, $0xb8;
	[tilespmem:$0x19880] =	vst v63  }
0x60: {  	_ =	swait.ge [sflag:s21], $0x1400  }
0x61: {  	[sflag:s21] =	ssyncset.done $0x0  }
0x62: {  	s11 =	sadd.s32 $0x180, s11;
	[sflag:s21] =	ssyncadd.s32 $0xFFFFEC00  }
0x63: {  	[tilespmem:s18], [sflag:$0x2] =	stream.indirect.gather [hbm4b:s5+s16], $0x80, s11, s16, $0xb8;
	[tilespmem:$0x19880] =	vst v63  }
0x64: {  	_ =	swait.ge [sflag:s13], $0x1400  }
0x65: {  	[sflag:s13] =	ssyncset.done $0x0  }
0x66: {  	[sflag:s13] =	ssyncadd.s32 $0xFFFFEC00  }
0x67: {  	[spmem:s2] =	stream.indirect.scatter.add.f32 [tilespmem:s12], [sflag:$0x3], $0x80, s22, s16, $0xb8;
	[tilespmem:$0x19880] =	vst v63  }
0x68: {  	_ =	swait.ge [sflag:s19], $0x1400  }
0x69: {  	[sflag:s19] =	ssyncset.done $0x0  }
0x6a: {  	[sflag:s19] =	ssyncadd.s32 $0xFFFFEC00  }
0x6b: {  	[spmem:s2] =	stream.indirect.scatter.add.f32 [tilespmem:s18], [sflag:$0x4], $0x80, s23, s16, $0xb8;
	[tilespmem:$0x19880] =	vst v63  }
0x6c: {  	_ =	swait.ge [sflag:s20], $0x1400  }
0x6d: {  	[sflag:s20] =	ssyncset.done $0x0  }
0x6e: {  	[sflag:s20] =	ssyncadd.s32 $0xFFFFEC00  }
0x6f: {  	[tilespmem:s12], [sflag:$0x1] =	stream.indirect.gather [hbm4b:s5+s16], $0x80, s24, s16, $0xb8;
	[tilespmem:$0x19880] =	vst v63  }
0x70: {  	_ =	swait.ge [sflag:s21], $0x1400  }
0x71: {  	[sflag:s21] =	ssyncset.done $0x0  }
0x72: {  	[sflag:s21] =	ssyncadd.s32 $0xFFFFEC00  }
0x73: {  	[tilespmem:s18], [sflag:$0x2] =	stream.indirect.gather [hbm4b:s5+s16], $0x80, s25, s16, $0xb8;
	[tilespmem:$0x19880] =	vst v63  }
0x74: {  	_ =	swait.ge [sflag:s13], $0x1400  }
0x75: {  	[sflag:s13] =	ssyncset.done $0x0  }
0x76: {  	[sflag:s13] =	ssyncadd.s32 $0xFFFFEC00  }
0x77: {  	[spmem:s2] =	stream.indirect.scatter.add.f32 [tilespmem:s12], [sflag:$0x3], $0x80, s26, s16, $0xb8;
	[tilespmem:$0x19880] =	vst v63  }
0x78: {  	_ =	swait.ge [sflag:s19], $0x1400  }
0x79: {  	[sflag:s19] =	ssyncset.done $0x0  }
0x7a: {  	[sflag:s19] =	ssyncadd.s32 $0xFFFFEC00  }
0x7b: {  	[spmem:s2] =	stream.indirect.scatter.add.f32 [tilespmem:s18], [sflag:$0x4], $0x80, s28, s16, $0xb8;
	[tilespmem:$0x19880] =	vst v63  }
0x7c: {  	_ =	swait.ge [sflag:s20], $0x1400  }
0x7d: {  	[sflag:s20] =	ssyncset.done $0x0  }
0x7e: {  	[sflag:s20] =	ssyncadd.s32 $0xFFFFEC00  }
0x7f: {  	[tilespmem:s12], [sflag:$0x1] =	stream.indirect.gather [hbm4b:s5+s16], $0x80, s25, s16, $0xb8;
	[tilespmem:$0x19880] =	vst v63  }
0x80: {  	_ =	swait.ge [sflag:s21], $0x1400  }
0x81: {  	[sflag:s21] =	ssyncset.done $0x0  }
0x82: {  	s30 =	sadd.s32 $0x1, s30;
	[sflag:s21] =	ssyncadd.s32 $0xFFFFEC00  }
0x83: {  	[tilespmem:s18], [sflag:$0x2] =	stream.indirect.gather [hbm4b:s5+s16], $0x80, s25, s16, $0xb8;
	[tilespmem:$0x19880] =	vst v63  }
0x84: {  	p1 =	sne.s32 s30, $0x5;
	_ =	swait.ge [sflag:s13], $0x1400  }
.Ltmp6:
0x85: {  	[sflag:s13] =	ssyncset.done $0x0;
	(pc) =	sbr.rel @p1 .LBB2_8-.Ltmp6, $4  }
0x86: {  	[sflag:s13] =	ssyncadd.s32 $0xFFFFEC00  }
0x87: {  	_ =	swait.ge [sflag:s19], $0x1400  }
0x88: {  	[sflag:s19] =	ssyncset.done $0x0  }
0x89: {  	[sflag:s19] =	ssyncadd.s32 $0xFFFFEC00  }
.Ltmp7:
0x8a: {  	s3 =	stileid.u32;
	(pc) =	sbr.rel @!p0 .LBB2_13-.Ltmp7, $4  }
0x8b: {  	s3 =	sshll.u32 s3, $0x6  }
0x8c: {  	[bflag:$0x0] =	sbarrier.arrive $0xFFFF;
	s11 =	sshrl.u32 s10, $0x3;
	s29 =	sor.u32 $0x1C01, s3  }
0x8d: {  	[hbm:s0], [sflag:s29] =	dma.local [spmem:s11], $0x280  }
0x8e: {  	s30 =	sadd.s32 $0xFFFFFFFF, s7;
	s31 =	sadd.s32 $0x14000, s10;
	s11 =	smov.u32 s0  }
.LBB2_12:
0x8f: {  	p1 =	sne.s32 s30, $0x1;
	s30 =	sadd.s32 $0xFFFFFFFF, s30  }
.Ltmp8:
0x90: {  	s3 =	sshrl.u32 s31, $0x3;
	s11 =	sadd.s32 $0x2800, s11;
	(pc) =	sbr.rel @p1 .LBB2_12-.Ltmp8, $3  }
0x91: {  	[hbm:s11], [sflag:s29] =	dma.local [spmem:s3], $0x280  }
0x92: {  	_ =	sdelay $0x1  }
0x93: {  	s31 =	sadd.s32 $0x14000, s31  }
.LBB2_13:
.Ltmp9:
0x94: {  	(pc) =	sbr.rel @!p0 .LBB2_15-.Ltmp9, $3  }
0x95: {  	_ =	sdelay $0x1  }
0x96: {  	_ =	swait.ge [sflag:s13], $0x280  }
0x97: {  	s11 =	sadd.s32 $0xFFFFFFFF, s7;
	[sflag:s13] =	ssyncset.done $0x0  }
.LBB2_14:
0x98: {  	p0 =	sne.s32 s11, $0x1;
	s11 =	sadd.s32 $0xFFFFFFFF, s11;
	[sflag:s13] =	ssyncadd.s32 $0xFFFFFD80  }
.Ltmp10:
0x99: {  	(pc) =	sbr.rel @p0 .LBB2_14-.Ltmp10, $3  }
0x9a: {  	_ =	sdelay $0x1  }
0x9b: {  	_ =	swait.ge [sflag:s13], $0x280  }
0x9c: {  	[sflag:s13] =	ssyncset.done $0x0  }
.LBB2_15:
0x9d: {  	s4 =	sadd.s32 $0x1, s4  }
0x9e: {  	p0 =	sne.s32 s4, s9  }
.Ltmp11:
0x9f: {  	_ = 	snop;
	(pc) =	sbr.rel @p0 .LBB2_1-.Ltmp11, $2  }
0xa0: {  	_ =	sdelay $0x2  }
0xa1: {  	[sflag:s13] =	ssyncadd.s32 $0xFFFFFD80  }
0xa2: {  	_ =	sfence.sel $0x180000  }
0xa3: {  	[bflag:$0x0] =	sbarrier.arrive $0xFFFF  }
0xa4: {  	_ =	strace $0x90000047  }
0xa5: {  	s0 =	stileid.u32;
	[bflag:$0x2] =	sbarrier.arrive $0xFFFF  }
0xa6: {  	p0 =	sne.s32 s0, $0x0;
	s0 =	rddreg [dreg:$0x3]  }
0xa7: {  	s0 =	sadd.s32 @!p0 $0x100000, s0  }
0xa8: {  	[sflag:s0] =	ssyncadd.tile.s32 @!p0 $0x1;
	_ =	shalt  }
.Lfunc_end2:
_tile_overlayer_lowered:
.L_overlay_start_2:
0xa9: {  	(tag) =	ssettag $0x2  }
0xaa: {  	s0 =	rddreg [dreg:$0x0];
	s2 =	stileid.u32  }
0xab: {  	s1 =	rddreg [dreg:$0x1];
	p0 =	sne.s32 s2, $0x0  }
0xac: {  	s3 =	rddreg [dreg:$0x2];
	[bflag:$0x3] =	sbarrier.arrive $0xFFFF;
	s2 =	simm.s32 @!p0 $0x1C05  }
0xad: {  	[timem:s3], [sflag:s2] =	dma.local @!p0 [hbm:s0], s1  }
0xae: {  	s0 =	simm.s32 @!p0 $0x5  }
0xaf: {  	_ =	swait.ge @!p0 [sflag:s0], s1  }
0xb0: {  	s1 =	ssub.s32 @!p0 $0x0, s1;
	[sflag:s0] =	ssyncset.done @!p0 $0x0  }
0xb1: {  	[sflag:s0] =	ssyncadd.s32 @!p0 s1  }
0xb2: {  	[bflag:$0x3] =	sbarrier.arrive $0xFFFF  }
0xb3: {  	_ =	shalt  }

// kernel: kernel.7.cloned.1.call-start
scs
__scs_entry_jumppad:
0x0: {  	(pc) =	sbr.rel $0x88, $3  }
0x1: {  	(tag) =	ssettag $0x0;
	lr =	simm.s32 $0x1  }
0x2: {  	[smem:$0x3F9A] =	sst lr;
	_ =	strace $0xD0000000  }
0x3: {  	_ = 	snop  }
0x4: {  	_ = 	snop  }
0x5: {  	_ = 	snop  }
0x6: {  	_ = 	snop  }
0x7: {  	_ = 	snop  }
__scs_overlays_trampoline_lowered:
0x8: {  	[smem:$0x3FA9] =	sst s0  }
0x9: {  	[smem:$0x3FAA] =	sst s1  }
0xa: {  	[smem:$0x3FAB] =	sst s2  }
0xb: {  	[smem:$0x3FAC] =	sst s3  }
0xc: {  	[smem:$0x3FAD] =	sst s4  }
0xd: {  	[smem:$0x3FAE] =	sst s5  }
0xe: {  	[smem:$0x3FAF] =	sst s6  }
0xf: {  	[smem:$0x3FB0] =	sst s7  }
0x10: {  	[smem:$0x3FB1] =	sst s8  }
0x11: {  	[smem:$0x3FB2] =	sst s9;
	s0 =	simm.s32 @!p0 $0x0  }
0x12: {  	s1 =	sld [smem:$0x3F98];
	s0 =	simm.s32 @p0 $0x1  }
0x13: {  	[smem:$0x3FB3] =	sst s0;
	s0 =	simm.s32 @!p1 $0x0  }
0x14: {  	s2 =	sld [smem:$0x3F97];
	s0 =	simm.s32 @p1 $0x1  }
0x15: {  	[smem:$0x3FB4] =	sst s0;
	s0 =	simm.s32 @!p2 $0x0  }
0x16: {  	s3 =	sld [smem:$0x3FDB];
	s0 =	simm.s32 @p2 $0x1  }
0x17: {  	s4 =	simm.s32 $0x1BF5;
	[smem:$0x3FB6] =	sst s0  }
0x18: {  	s0 =	sld [smem:$0x3F99];
	_ =	swait.ge [sflag:s4], $0x0  }
0x19: {  	s7 =	sld [smem:$0x3F9A]  }
0x1a: {  	s8 =	sadd.s32 $0xFFFFE003, lr  }
0x1b: {  	s9 =	sadd.s32 $0xFFFFFEF7, lr;
	s5 =	simm.s32 $0xFFFFFFFF;
	p2 =	slt.u32 s8, $0xFFFFF086  }
0x1c: {  	p1 =	slt.u32 s9, $0xF7A;
	s5 =	simm.s32 @!p2 $0x0  }
0x1d: {  	s5 =	simm.s32 @p1 $0x1;
	p0 =	seq.s32 s7, s2  }
0x1e: {  	s7 =	smul.u32 @!p0 $0xF7A, s2;
	p2 =	seq.s32 @!p0 s5, $0x0  }
0x1f: {  	s9 =	smul.u32 $0xF7A, s1;
	s8 =	simm.s32 @!p0 $0x1BF5;
	p2 =	por !p2, p0  }
0x20: {  	[sflag:s8] =	ssyncset.s32 @!p0 $0xFFFFF086;
	s6 =	sadd.s32 @!p0 s3, s7;
	s7 =	simm.s32 @!p0 $0x108  }
0x21: {  	s3 =	sadd.s32 s3, s9;
	s6 =	sadd.s32 @!p0 $0x88, s6;
	s7 =	simm.s32 @p2 $0x1082  }
0x22: {  	[simem:s7], [sflag:s8] =	dma.local @!p0 [hbm:s6], $0xF7A  }
0x23: {  	s9 =	sor.u32 $0xD0000000, s2;
	s6 =	simm.s32 $0x108;
	_ =	swait.ge @!p0 [sflag:s8], $0x0  }
0x24: {  	s3 =	sadd.s32 $0x88, s3;
	s6 =	simm.s32 @!p1 $0x1082;
	[sflag:s4] =	ssyncset.s32 $0xFFFFF086  }
0x25: {  	[simem:s6], [sflag:s4] =	dma.local [hbm:s3], $0xF7A  }
0x26: {  	[smem:$0x3F9A] =	sst s1;
	(tag) =	ssettag s2;
	_ =	strace s9  }
0x27: {  	s1 =	sld [smem:$0x3FAA]  }
0x28: {  	s2 =	sld [smem:$0x3FAB]  }
0x29: {  	s4 =	sld [smem:$0x3FAD]  }
0x2a: {  	p0 =	seq.s32 s5, $0x0;
	s5 =	sld [smem:$0x3FAE]  }
0x2b: {  	s6 =	sld [smem:$0x3FAF]  }
0x2c: {  	s7 =	sld [smem:$0x3FB0]  }
0x2d: {  	s3 =	simm.s32 $0x108;
	s8 =	sld [smem:$0x3FB1]  }
0x2e: {  	s3 =	simm.s32 @!p0 $0x1082;
	s9 =	sld [smem:$0x3FB2]  }
0x2f: {  	lr =	sadd.s32 s0, s3;
	s0 =	sld [smem:$0x3FA9]  }
0x30: {  	s3 =	sld [smem:$0x3FAC]  }
0x31: {  	[smem:$0x3FB5] =	sst s10  }
0x32: {  	s10 =	sld [smem:$0x3FB3];
	_ =	sdelay $0x3  }
0x33: {  	p0 =	seq.s32 s10, $0x1;
	s10 =	sld [smem:$0x3FB5];
	_ =	sdelay $0x3  }
0x34: {  	[smem:$0x3FB5] =	sst s10  }
0x35: {  	s10 =	sld [smem:$0x3FB4];
	_ =	sdelay $0x3  }
0x36: {  	p1 =	seq.s32 s10, $0x1;
	s10 =	sld [smem:$0x3FB5];
	_ =	sdelay $0x3  }
0x37: {  	[smem:$0x3FB5] =	sst s10  }
0x38: {  	s10 =	sld [smem:$0x3FB6]  }
0x39: {  	_ = 	snop;
	(pc) =	sbr.ind lr, $3  }
0x3a: {  	_ = 	snop  }
0x3b: {  	_ = 	snop  }
0x3c: {  	p2 =	seq.s32 s10, $0x1;
	s10 =	sld [smem:$0x3FB5]  }
0x3d: {  	_ =	shalt  }
0x3e: {  	_ =	shalt  }
0x3f: {  	_ =	shalt  }
0x40: {  	_ =	shalt  }
0x41: {  	_ =	shalt  }
0x42: {  	_ =	shalt  }
0x43: {  	_ =	shalt  }
0x44: {  	_ =	shalt  }
0x45: {  	_ =	shalt  }
0x46: {  	_ =	shalt  }
0x47: {  	_ =	shalt  }
0x48: {  	_ =	shalt  }
0x49: {  	_ =	shalt  }
0x4a: {  	_ =	shalt  }
0x4b: {  	_ =	shalt  }
0x4c: {  	_ =	shalt  }
0x4d: {  	_ =	shalt  }
0x4e: {  	_ =	shalt  }
0x4f: {  	_ =	shalt  }
0x50: {  	_ =	shalt  }
0x51: {  	_ =	shalt  }
0x52: {  	_ =	shalt  }
0x53: {  	_ =	shalt  }
0x54: {  	_ =	shalt  }
0x55: {  	_ =	shalt  }
0x56: {  	_ =	shalt  }
0x57: {  	_ =	shalt  }
0x58: {  	_ =	shalt  }
0x59: {  	_ =	shalt  }
0x5a: {  	_ =	shalt  }
0x5b: {  	_ =	shalt  }
0x5c: {  	_ =	shalt  }
0x5d: {  	_ =	shalt  }
0x5e: {  	_ =	shalt  }
0x5f: {  	_ =	shalt  }
0x60: {  	_ =	shalt  }
0x61: {  	_ =	shalt  }
0x62: {  	_ =	shalt  }
0x63: {  	_ =	shalt  }
0x64: {  	_ =	shalt  }
0x65: {  	_ =	shalt  }
0x66: {  	_ =	shalt  }
0x67: {  	_ =	shalt  }
0x68: {  	_ =	shalt  }
0x69: {  	_ =	shalt  }
0x6a: {  	_ =	shalt  }
0x6b: {  	_ =	shalt  }
0x6c: {  	_ =	shalt  }
0x6d: {  	_ =	shalt  }
0x6e: {  	_ =	shalt  }
0x6f: {  	_ =	shalt  }
0x70: {  	_ =	shalt  }
0x71: {  	_ =	shalt  }
0x72: {  	_ =	shalt  }
0x73: {  	_ =	shalt  }
0x74: {  	_ =	shalt  }
0x75: {  	_ =	shalt  }
0x76: {  	_ =	shalt  }
0x77: {  	_ =	shalt  }
0x78: {  	_ =	shalt  }
0x79: {  	_ =	shalt  }
0x7a: {  	_ =	shalt  }
0x7b: {  	_ =	shalt  }
0x7c: {  	_ =	shalt  }
0x7d: {  	_ =	shalt  }
0x7e: {  	_ =	shalt  }
0x7f: {  	_ =	shalt  }
0x80: {  	_ =	shalt  }
0x81: {  	_ =	shalt  }
0x82: {  	_ =	shalt  }
0x83: {  	_ =	shalt  }
0x84: {  	_ =	shalt  }
0x85: {  	_ =	shalt  }
0x86: {  	_ =	shalt  }
0x87: {  	_ =	shalt  }
.Lfunc_end0:
.L_simem_size_0:
called_computation_lowered:
.L_overlay_start_0:
0x88: {  	s2 =	sld [smem:$0x3FD9]  }
0x89: {  	s3 =	sld [smem:$0x3FFE];
	_ =	sdelay $0x1  }
0x8a: {  	s1 =	srdreg.scid  }
0x8b: {  	s0 =	sand.u32 $0x1, s1  }
0x8c: {  	s15 =	sshll.u32 s0, $0xA;
	s2 =	sadd.s32 s3, s2  }
0x8d: {  	s2 =	sadd.s32 s2, s15  }
0x8e: {  	[smem:$0x3FC1] =	sst s2  }
0x8f: {  	_ = 	snop  }
0x90: {  	s2 =	sld [smem:$0x3FD0];
	_ =	sdelay $0x2  }
0x91: {  	s4 =	simm.s32 $0xB;
	s5 =	simm.s32 $0x10;
	s16 =	sld [smem:$0x3FC9]  }
0x92: {  	[smem:s5], [sflag:s4] =	dma.local [hbm:s2], $0x1  }
0x93: {  	_ =	swait.eq [sflag:s4], $0x1  }
0x94: {  	[sflag:s4] =	ssyncset.done $0x0  }
0x95: {  	[sflag:s4] =	ssyncadd.s32 $0xFFFFFFFF  }
0x96: {  	s17 =	sld [smem:$0x11];
	(tm) =	ssettm $0x1  }
0x97: {  	s18 =	sld [smem:$0x3FFB];
	_ =	sdelay $0x3  }
0x98: {  	_ =	strace s18  }
0x99: {  	s2 =	sld [smem:$0x3FFC];
	_ =	sdelay $0x3  }
0x9a: {  	_ =	strace s2  }
0x9b: {  	s2 =	sld [smem:$0x3FFD];
	_ =	sdelay $0x3  }
0x9c: {  	_ =	strace s2  }
0x9d: {  	_ =	strace $0x8FFFFFFF  }
0x9e: {  	s19 =	sld [smem:$0x3FDB];
	_ =	sdelay $0x1  }
0x9f: {  	s20 =	simm.s32 $_scs_section_size  }
0xa0: {  	s6 =	simm.s32 $_size__tile_overlayer_lowered;
	s7 =	simm.s32 $_tile_overlayer_lowered  }
0xa1: {  	s8 =	simm.s32 $0x1BFF;
	s21 =	sshll.u32 s7, $0x1;
	s5 =	sadd.s32 s20, s19  }
0xa2: {  	s22 =	simm.s32 $0x0;
	s6 =	sshll.u32 s6, $0x1;
	s7 =	sadd.s32 s21, s5  }
0xa3: {  	[timem:s22], [sflag:s8] =	dma.local [hbm:s7], s6  }
0xa4: {  	_ =	swait.ge [sflag:s8], s6  }
0xa5: {  	s6 =	ssub.s32 $0x0, s6;
	[sflag:s8] =	ssyncset.done $0x0  }
0xa6: {  	[sflag:s8] =	ssyncadd.s32 s6;
	_ =	sdelay $0x1  }
0xa7: {  	s23 =	simm.s32 $0x1B8B  }
0xa8: {  	_ =	swait.ge [sflag:s23], $0x1  }
0xa9: {  	[sflag:s23] =	ssyncset.done $0x0  }
0xaa: {  	[sflag:s23] =	ssyncadd.s32 $0xFFFFFFFF  }
0xab: {  	s6 =	sld [smem:$0x0]  }
0xac: {  	s7 =	sand.u32 $0xFFFFFFFE, s1  }
0xad: {  	p0 =	sne.s32 s1, s7  }
0xae: {  	s7 =	sshll.u32 @p0 s7, $0xE  }
0xaf: {  	s7 =	sadd.s32 @p0 $0x11B8D, s7;
	s8 =	sshll.u32 @p0 s6, $0x11  }
0xb0: {  	s7 =	sor.u32 @p0 s8, s7  }
0xb1: {  	[sflag:s7] =	ssyncadd.remote.s32 @p0 $0x1;
	_ =	sdelay $0x1  }
0xb2: {  	s7 =	simm.s32 @p0 $0x1B8D  }
0xb3: {  	_ =	swait.eq @p0 [sflag:s7], $0x1  }
0xb4: {  	[sflag:s7] =	ssyncadd.s32 @p0 $0xFFFFFFFF  }
0xb5: {  	s8 =	sshll.u32 @!p0 s1, $0xE  }
0xb6: {  	s8 =	sor.u32 @!p0 $0x4000, s8;
	s7 =	simm.s32 @!p0 $0x1B8D  }
0xb7: {  	s6 =	sshll.u32 @!p0 s6, $0x11;
	s8 =	sadd.s32 @!p0 $0x11B8D, s8;
	_ =	swait.eq @!p0 [sflag:s7], $0x1  }
0xb8: {  	s6 =	sor.u32 @!p0 s6, s8;
	[sflag:s7] =	ssyncadd.s32 @!p0 $0xFFFFFFFF  }
0xb9: {  	s25 =	simm.s32 $0x1B8E;
	s24 =	sld [smem:$0x3FFE];
	[sflag:s6] =	ssyncadd.remote.s32 @!p0 $0x1  }
0xba: {  	s26 =	simm.s32 $execute0_lowered;
	[smem:$0x3FD2] =	sst s25  }
0xbb: {  	s7 =	sshll.u32 s26, $0x1;
	_ =	strace $0x80000049;
	[dreg:$0x1] =	wrdreg $0xFFFFFFFF  }
0xbc: {  	s28 =	simm.s32 $_size_execute0_lowered;
	s5 =	sadd.s32 s5, s7;
	[dreg:$0x0] =	wrdreg $0x0  }
0xbd: {  	s7 =	sshll.u32 s28, $0x1;
	[dreg:$0x2] =	wrdreg s5  }
0xbe: {  	[dreg:$0x3] =	wrdreg s7  }
0xbf: {  	[dreg:$0x4] =	wrdreg $0xC0  }
0xc0: {  	_ =	task [dreg:s22], $0x5FFFF  }
0xc1: {  	[dreg:$0x1] =	wrdreg $0xFFFFFFFF  }
0xc2: {  	[dreg:$0x0] =	wrdreg $0x60  }
0xc3: {  	[dreg:$0x2] =	wrdreg s16  }
0xc4: {  	[dreg:$0x3] =	wrdreg s17  }
0xc5: {  	[dreg:$0x4] =	wrdreg s24  }
0xc6: {  	[dreg:$0x5] =	wrdreg $0xE8000  }
0xc7: {  	[dreg:$0x6] =	wrdreg $0x9  }
0xc8: {  	_ =	task.clear_ibuf [dreg:s22], $0x7FFFF;
	_ =	strace $0x90000049  }
0xc9: {  	s29 =	simm.s32 $0x9;
	_ =	strace $0x8000004B  }
0xca: {  	_ =	swait.ge [sflag:s29], $0x1  }
0xcb: {  	[sflag:s29] =	ssyncadd.s32 $0xFFFFFFFF  }
0xcc: {  	_ =	strace $0x9000004B  }
0xcd: {  	_ =	sfence  }
0xce: {  	s30 =	sld [smem:$0x0];
	_ =	sdelay $0x2  }
0xcf: {  	s31 =	sshll.u32 s1, $0xD;
	s1 =	sshrl.u32 s1, $0x2  }
0xd0: {  	s4 =	sand.u32 $0x4000, s31;
	s1 =	sadd.s32 s1, s30  }
0xd1: {  	s0 =	sor.u32 s4, s0;
	s1 =	sshll.u32 s1, $0x11  }
0xd2: {  	s0 =	sor.u32 s1, s0  }
0xd3: {  	s0 =	sadd.s32 $0x8F2B, s0  }
0xd4: {  	[sflag:s0] =	ssyncadd.remote.s32 $0x1  }
0xd5: {  	_ =	sfence.sel $0xFFFF  }
0xd6: {  	[dreg:$0x0] =	wrdreg $0xFFFFFFFF;
	(pc) =	sbr.abs _section_cstart, $3  }
0xd7: {  	[dreg:$0x1] =	wrdreg $0xFFFFFFFF  }
0xd8: {  	_ =	task.clear_ibuf [dreg:s22], $0x2FFFF;
	_ =	strace $0x9FFFFFFF  }
0xd9: {  	(tm) =	ssettm $0x7FFFFFFF  }
tec
execute0_lowered:
.L_overlay_start_1:
0x0: {  	(tag) =	ssettag $0x1  }
0x1: {  	s0 =	rddreg [dreg:$0x0]  }
0x2: {  	s7 =	rddreg [dreg:$0x1]  }
0x3: {  	s5 =	rddreg [dreg:$0x2];
	s1 =	srdreg.scid  }
0x4: {  	s3 =	rddreg [dreg:$0x3];
	s2 =	stileid.u32  }
0x5: {  	s4 =	simm.s32 $0x0;
	s14 =	simm.s32 $0x5;
	s16 =	simm.s32 $0x8000  }
0x6: {  	s17 =	simm.s32 $0x28;
	s19 =	simm.s32 $0xD400;
	s20 =	simm.s32 $0x2  }
0x7: {  	s21 =	simm.s32 $0x3;
	s22 =	simm.s32 $0x4;
	s23 =	simm.s32 $0x7E00  }
0x8: {  	s6 =	sand.u32 $0x1, s1;
	s9 =	smul.u32 $0x1400, s2;
	[smem:$0x7FF] =	sst s4  }
0x9: {  	s11 =	sshll.u32 s2, $0xB;
	s30 =	ssub.s32 $0xD7, s2;
	s12 =	smul.u32 $0x5000, s2  }
0xa: {  	s8 =	smul.u32 $0xFA000, s6;
	s10 =	sshll.u32 s6, $0xF;
	s29 =	ssub.s32 $0x2, s6  }
0xb: {  	_ =	strace $0x8000004A;
	s26 =	sor.u32 s11, s10;
	s6 =	sshrl.u32 s29, $0x1  }
0xc: {  	s31 =	sshrl.u32 s12, $0x2;
	s12 =	simm.s32 $0xC000;
	s8 =	sadd.s32 s9, s8  }
0xd: {  	s10 =	sadd.s32 s26, s5;
	s13 =	ssub.s32 s29, s6;
	s7 =	sadd.s32 s7, s26  }
0xe: {  	s8 =	sshrl.u32 s8, $0x3;
	s6 =	sadd.s32 $0x2E3800, s10;
	s9 =	smax.u32 s13, $0x1  }
0xf: {  	s13 =	simm.s32 $0x1;
	s28 =	sadd.s32 s8, s5;
	s5 =	sshrl.u32 s30, $0x4  }
0x10: {  	v0 =	vimm.f32 $0.0e+00;
	s8 =	sadd.s32 $0x2F3800, s10;
	s10 =	sadd.s32 s31, s3;
	s11 =	sadd.s32 $0x303800, s28  }
.LBB2_1:
0x11: {  	s24 =	simm.s32 $0x0;
	s25 =	simm.s32 $0x200  }
.LBB2_2:
0x12: {  	p0 =	sne.s32 s25, $0x4E00;
	[tilespmem:s24+$0xC070] =	vst v0  }
0x13: {  	[tilespmem:s24+$0xC000] =	vst v0  }
0x14: {  	[tilespmem:s24+$0xC010] =	vst v0  }
.Ltmp0:
0x15: {  	[tilespmem:s24+$0xC020] =	vst v0;
	(pc) =	sbr.rel @p0 .LBB2_2-.Ltmp0, $4  }
0x16: {  	[tilespmem:s24+$0xC030] =	vst v0  }
0x17: {  	[tilespmem:s24+$0xC040] =	vst v0  }
0x18: {  	[tilespmem:s24+$0xC050] =	vst v0  }
0x19: {  	[tilespmem:s24+$0xC060] =	vst v0;
	s24 =	sshra.s32 s25, $0x2;
	s25 =	sadd.s32 $0x200, s25  }
0x1a: {  	[tilespmem:s24+$0xC070] =	vst v0  }
0x1b: {  	[tilespmem:s24+$0xC000] =	vst v0  }
0x1c: {  	[tilespmem:s24+$0xC010] =	vst v0  }
0x1d: {  	[tilespmem:s24+$0xC020] =	vst v0;
	p0 =	sne.s32 s5, $0x1  }
.Ltmp1:
0x1e: {  	[tilespmem:s24+$0xC030] =	vst v0;
	(pc) =	sbr.rel @!p0 .LBB2_5-.Ltmp1, $4  }
0x1f: {  	[tilespmem:s24+$0xC040] =	vst v0  }
0x20: {  	[tilespmem:s24+$0xC050] =	vst v0  }
0x21: {  	[tilespmem:s24+$0xC060] =	vst v0;
	s24 =	sadd.s32 $0xFFFFFFFF, s5;
	s25 =	smov.u32 s10  }
0x22: {  	[spmem:s10] =	stream.linear.scatter [tilespmem:s12], [sflag:$0x1], $0x1400, $0x38;
	[tilespmem:$0x1E200] =	vst v63  }
.LBB2_4:
0x23: {  	p1 =	sne.s32 s24, $0x1  }
.Ltmp2:
0x24: {  	_ = 	snop;
	(pc) =	sbr.rel @p1 .LBB2_4-.Ltmp2, $3  }
0x25: {  	_ = 	snop  }
0x26: {  	s24 =	sadd.s32 $0xFFFFFFFF, s24;
	s25 =	sadd.s32 $0x14000, s25;
	_ =	sdelay $0x1  }
0x27: {  	[spmem:s25] =	stream.linear.scatter [tilespmem:s12], [sflag:$0x1], $0x1400, $0x38;
	[tilespmem:$0x1E200] =	vst v63  }
.LBB2_5:
.Ltmp3:
0x28: {  	(pc) =	sbr.rel @!p0 .LBB2_7-.Ltmp3, $3  }
0x29: {  	_ =	sdelay $0x1  }
0x2a: {  	_ =	swait.ge [sflag:s13], $0x1400  }
0x2b: {  	s24 =	sadd.s32 $0xFFFFFFFF, s5;
	[sflag:s13] =	ssyncset.done $0x0  }
.LBB2_6:
0x2c: {  	p1 =	sne.s32 s24, $0x1;
	s24 =	sadd.s32 $0xFFFFFFFF, s24;
	[sflag:s13] =	ssyncadd.s32 $0xFFFFEC00  }
.Ltmp4:
0x2d: {  	(pc) =	sbr.rel @p1 .LBB2_6-.Ltmp4, $3  }
0x2e: {  	_ =	sdelay $0x1  }
0x2f: {  	_ =	swait.ge [sflag:s13], $0x1400  }
0x30: {  	[sflag:s13] =	ssyncset.done $0x0  }
.LBB2_7:
0x31: {  	[sflag:s13] =	ssyncadd.s32 $0xFFFFEC00  }
0x32: {  	s24 =	simm.s32 $0x0;
	[bflag:$0x0] =	sbarrier.arrive $0xFFFF  }
0x33: {  	[tilespmem:s24], [sflag:$0x5] =	stream.linear.gather [hbm4b:s6+s24], $0x3E80, $0x38;
	[tilespmem:$0x1E200] =	vst v63  }
0x34: {  	_ =	swait.ge [sflag:s14], $0x3E80  }
0x35: {  	[sflag:s14] =	ssyncset.done $0x0  }
0x36: {  	s1 =	simm.s32 $0x4000;
	[sflag:s14] =	ssyncadd.s32 $0xFFFFC180  }
0x37: {  	[tilespmem:s1], [sflag:$0x5] =	stream.linear.gather [hbm4b:s7+s24], $0x3E80, $0x38;
	[tilespmem:$0x1E200] =	vst v63  }
0x38: {  	_ =	swait.ge [sflag:s14], $0x3E80  }
0x39: {  	[sflag:s14] =	ssyncset.done $0x0  }
0x3a: {  	[sflag:s14] =	ssyncadd.s32 $0xFFFFC180  }
0x3b: {  	[tilespmem:s16], [sflag:$0x5] =	stream.linear.gather [hbm4b:s8+s24], $0x3E80, $0x38;
	[tilespmem:$0x1E200] =	vst v63  }
0x3c: {  	_ =	swait.ge [sflag:s14], $0x3E80  }
0x3d: {  	[sflag:s14] =	ssyncset.done $0x0  }
0x3e: {  	[sflag:s14] =	ssyncadd.s32 $0xFFFFC180  }
0x3f: {  	[tilespmem:s12], [sflag:$0x1] =	stream.indirect.gather [hbm4b:s0+s17], $0x80, s24, s17, $0xb8;
	[tilespmem:$0x1E200] =	vst v63  }
0x40: {  	s31 =	simm.s32 $0x80  }
0x41: {  	[tilespmem:s19], [sflag:$0x2] =	stream.indirect.gather [hbm4b:s0+s17], $0x80, s31, s17, $0xb8;
	[tilespmem:$0x1E200] =	vst v63  }
.LBB2_8:
0x42: {  	_ =	swait.ge [sflag:s13], $0x1400  }
0x43: {  	[sflag:s13] =	ssyncset.done $0x0  }
0x44: {  	s28 =	simm.s32 $0xC100;
	[sflag:s13] =	ssyncadd.s32 $0xFFFFEC00  }
0x45: {  	v4 =	vld [tilespmem:s28+$0xD0]  }
0x46: {  	v5 =	vld [tilespmem:s28+$0xF0]  }
0x47: {  	v6 =	vld [tilespmem:s28+$0xFFFFFFF0]  }
0x48: {  	v7 =	vld [tilespmem:s28+$0x0]  }
0x49: {  	v8 =	vld [tilespmem:s28+$0x10]  }
0x4a: {  	s26 =	simm.s32 $0x3;
	v9 =	vld [tilespmem:s28+$0x20]  }
0x4b: {  	s25 =	sshll.u32 s24, $0x8;
	v2 =	vmov s26;
	v10 =	vld [tilespmem:s28+$0x30]  }
0x4c: {  	v1 =	vmov s25;
	v2 =	vand.u32 $0x7F, v2;
	v12 =	vld [tilespmem:s28+$0x50]  }
0x4d: {  	s30 =	simm.s32 $0x0;
	v2 =	vor.u32 v1, v2;
	v13 =	vld [tilespmem:s28+$0x60]  }
0x4e: {  	s29 =	simm.s32 $0x1;
	v3 =	vmov s30;
	v15 =	vld [tilespmem:s28+$0x80];
	v2 =	vbroadcast v2, $0x0  }
0x4f: {  	v11 =	vmov s29;
	v3 =	vand.u32 $0x7C, v3;
	v17 =	vld [tilespmem:s28+$0x90]  }
0x50: {  	s31 =	simm.s32 $0x2;
	v11 =	vand.u32 $0x7D, v11;
	v3 =	vor.u32 v1, v3;
	v19 =	vld [tilespmem:s28+$0xB0]  }
0x51: {  	v14 =	vmov s31;
	v11 =	vor.u32 v1, v11;
	v20 =	vld [tilespmem:s28+$0x40];
	v16 =	vbroadcast v3, $0x0  }
0x52: {  	v14 =	vand.u32 $0x7E, v14;
	v21 =	vld [tilespmem:s28+$0xC0];
	v11 =	vbroadcast v11, $0x0  }
0x53: {  	v23 =	vld [tilespmem:s28+$0xFFFFFFC0];
	v3 =	vor.u32 v1, v14  }
0x54: {  	v18 =	vbroadcast v3, $0x0;
	v3 =	vld.idx.msk [tilespmem:v2+s16+$0x0], $0xffff  }
0x55: {  	v24 =	vld [tilespmem:s28+$0xFFFFFFB0]  }
0x56: {  	v62 =	vld [tilespmem:s28+$0xFFFFFF90]  }
0x57: {  	v22 =	vld.idx.msk [tilespmem:v16+s16+$0x0], $0xffff  }
0x58: {  	v11 =	vld.idx.msk [tilespmem:v11+s16+$0x0], $0xffff  }
0x59: {  	v16 =	vld [tilespmem:s28+$0xFFFFFFE0];
	v4 =	vmul.f32 v4, v3  }
0x5a: {  	v25 =	vld [tilespmem:s28+$0xFFFFFF40];
	v21 =	vmul.f32 v21, v3  }
0x5b: {  	v2 =	vld.idx.msk [tilespmem:v18+s16+$0x0], $0xffff;
	v15 =	vmul.f32 v15, v3;
	[tilespmem:s28+$0xD0] =	vst v4  }
0x5c: {  	v26 =	vld [tilespmem:s28+$0xFFFFFF30];
	v19 =	vmul.f32 v19, v3;
	[tilespmem:s28+$0xC0] =	vst v21  }
0x5d: {  	v63 =	vld [tilespmem:s28+$0xFFFFFF00];
	v6 =	vmul.f32 v6, v11;
	[tilespmem:s28+$0x80] =	vst v15  }
0x5e: {  	v18 =	vld [tilespmem:s28+$0xFFFFFFD0];
	v16 =	vmul.f32 v16, v11;
	[tilespmem:s28+$0xB0] =	vst v19  }
0x5f: {  	v14 =	vld [tilespmem:s28+$0xA0];
	v5 =	vmul.f32 v5, v3;
	[tilespmem:s28+$0xFFFFFFF0] =	vst v6  }
0x60: {  	v7 =	vmul.f32 v7, v2;
	v4 =	vld [tilespmem:s28+$0xFFFFFFA0];
	[tilespmem:s28+$0xFFFFFFE0] =	vst v16  }
0x61: {  	v23 =	vmul.f32 v23, v11;
	v8 =	vmul.f32 v8, v2;
	v15 =	vld [tilespmem:s28+$0xFFFFFF80];
	[tilespmem:s28+$0xF0] =	vst v5  }
0x62: {  	v24 =	vmul.f32 v24, v11;
	v12 =	vmul.f32 v12, v2;
	v19 =	vld [tilespmem:s28+$0xFFFFFF70];
	[tilespmem:s28+$0x0] =	vst v7  }
0x63: {  	v9 =	vmul.f32 v9, v2;
	v6 =	vld [tilespmem:s28+$0xFFFFFF60];
	v7 =	vmul.f32 v18, v11;
	[tilespmem:s28+$0x10] =	vst v8  }
0x64: {  	v10 =	vmul.f32 v10, v2;
	v16 =	vmul.f32 v13, v2;
	v18 =	vld [tilespmem:s28+$0xFFFFFF50];
	[tilespmem:s28+$0x50] =	vst v12  }
0x65: {  	v8 =	vld [tilespmem:s28+$0xFFFFFF20];
	v12 =	vmul.f32 v25, v22;
	[tilespmem:s28+$0xFFFFFFD0] =	vst v7;
	v7 =	vmul.f32 v62, v11  }
0x66: {  	[tilespmem:s28+$0x20] =	vst v9;
	v5 =	vmul.f32 v4, v11;
	v4 =	vmul.f32 v20, v2;
	v20 =	vld [tilespmem:s28+$0xFFFFFF10]  }
0x67: {  	[tilespmem:s28+$0x30] =	vst v10;
	v9 =	vmul.f32 v15, v11;
	v10 =	vmul.f32 v19, v22  }
0x68: {  	[tilespmem:s28+$0xFFFFFFC0] =	vst v23;
	v15 =	vmul.f32 v17, v3;
	v11 =	vmul.f32 v6, v22  }
0x69: {  	[tilespmem:s28+$0xFFFFFFB0] =	vst v24;
	v19 =	vmul.f32 v14, v3;
	v14 =	vmul.f32 v26, v22  }
0x6a: {  	v13 =	vmul.f32 v18, v22;
	v6 =	vmul.f32 v8, v22;
	v18 =	vld [tilespmem:s28+$0xE0];
	[tilespmem:s28+$0x90] =	vst v15  }
0x6b: {  	s25 =	sshll.u32 s24, $0x1;
	s26 =	simm.s32 $0x7;
	s29 =	simm.s32 $0xC300;
	v17 =	vld [tilespmem:s28+$0x70];
	v8 =	vmul.f32 v63, v22;
	[tilespmem:s28+$0xA0] =	vst v19;
	v15 =	vmul.f32 v20, v22  }
.LBB2_9:
0x6c: {  	s30 =	sadd.s32 $0xFFFFFFFD, s26;
	s31 =	sadd.s32 $0xFFFFFFFE, s26;
	s1 =	sadd.s32 $0xFFFFFFFF, s26;
	v19 =	vmov s26;
	v20 =	vld [tilespmem:s29+$0xD0];
	[tilespmem:s28+$0x60] =	vst v16  }
0x6d: {  	p1 =	sne.s32 s26, $0x27;
	s26 =	sadd.s32 $0x4, s26;
	v16 =	vmov s30;
	v21 =	vmov s31;
	v19 =	vand.u32 $0x7F, v19;
	v22 =	vld [tilespmem:s29+$0xF0];
	[tilespmem:s28+$0xFFFFFFA0] =	vst v5  }
0x6e: {  	v5 =	vand.u32 $0x7D, v21;
	v21 =	vmov s1;
	v19 =	vor.u32 v1, v19;
	v23 =	vld [tilespmem:s29+$0xFFFFFFF0];
	[tilespmem:s28+$0xFFFFFF90] =	vst v7  }
0x6f: {  	v7 =	vand.u32 $0x7C, v16;
	v16 =	vbroadcast v19, $0x0;
	v19 =	vld [tilespmem:s29+$0x0];
	[tilespmem:s28+$0xFFFFFF80] =	vst v9;
	v3 =	vmul.f32 v18, v3  }
0x70: {  	v5 =	vor.u32 v1, v5;
	v9 =	vand.u32 $0x7E, v21;
	v18 =	vld [tilespmem:s29+$0x10];
	[tilespmem:s28+$0xFFFFFF70] =	vst v10  }
0x71: {  	v5 =	vbroadcast v5, $0x0;
	v9 =	vor.u32 v1, v9;
	v2 =	vmul.f32 v17, v2;
	v10 =	vld [tilespmem:s29+$0x20];
	[tilespmem:s28+$0xFFFFFF60] =	vst v11  }
0x72: {  	v9 =	vbroadcast v9, $0x0;
	v11 =	vld [tilespmem:s29+$0x30];
	[tilespmem:s28+$0xFFFFFF50] =	vst v13  }
0x73: {  	v13 =	vld [tilespmem:s29+$0x50];
	[tilespmem:s28+$0xFFFFFF40] =	vst v12  }
0x74: {  	v12 =	vld [tilespmem:s29+$0x60];
	[tilespmem:s28+$0xFFFFFF30] =	vst v14  }
0x75: {  	v7 =	vor.u32 v1, v7;
	v14 =	vld [tilespmem:s29+$0x80];
	[tilespmem:s28+$0xE0] =	vst v3  }
0x76: {  	v7 =	vbroadcast v7, $0x0;
	v17 =	vld [tilespmem:s29+$0x90];
	[tilespmem:s28+$0xFFFFFF10] =	vst v15  }
0x77: {  	v15 =	vld [tilespmem:s29+$0xA0];
	[tilespmem:s28+$0xFFFFFF20] =	vst v6  }
0x78: {  	v6 =	vld [tilespmem:s29+$0xB0];
	[tilespmem:s28+$0x40] =	vst v4  }
0x79: {  	v4 =	vld [tilespmem:s29+$0x40];
	[tilespmem:s28+$0xFFFFFF00] =	vst v8  }
0x7a: {  	v8 =	vld [tilespmem:s29+$0xC0];
	[tilespmem:s28+$0x70] =	vst v2;
	s28 =	smov.u32 s29  }
0x7b: {  	v3 =	vld.idx.msk [tilespmem:v16+s16+$0x0], $0xffff  }
0x7c: {  	v21 =	vld.idx.msk [tilespmem:v7+s16+$0x0], $0xffff  }
0x7d: {  	v16 =	vld.idx.msk [tilespmem:v5+s16+$0x0], $0xffff  }
0x7e: {  	v2 =	vld.idx.msk [tilespmem:v9+s16+$0x0], $0xffff  }
0x7f: {  	v5 =	vld [tilespmem:s29+$0xFFFFFFE0]  }
0x80: {  	v7 =	vld [tilespmem:s29+$0xFFFFFFD0]  }
0x81: {  	v20 =	vmul.f32 v20, v3;
	v22 =	vmul.f32 v22, v3;
	v9 =	vld [tilespmem:s29+$0xFFFFFFC0]  }
0x82: {  	v14 =	vmul.f32 v14, v3;
	v8 =	vmul.f32 v8, v3;
	v24 =	vld [tilespmem:s29+$0xFFFFFFB0]  }
0x83: {  	v6 =	vmul.f32 v6, v3;
	v23 =	vmul.f32 v23, v16;
	v25 =	vld [tilespmem:s29+$0xFFFFFFA0];
	[tilespmem:s29+$0xD0] =	vst v20  }
0x84: {  	v19 =	vmul.f32 v19, v2;
	v20 =	vld [tilespmem:s29+$0xFFFFFF90];
	v26 =	vmul.f32 v5, v16;
	[tilespmem:s29+$0xC0] =	vst v8  }
0x85: {  	v18 =	vmul.f32 v18, v2;
	v8 =	vld [tilespmem:s29+$0xFFFFFF80];
	v27 =	vmul.f32 v7, v16;
	[tilespmem:s29+$0x80] =	vst v14  }
0x86: {  	v29 =	vmul.f32 v10, v2;
	v14 =	vld [tilespmem:s29+$0xFFFFFF70];
	v28 =	vmul.f32 v9, v16;
	[tilespmem:s29+$0xB0] =	vst v6  }
0x87: {  	v6 =	vld [tilespmem:s29+$0xFFFFFF60];
	v24 =	vmul.f32 v24, v16;
	[tilespmem:s29+$0xFFFFFFF0] =	vst v23;
	v23 =	vmul.f32 v11, v2  }
0x88: {  	v4 =	vmul.f32 v4, v2;
	v30 =	vld [tilespmem:s29+$0xFFFFFF50];
	v5 =	vmul.f32 v25, v16;
	[tilespmem:s29+$0x0] =	vst v19  }
0x89: {  	v19 =	vld [tilespmem:s29+$0xFFFFFF40];
	v7 =	vmul.f32 v20, v16;
	[tilespmem:s29+$0xFFFFFFE0] =	vst v26;
	v20 =	vmul.f32 v13, v2  }
0x8a: {  	v25 =	vld [tilespmem:s29+$0xFFFFFF30];
	v9 =	vmul.f32 v8, v16;
	v16 =	vmul.f32 v12, v2;
	[tilespmem:s29+$0xF0] =	vst v22  }
0x8b: {  	v17 =	vmul.f32 v17, v3;
	v8 =	vld [tilespmem:s29+$0xFFFFFF20];
	v10 =	vmul.f32 v14, v21;
	[tilespmem:s29+$0x10] =	vst v18  }
0x8c: {  	v22 =	vmul.f32 v15, v3;
	v18 =	vld [tilespmem:s29+$0xFFFFFF10];
	v11 =	vmul.f32 v6, v21;
	[tilespmem:s29+$0xFFFFFFD0] =	vst v27  }
0x8d: {  	v26 =	vld [tilespmem:s29+$0xFFFFFF00];
	v13 =	vmul.f32 v30, v21;
	[tilespmem:s29+$0x20] =	vst v29  }
0x8e: {  	v12 =	vmul.f32 v19, v21;
	[tilespmem:s29+$0x30] =	vst v23  }
.Ltmp5:
0x8f: {  	v14 =	vmul.f32 v25, v21;
	[tilespmem:s29+$0xFFFFFFC0] =	vst v28;
	(pc) =	sbr.rel @p1 .LBB2_9-.Ltmp5, $4  }
0x90: {  	v6 =	vmul.f32 v8, v21;
	[tilespmem:s29+$0xFFFFFFB0] =	vst v24  }
0x91: {  	v15 =	vmul.f32 v18, v21;
	[tilespmem:s29+$0x50] =	vst v20  }
0x92: {  	v8 =	vmul.f32 v26, v21;
	[tilespmem:s29+$0x90] =	vst v17;
	v18 =	vld [tilespmem:s29+$0xE0]  }
0x93: {  	s29 =	sadd.s32 $0x200, s29;
	v17 =	vld [tilespmem:s28+$0x70];
	[tilespmem:s28+$0xA0] =	vst v22  }
0x94: {  	[tilespmem:s28+$0x60] =	vst v16  }
0x95: {  	[tilespmem:s28+$0xFFFFFFA0] =	vst v5  }
0x96: {  	[tilespmem:s28+$0xFFFFFF90] =	vst v7  }
0x97: {  	[tilespmem:s28+$0xFFFFFF80] =	vst v9  }
0x98: {  	[tilespmem:s28+$0xFFFFFF70] =	vst v10  }
0x99: {  	[tilespmem:s28+$0xFFFFFF60] =	vst v11  }
0x9a: {  	[tilespmem:s28+$0xFFFFFF50] =	vst v13  }
0x9b: {  	[tilespmem:s28+$0xFFFFFF40] =	vst v12  }
0x9c: {  	[tilespmem:s28+$0xFFFFFF30] =	vst v14  }
0x9d: {  	[tilespmem:s28+$0xFFFFFF10] =	vst v15  }
0x9e: {  	[tilespmem:s28+$0xFFFFFF20] =	vst v6;
	v1 =	vmul.f32 v18, v3  }
0x9f: {  	[tilespmem:s28+$0x40] =	vst v4  }
0xa0: {  	s1 =	sshll.u32 s24, $0xA;
	[tilespmem:s28+$0xE0] =	vst v1;
	v1 =	vmul.f32 v17, v2  }
0xa1: {  	[tilespmem:s28+$0xFFFFFF00] =	vst v8;
	s26 =	sshrl.u32 s1, $0x2  }
0xa2: {  	s1 =	sadd.s32 $0x4000, s26;
	[tilespmem:s28+$0x70] =	vst v1  }
0xa3: {  	[spmem:s3] =	stream.indirect.scatter.add.f32 [tilespmem:s12], [sflag:$0x3], $0x80, s1, s17, $0xb8;
	[tilespmem:$0x1E200] =	vst v63  }
0xa4: {  	_ =	swait.ge [sflag:s20], $0x1400  }
0xa5: {  	[sflag:s20] =	ssyncset.done $0x0  }
0xa6: {  	s28 =	simm.s32 $0xD500;
	[sflag:s20] =	ssyncadd.s32 $0xFFFFEC00  }
0xa7: {  	v4 =	vld [tilespmem:s28+$0xD0]  }
0xa8: {  	v5 =	vld [tilespmem:s28+$0xF0]  }
0xa9: {  	v6 =	vld [tilespmem:s28+$0xFFFFFFF0]  }
0xaa: {  	v7 =	vld [tilespmem:s28+$0x0]  }
0xab: {  	v8 =	vld [tilespmem:s28+$0x10]  }
0xac: {  	s18 =	sor.u32 $0x1, s25;
	s15 =	simm.s32 $0x3;
	v9 =	vld [tilespmem:s28+$0x20]  }
0xad: {  	s29 =	sshll.u32 s18, $0x7;
	v2 =	vmov s15;
	v10 =	vld [tilespmem:s28+$0x30]  }
0xae: {  	s30 =	simm.s32 $0x0;
	v2 =	vand.u32 $0x7F, v2;
	v1 =	vmov s29;
	v12 =	vld [tilespmem:s28+$0x50]  }
0xaf: {  	s18 =	simm.s32 $0x2;
	v3 =	vmov s30;
	v2 =	vor.u32 v1, v2;
	v13 =	vld [tilespmem:s28+$0x60]  }
0xb0: {  	s31 =	simm.s32 $0x1;
	v14 =	vmov s18;
	v3 =	vand.u32 $0x7C, v3;
	v2 =	vbroadcast v2, $0x0;
	v15 =	vld [tilespmem:s28+$0x80]  }
0xb1: {  	v11 =	vmov s31;
	v14 =	vand.u32 $0x7E, v14;
	v3 =	vor.u32 v1, v3;
	v17 =	vld [tilespmem:s28+$0x90]  }
0xb2: {  	v11 =	vand.u32 $0x7D, v11;
	v16 =	vbroadcast v3, $0x0;
	v3 =	vor.u32 v1, v14;
	v14 =	vld [tilespmem:s28+$0xA0]  }
0xb3: {  	v11 =	vor.u32 v1, v11;
	v19 =	vld [tilespmem:s28+$0xB0]  }
0xb4: {  	v11 =	vbroadcast v11, $0x0;
	v20 =	vld [tilespmem:s28+$0x40]  }
0xb5: {  	v21 =	vld [tilespmem:s28+$0xC0]  }
0xb6: {  	v18 =	vbroadcast v3, $0x0;
	v3 =	vld.idx.msk [tilespmem:v2+s16+$0x0], $0xffff  }
0xb7: {  	v23 =	vld [tilespmem:s28+$0xFFFFFFC0]  }
0xb8: {  	v24 =	vld [tilespmem:s28+$0xFFFFFFB0]  }
0xb9: {  	v22 =	vld.idx.msk [tilespmem:v16+s16+$0x0], $0xffff  }
0xba: {  	v11 =	vld.idx.msk [tilespmem:v11+s16+$0x0], $0xffff  }
0xbb: {  	v16 =	vld [tilespmem:s28+$0xFFFFFFE0];
	v4 =	vmul.f32 v4, v3  }
0xbc: {  	v62 =	vld [tilespmem:s28+$0xFFFFFF90];
	v21 =	vmul.f32 v21, v3  }
0xbd: {  	v2 =	vld.idx.msk [tilespmem:v18+s16+$0x0], $0xffff;
	v15 =	vmul.f32 v15, v3;
	[tilespmem:s28+$0xD0] =	vst v4  }
0xbe: {  	v25 =	vld [tilespmem:s28+$0xFFFFFF40];
	v19 =	vmul.f32 v19, v3;
	[tilespmem:s28+$0xC0] =	vst v21  }
0xbf: {  	v26 =	vld [tilespmem:s28+$0xFFFFFF30];
	v6 =	vmul.f32 v6, v11;
	[tilespmem:s28+$0x80] =	vst v15  }
0xc0: {  	v18 =	vld [tilespmem:s28+$0xFFFFFFD0];
	v16 =	vmul.f32 v16, v11;
	[tilespmem:s28+$0xB0] =	vst v19  }
0xc1: {  	v63 =	vld [tilespmem:s28+$0xFFFFFF00];
	v5 =	vmul.f32 v5, v3;
	[tilespmem:s28+$0xFFFFFFF0] =	vst v6  }
0xc2: {  	v7 =	vmul.f32 v7, v2;
	v4 =	vld [tilespmem:s28+$0xFFFFFFA0];
	[tilespmem:s28+$0xFFFFFFE0] =	vst v16  }
0xc3: {  	v23 =	vmul.f32 v23, v11;
	v8 =	vmul.f32 v8, v2;
	v15 =	vld [tilespmem:s28+$0xFFFFFF80];
	[tilespmem:s28+$0xF0] =	vst v5  }
0xc4: {  	v24 =	vmul.f32 v24, v11;
	v12 =	vmul.f32 v12, v2;
	v19 =	vld [tilespmem:s28+$0xFFFFFF70];
	[tilespmem:s28+$0x0] =	vst v7  }
0xc5: {  	v9 =	vmul.f32 v9, v2;
	v6 =	vld [tilespmem:s28+$0xFFFFFF60];
	v7 =	vmul.f32 v18, v11;
	[tilespmem:s28+$0x10] =	vst v8  }
0xc6: {  	v10 =	vmul.f32 v10, v2;
	v16 =	vmul.f32 v13, v2;
	v18 =	vld [tilespmem:s28+$0xFFFFFF50];
	[tilespmem:s28+$0x50] =	vst v12  }
0xc7: {  	v8 =	vld [tilespmem:s28+$0xFFFFFF20];
	v12 =	vmul.f32 v25, v22;
	[tilespmem:s28+$0xFFFFFFD0] =	vst v7;
	v7 =	vmul.f32 v62, v11  }
0xc8: {  	[tilespmem:s28+$0x20] =	vst v9;
	v5 =	vmul.f32 v4, v11;
	v4 =	vmul.f32 v20, v2;
	v20 =	vld [tilespmem:s28+$0xFFFFFF10]  }
0xc9: {  	[tilespmem:s28+$0x30] =	vst v10;
	v9 =	vmul.f32 v15, v11;
	v10 =	vmul.f32 v19, v22  }
0xca: {  	[tilespmem:s28+$0xFFFFFFC0] =	vst v23;
	v15 =	vmul.f32 v17, v3;
	v11 =	vmul.f32 v6, v22  }
0xcb: {  	[tilespmem:s28+$0xFFFFFFB0] =	vst v24;
	v19 =	vmul.f32 v14, v3;
	v14 =	vmul.f32 v26, v22  }
0xcc: {  	v13 =	vmul.f32 v18, v22;
	v6 =	vmul.f32 v8, v22;
	v18 =	vld [tilespmem:s28+$0xE0];
	[tilespmem:s28+$0x90] =	vst v15  }
0xcd: {  	s31 =	simm.s32 $0xD700;
	s30 =	simm.s32 $0x7;
	v17 =	vld [tilespmem:s28+$0x70];
	v8 =	vmul.f32 v63, v22;
	[tilespmem:s28+$0xA0] =	vst v19;
	v15 =	vmul.f32 v20, v22  }
.LBB2_11:
0xce: {  	s1 =	sadd.s32 $0xFFFFFFFD, s30;
	s15 =	sadd.s32 $0xFFFFFFFE, s30;
	s18 =	sadd.s32 $0xFFFFFFFF, s30;
	v19 =	vmov s30;
	v20 =	vld [tilespmem:s31+$0xD0];
	[tilespmem:s28+$0x60] =	vst v16  }
0xcf: {  	p1 =	sne.s32 s30, $0x27;
	s30 =	sadd.s32 $0x4, s30;
	v16 =	vmov s1;
	v21 =	vmov s15;
	v19 =	vand.u32 $0x7F, v19;
	v22 =	vld [tilespmem:s31+$0xF0];
	[tilespmem:s28+$0xFFFFFFA0] =	vst v5  }
0xd0: {  	v5 =	vand.u32 $0x7D, v21;
	v21 =	vmov s18;
	v19 =	vor.u32 v1, v19;
	v23 =	vld [tilespmem:s31+$0xFFFFFFF0];
	[tilespmem:s28+$0xFFFFFF90] =	vst v7  }
0xd1: {  	v7 =	vand.u32 $0x7C, v16;
	v16 =	vbroadcast v19, $0x0;
	v19 =	vld [tilespmem:s31+$0x0];
	[tilespmem:s28+$0xFFFFFF80] =	vst v9;
	v3 =	vmul.f32 v18, v3  }
0xd2: {  	v5 =	vor.u32 v1, v5;
	v9 =	vand.u32 $0x7E, v21;
	v18 =	vld [tilespmem:s31+$0x10];
	[tilespmem:s28+$0xFFFFFF70] =	vst v10  }
0xd3: {  	v5 =	vbroadcast v5, $0x0;
	v9 =	vor.u32 v1, v9;
	v2 =	vmul.f32 v17, v2;
	v10 =	vld [tilespmem:s31+$0x20];
	[tilespmem:s28+$0xFFFFFF60] =	vst v11  }
0xd4: {  	v9 =	vbroadcast v9, $0x0;
	v11 =	vld [tilespmem:s31+$0x30];
	[tilespmem:s28+$0xFFFFFF50] =	vst v13  }
0xd5: {  	v13 =	vld [tilespmem:s31+$0x50];
	[tilespmem:s28+$0xFFFFFF40] =	vst v12  }
0xd6: {  	v12 =	vld [tilespmem:s31+$0x60];
	[tilespmem:s28+$0xFFFFFF30] =	vst v14  }
0xd7: {  	v7 =	vor.u32 v1, v7;
	v14 =	vld [tilespmem:s31+$0x80];
	[tilespmem:s28+$0xE0] =	vst v3  }
0xd8: {  	v7 =	vbroadcast v7, $0x0;
	v17 =	vld [tilespmem:s31+$0x90];
	[tilespmem:s28+$0xFFFFFF10] =	vst v15  }
0xd9: {  	v15 =	vld [tilespmem:s31+$0xA0];
	[tilespmem:s28+$0xFFFFFF20] =	vst v6  }
0xda: {  	v6 =	vld [tilespmem:s31+$0xB0];
	[tilespmem:s28+$0x40] =	vst v4  }
0xdb: {  	v4 =	vld [tilespmem:s31+$0x40];
	[tilespmem:s28+$0xFFFFFF00] =	vst v8  }
0xdc: {  	v8 =	vld [tilespmem:s31+$0xC0];
	[tilespmem:s28+$0x70] =	vst v2;
	s28 =	smov.u32 s31  }
0xdd: {  	v3 =	vld.idx.msk [tilespmem:v16+s16+$0x0], $0xffff  }
0xde: {  	v21 =	vld.idx.msk [tilespmem:v7+s16+$0x0], $0xffff  }
0xdf: {  	v16 =	vld.idx.msk [tilespmem:v5+s16+$0x0], $0xffff  }
0xe0: {  	v2 =	vld.idx.msk [tilespmem:v9+s16+$0x0], $0xffff  }
0xe1: {  	v5 =	vld [tilespmem:s31+$0xFFFFFFE0]  }
0xe2: {  	v7 =	vld [tilespmem:s31+$0xFFFFFFD0]  }
0xe3: {  	v20 =	vmul.f32 v20, v3;
	v22 =	vmul.f32 v22, v3;
	v9 =	vld [tilespmem:s31+$0xFFFFFFC0]  }
0xe4: {  	v14 =	vmul.f32 v14, v3;
	v8 =	vmul.f32 v8, v3;
	v24 =	vld [tilespmem:s31+$0xFFFFFFB0]  }
0xe5: {  	v6 =	vmul.f32 v6, v3;
	v23 =	vmul.f32 v23, v16;
	v25 =	vld [tilespmem:s31+$0xFFFFFFA0];
	[tilespmem:s31+$0xD0] =	vst v20  }
0xe6: {  	v19 =	vmul.f32 v19, v2;
	v20 =	vld [tilespmem:s31+$0xFFFFFF90];
	v26 =	vmul.f32 v5, v16;
	[tilespmem:s31+$0xC0] =	vst v8  }
0xe7: {  	v18 =	vmul.f32 v18, v2;
	v8 =	vld [tilespmem:s31+$0xFFFFFF80];
	v27 =	vmul.f32 v7, v16;
	[tilespmem:s31+$0x80] =	vst v14  }
0xe8: {  	v29 =	vmul.f32 v10, v2;
	v14 =	vld [tilespmem:s31+$0xFFFFFF70];
	v28 =	vmul.f32 v9, v16;
	[tilespmem:s31+$0xB0] =	vst v6  }
0xe9: {  	v6 =	vld [tilespmem:s31+$0xFFFFFF60];
	v24 =	vmul.f32 v24, v16;
	[tilespmem:s31+$0xFFFFFFF0] =	vst v23;
	v23 =	vmul.f32 v11, v2  }
0xea: {  	v4 =	vmul.f32 v4, v2;
	v30 =	vld [tilespmem:s31+$0xFFFFFF50];
	v5 =	vmul.f32 v25, v16;
	[tilespmem:s31+$0x0] =	vst v19  }
0xeb: {  	v19 =	vld [tilespmem:s31+$0xFFFFFF40];
	v7 =	vmul.f32 v20, v16;
	[tilespmem:s31+$0xFFFFFFE0] =	vst v26;
	v20 =	vmul.f32 v13, v2  }
0xec: {  	v25 =	vld [tilespmem:s31+$0xFFFFFF30];
	v9 =	vmul.f32 v8, v16;
	v16 =	vmul.f32 v12, v2;
	[tilespmem:s31+$0xF0] =	vst v22  }
0xed: {  	v17 =	vmul.f32 v17, v3;
	v8 =	vld [tilespmem:s31+$0xFFFFFF20];
	v10 =	vmul.f32 v14, v21;
	[tilespmem:s31+$0x10] =	vst v18  }
0xee: {  	v22 =	vmul.f32 v15, v3;
	v18 =	vld [tilespmem:s31+$0xFFFFFF10];
	v11 =	vmul.f32 v6, v21;
	[tilespmem:s31+$0xFFFFFFD0] =	vst v27  }
0xef: {  	v26 =	vld [tilespmem:s31+$0xFFFFFF00];
	v13 =	vmul.f32 v30, v21;
	[tilespmem:s31+$0x20] =	vst v29  }
0xf0: {  	v12 =	vmul.f32 v19, v21;
	[tilespmem:s31+$0x30] =	vst v23  }
.Ltmp6:
0xf1: {  	v14 =	vmul.f32 v25, v21;
	[tilespmem:s31+$0xFFFFFFC0] =	vst v28;
	(pc) =	sbr.rel @p1 .LBB2_11-.Ltmp6, $4  }
0xf2: {  	v6 =	vmul.f32 v8, v21;
	[tilespmem:s31+$0xFFFFFFB0] =	vst v24  }
0xf3: {  	v15 =	vmul.f32 v18, v21;
	[tilespmem:s31+$0x50] =	vst v20  }
0xf4: {  	v8 =	vmul.f32 v26, v21;
	[tilespmem:s31+$0x90] =	vst v17;
	v18 =	vld [tilespmem:s31+$0xE0]  }
0xf5: {  	s31 =	sadd.s32 $0x200, s31;
	v17 =	vld [tilespmem:s28+$0x70];
	[tilespmem:s28+$0xA0] =	vst v22  }
0xf6: {  	[tilespmem:s28+$0x60] =	vst v16  }
0xf7: {  	[tilespmem:s28+$0xFFFFFFA0] =	vst v5  }
0xf8: {  	[tilespmem:s28+$0xFFFFFF90] =	vst v7  }
0xf9: {  	[tilespmem:s28+$0xFFFFFF80] =	vst v9  }
0xfa: {  	[tilespmem:s28+$0xFFFFFF70] =	vst v10  }
0xfb: {  	[tilespmem:s28+$0xFFFFFF60] =	vst v11  }
0xfc: {  	[tilespmem:s28+$0xFFFFFF50] =	vst v13  }
0xfd: {  	[tilespmem:s28+$0xFFFFFF40] =	vst v12  }
0xfe: {  	[tilespmem:s28+$0xFFFFFF30] =	vst v14  }
0xff: {  	[tilespmem:s28+$0xFFFFFF10] =	vst v15  }
0x100: {  	[tilespmem:s28+$0xFFFFFF20] =	vst v6;
	v1 =	vmul.f32 v18, v3  }
0x101: {  	[tilespmem:s28+$0x40] =	vst v4  }
0x102: {  	[tilespmem:s28+$0xE0] =	vst v1;
	v1 =	vmul.f32 v17, v2  }
0x103: {  	[tilespmem:s28+$0xFFFFFF00] =	vst v8;
	s1 =	sand.u32 $0x3FFFFF80, s29  }
0x104: {  	s1 =	sadd.s32 $0x4000, s1;
	[tilespmem:s28+$0x70] =	vst v1  }
0x105: {  	[spmem:s3] =	stream.indirect.scatter.add.f32 [tilespmem:s19], [sflag:$0x4], $0x80, s1, s17, $0xb8;
	[tilespmem:$0x1E200] =	vst v63  }
0x106: {  	_ =	swait.ge [sflag:s21], $0x1400  }
0x107: {  	s24 =	sadd.s32 $0x1, s24;
	[sflag:s21] =	ssyncset.done $0x0  }
0x108: {  	s30 =	sadd.s32 $0x100, s26;
	p1 =	sne.s32 s24, $0x3E;
	[sflag:s21] =	ssyncadd.s32 $0xFFFFEC00  }
0x109: {  	[tilespmem:s12], [sflag:$0x1] =	stream.indirect.gather [hbm4b:s0+s17], $0x80, s30, s17, $0xb8;
	[tilespmem:$0x1E200] =	vst v63  }
.Ltmp7:
0x10a: {  	_ = 	snop;
	(pc) =	sbr.rel @p1 .LBB2_8-.Ltmp7, $4  }
0x10b: {  	s31 =	smin.u32 s25, $0x79;
	_ =	swait.ge [sflag:s22], $0x1400  }
0x10c: {  	s1 =	sshll.u32 s31, $0x7;
	[sflag:s22] =	ssyncset.done $0x0  }
0x10d: {  	s1 =	sadd.s32 $0x180, s1;
	[sflag:s22] =	ssyncadd.s32 $0xFFFFEC00  }
0x10e: {  	[tilespmem:s19], [sflag:$0x2] =	stream.indirect.gather [hbm4b:s0+s17], $0x80, s1, s17, $0xb8;
	[tilespmem:$0x1E200] =	vst v63  }
0x10f: {  	_ =	swait.ge [sflag:s13], $0x1400  }
0x110: {  	[sflag:s13] =	ssyncset.done $0x0  }
0x111: {  	s24 =	simm.s32 $0xC100;
	[sflag:s13] =	ssyncadd.s32 $0xFFFFEC00  }
0x112: {  	v3 =	vld [tilespmem:s24+$0xD0]  }
0x113: {  	v4 =	vld [tilespmem:s24+$0xF0]  }
0x114: {  	v5 =	vld [tilespmem:s24+$0xFFFFFFF0]  }
0x115: {  	v6 =	vld [tilespmem:s24+$0x0]  }
0x116: {  	v7 =	vld [tilespmem:s24+$0x10]  }
0x117: {  	s1 =	simm.s32 $0x3;
	v8 =	vld [tilespmem:s24+$0x20]  }
0x118: {  	v1 =	vmov s1;
	v9 =	vld [tilespmem:s24+$0x30]  }
0x119: {  	v1 =	vand.u32 $0x7F, v1;
	v11 =	vld [tilespmem:s24+$0x50]  }
0x11a: {  	s15 =	simm.s32 $0x0;
	v1 =	vor.u32 $0x3E00, v1;
	v12 =	vld [tilespmem:s24+$0x60]  }
0x11b: {  	s18 =	simm.s32 $0x1;
	v2 =	vmov s15;
	v14 =	vld [tilespmem:s24+$0x80];
	v1 =	vbroadcast v1, $0x0  }
0x11c: {  	v10 =	vmov s18;
	v2 =	vand.u32 $0x7C, v2;
	v16 =	vld [tilespmem:s24+$0x90]  }
0x11d: {  	s31 =	simm.s32 $0x2;
	v10 =	vand.u32 $0x7D, v10;
	v2 =	vor.u32 $0x3E00, v2;
	v18 =	vld [tilespmem:s24+$0xB0]  }
0x11e: {  	v13 =	vmov s31;
	v10 =	vor.u32 $0x3E00, v10;
	v19 =	vld [tilespmem:s24+$0x40];
	v15 =	vbroadcast v2, $0x0  }
0x11f: {  	v13 =	vand.u32 $0x7E, v13;
	v20 =	vld [tilespmem:s24+$0xC0];
	v10 =	vbroadcast v10, $0x0  }
0x120: {  	v22 =	vld [tilespmem:s24+$0xFFFFFFC0];
	v2 =	vor.u32 $0x3E00, v13  }
0x121: {  	v17 =	vbroadcast v2, $0x0;
	v2 =	vld.idx.msk [tilespmem:v1+s16+$0x0], $0xffff  }
0x122: {  	v23 =	vld [tilespmem:s24+$0xFFFFFFB0]  }
0x123: {  	v62 =	vld [tilespmem:s24+$0xFFFFFF90]  }
0x124: {  	v21 =	vld.idx.msk [tilespmem:v15+s16+$0x0], $0xffff  }
0x125: {  	v10 =	vld.idx.msk [tilespmem:v10+s16+$0x0], $0xffff  }
0x126: {  	v15 =	vld [tilespmem:s24+$0xFFFFFFE0];
	v3 =	vmul.f32 v3, v2  }
0x127: {  	v24 =	vld [tilespmem:s24+$0xFFFFFF40];
	v20 =	vmul.f32 v20, v2  }
0x128: {  	v1 =	vld.idx.msk [tilespmem:v17+s16+$0x0], $0xffff;
	v14 =	vmul.f32 v14, v2;
	[tilespmem:s24+$0xD0] =	vst v3  }
0x129: {  	v25 =	vld [tilespmem:s24+$0xFFFFFF30];
	v18 =	vmul.f32 v18, v2;
	[tilespmem:s24+$0xC0] =	vst v20  }
0x12a: {  	v63 =	vld [tilespmem:s24+$0xFFFFFF00];
	v5 =	vmul.f32 v5, v10;
	[tilespmem:s24+$0x80] =	vst v14  }
0x12b: {  	v17 =	vld [tilespmem:s24+$0xFFFFFFD0];
	v15 =	vmul.f32 v15, v10;
	[tilespmem:s24+$0xB0] =	vst v18  }
0x12c: {  	v13 =	vld [tilespmem:s24+$0xA0];
	v4 =	vmul.f32 v4, v2;
	[tilespmem:s24+$0xFFFFFFF0] =	vst v5  }
0x12d: {  	v6 =	vmul.f32 v6, v1;
	v3 =	vld [tilespmem:s24+$0xFFFFFFA0];
	[tilespmem:s24+$0xFFFFFFE0] =	vst v15  }
0x12e: {  	v22 =	vmul.f32 v22, v10;
	v7 =	vmul.f32 v7, v1;
	v14 =	vld [tilespmem:s24+$0xFFFFFF80];
	[tilespmem:s24+$0xF0] =	vst v4  }
0x12f: {  	v23 =	vmul.f32 v23, v10;
	v11 =	vmul.f32 v11, v1;
	v18 =	vld [tilespmem:s24+$0xFFFFFF70];
	[tilespmem:s24+$0x0] =	vst v6  }
0x130: {  	v8 =	vmul.f32 v8, v1;
	v5 =	vld [tilespmem:s24+$0xFFFFFF60];
	v6 =	vmul.f32 v17, v10;
	[tilespmem:s24+$0x10] =	vst v7  }
0x131: {  	v9 =	vmul.f32 v9, v1;
	v15 =	vmul.f32 v12, v1;
	v17 =	vld [tilespmem:s24+$0xFFFFFF50];
	[tilespmem:s24+$0x50] =	vst v11  }
0x132: {  	v7 =	vld [tilespmem:s24+$0xFFFFFF20];
	v11 =	vmul.f32 v24, v21;
	[tilespmem:s24+$0xFFFFFFD0] =	vst v6;
	v6 =	vmul.f32 v62, v10  }
0x133: {  	[tilespmem:s24+$0x20] =	vst v8;
	v4 =	vmul.f32 v3, v10;
	v3 =	vmul.f32 v19, v1;
	v19 =	vld [tilespmem:s24+$0xFFFFFF10]  }
0x134: {  	[tilespmem:s24+$0x30] =	vst v9;
	v8 =	vmul.f32 v14, v10;
	v9 =	vmul.f32 v18, v21  }
0x135: {  	[tilespmem:s24+$0xFFFFFFC0] =	vst v22;
	v14 =	vmul.f32 v16, v2;
	v10 =	vmul.f32 v5, v21  }
0x136: {  	[tilespmem:s24+$0xFFFFFFB0] =	vst v23;
	v18 =	vmul.f32 v13, v2;
	v13 =	vmul.f32 v25, v21  }
0x137: {  	v12 =	vmul.f32 v17, v21;
	v5 =	vmul.f32 v7, v21;
	v17 =	vld [tilespmem:s24+$0xE0];
	[tilespmem:s24+$0x90] =	vst v14  }
0x138: {  	s25 =	simm.s32 $0x7;
	s26 =	simm.s32 $0xC300;
	v16 =	vld [tilespmem:s24+$0x70];
	v7 =	vmul.f32 v63, v21;
	[tilespmem:s24+$0xA0] =	vst v18;
	v14 =	vmul.f32 v19, v21  }
.LBB2_14:
0x139: {  	s1 =	sadd.s32 $0xFFFFFFFD, s25;
	s15 =	sadd.s32 $0xFFFFFFFE, s25;
	s18 =	sadd.s32 $0xFFFFFFFF, s25;
	v18 =	vmov s25;
	v19 =	vld [tilespmem:s26+$0xD0];
	[tilespmem:s24+$0x60] =	vst v15  }
0x13a: {  	p1 =	sne.s32 s25, $0x27;
	s25 =	sadd.s32 $0x4, s25;
	v15 =	vmov s1;
	v20 =	vmov s15;
	v18 =	vand.u32 $0x7F, v18;
	v21 =	vld [tilespmem:s26+$0xF0];
	[tilespmem:s24+$0xFFFFFFA0] =	vst v4  }
0x13b: {  	v4 =	vand.u32 $0x7D, v20;
	v20 =	vmov s18;
	v18 =	vor.u32 $0x3E00, v18;
	v22 =	vld [tilespmem:s26+$0xFFFFFFF0];
	[tilespmem:s24+$0xFFFFFF90] =	vst v6  }
0x13c: {  	v6 =	vand.u32 $0x7C, v15;
	v15 =	vbroadcast v18, $0x0;
	v18 =	vld [tilespmem:s26+$0x0];
	[tilespmem:s24+$0xFFFFFF80] =	vst v8;
	v2 =	vmul.f32 v17, v2  }
0x13d: {  	v4 =	vor.u32 $0x3E00, v4;
	v8 =	vand.u32 $0x7E, v20;
	v17 =	vld [tilespmem:s26+$0x10];
	[tilespmem:s24+$0xFFFFFF70] =	vst v9  }
0x13e: {  	v4 =	vbroadcast v4, $0x0;
	v8 =	vor.u32 $0x3E00, v8;
	v1 =	vmul.f32 v16, v1;
	v9 =	vld [tilespmem:s26+$0x20];
	[tilespmem:s24+$0xFFFFFF60] =	vst v10  }
0x13f: {  	v8 =	vbroadcast v8, $0x0;
	v10 =	vld [tilespmem:s26+$0x30];
	[tilespmem:s24+$0xFFFFFF50] =	vst v12  }
0x140: {  	v12 =	vld [tilespmem:s26+$0x50];
	[tilespmem:s24+$0xFFFFFF40] =	vst v11  }
0x141: {  	v11 =	vld [tilespmem:s26+$0x60];
	[tilespmem:s24+$0xFFFFFF30] =	vst v13  }
0x142: {  	v6 =	vor.u32 $0x3E00, v6;
	v13 =	vld [tilespmem:s26+$0x80];
	[tilespmem:s24+$0xE0] =	vst v2  }
0x143: {  	v6 =	vbroadcast v6, $0x0;
	v16 =	vld [tilespmem:s26+$0x90];
	[tilespmem:s24+$0xFFFFFF10] =	vst v14  }
0x144: {  	v14 =	vld [tilespmem:s26+$0xA0];
	[tilespmem:s24+$0xFFFFFF20] =	vst v5  }
0x145: {  	v5 =	vld [tilespmem:s26+$0xB0];
	[tilespmem:s24+$0x40] =	vst v3  }
0x146: {  	v3 =	vld [tilespmem:s26+$0x40];
	[tilespmem:s24+$0xFFFFFF00] =	vst v7  }
0x147: {  	v7 =	vld [tilespmem:s26+$0xC0];
	[tilespmem:s24+$0x70] =	vst v1;
	s24 =	smov.u32 s26  }
0x148: {  	v2 =	vld.idx.msk [tilespmem:v15+s16+$0x0], $0xffff  }
0x149: {  	v20 =	vld.idx.msk [tilespmem:v6+s16+$0x0], $0xffff  }
0x14a: {  	v15 =	vld.idx.msk [tilespmem:v4+s16+$0x0], $0xffff  }
0x14b: {  	v1 =	vld.idx.msk [tilespmem:v8+s16+$0x0], $0xffff  }
0x14c: {  	v4 =	vld [tilespmem:s26+$0xFFFFFFE0]  }
0x14d: {  	v6 =	vld [tilespmem:s26+$0xFFFFFFD0]  }
0x14e: {  	v19 =	vmul.f32 v19, v2;
	v21 =	vmul.f32 v21, v2;
	v8 =	vld [tilespmem:s26+$0xFFFFFFC0]  }
0x14f: {  	v13 =	vmul.f32 v13, v2;
	v7 =	vmul.f32 v7, v2;
	v23 =	vld [tilespmem:s26+$0xFFFFFFB0]  }
0x150: {  	v5 =	vmul.f32 v5, v2;
	v22 =	vmul.f32 v22, v15;
	v24 =	vld [tilespmem:s26+$0xFFFFFFA0];
	[tilespmem:s26+$0xD0] =	vst v19  }
0x151: {  	v18 =	vmul.f32 v18, v1;
	v19 =	vld [tilespmem:s26+$0xFFFFFF90];
	v25 =	vmul.f32 v4, v15;
	[tilespmem:s26+$0xC0] =	vst v7  }
0x152: {  	v17 =	vmul.f32 v17, v1;
	v7 =	vld [tilespmem:s26+$0xFFFFFF80];
	v26 =	vmul.f32 v6, v15;
	[tilespmem:s26+$0x80] =	vst v13  }
0x153: {  	v28 =	vmul.f32 v9, v1;
	v13 =	vld [tilespmem:s26+$0xFFFFFF70];
	v27 =	vmul.f32 v8, v15;
	[tilespmem:s26+$0xB0] =	vst v5  }
0x154: {  	v5 =	vld [tilespmem:s26+$0xFFFFFF60];
	v23 =	vmul.f32 v23, v15;
	[tilespmem:s26+$0xFFFFFFF0] =	vst v22;
	v22 =	vmul.f32 v10, v1  }
0x155: {  	v3 =	vmul.f32 v3, v1;
	v29 =	vld [tilespmem:s26+$0xFFFFFF50];
	v4 =	vmul.f32 v24, v15;
	[tilespmem:s26+$0x0] =	vst v18  }
0x156: {  	v18 =	vld [tilespmem:s26+$0xFFFFFF40];
	v6 =	vmul.f32 v19, v15;
	[tilespmem:s26+$0xFFFFFFE0] =	vst v25;
	v19 =	vmul.f32 v12, v1  }
0x157: {  	v24 =	vld [tilespmem:s26+$0xFFFFFF30];
	v8 =	vmul.f32 v7, v15;
	v15 =	vmul.f32 v11, v1;
	[tilespmem:s26+$0xF0] =	vst v21  }
0x158: {  	v16 =	vmul.f32 v16, v2;
	v7 =	vld [tilespmem:s26+$0xFFFFFF20];
	v9 =	vmul.f32 v13, v20;
	[tilespmem:s26+$0x10] =	vst v17  }
0x159: {  	v21 =	vmul.f32 v14, v2;
	v17 =	vld [tilespmem:s26+$0xFFFFFF10];
	v10 =	vmul.f32 v5, v20;
	[tilespmem:s26+$0xFFFFFFD0] =	vst v26  }
0x15a: {  	v25 =	vld [tilespmem:s26+$0xFFFFFF00];
	v12 =	vmul.f32 v29, v20;
	[tilespmem:s26+$0x20] =	vst v28  }
0x15b: {  	v11 =	vmul.f32 v18, v20;
	[tilespmem:s26+$0x30] =	vst v22  }
.Ltmp8:
0x15c: {  	v13 =	vmul.f32 v24, v20;
	[tilespmem:s26+$0xFFFFFFC0] =	vst v27;
	(pc) =	sbr.rel @p1 .LBB2_14-.Ltmp8, $4  }
0x15d: {  	v5 =	vmul.f32 v7, v20;
	[tilespmem:s26+$0xFFFFFFB0] =	vst v23  }
0x15e: {  	v14 =	vmul.f32 v17, v20;
	[tilespmem:s26+$0x50] =	vst v19  }
0x15f: {  	v7 =	vmul.f32 v25, v20;
	[tilespmem:s26+$0x90] =	vst v16;
	v17 =	vld [tilespmem:s26+$0xE0]  }
0x160: {  	s26 =	sadd.s32 $0x200, s26;
	v16 =	vld [tilespmem:s24+$0x70];
	[tilespmem:s24+$0xA0] =	vst v21  }
0x161: {  	[tilespmem:s24+$0x60] =	vst v15  }
0x162: {  	[tilespmem:s24+$0xFFFFFFA0] =	vst v4  }
0x163: {  	[tilespmem:s24+$0xFFFFFF90] =	vst v6  }
0x164: {  	[tilespmem:s24+$0xFFFFFF80] =	vst v8  }
0x165: {  	[tilespmem:s24+$0xFFFFFF70] =	vst v9  }
0x166: {  	[tilespmem:s24+$0xFFFFFF60] =	vst v10  }
0x167: {  	[tilespmem:s24+$0xFFFFFF50] =	vst v12  }
0x168: {  	[tilespmem:s24+$0xFFFFFF40] =	vst v11  }
0x169: {  	[tilespmem:s24+$0xFFFFFF30] =	vst v13  }
0x16a: {  	[tilespmem:s24+$0xFFFFFF10] =	vst v14  }
0x16b: {  	[tilespmem:s24+$0xFFFFFF20] =	vst v5  }
0x16c: {  	[tilespmem:s24+$0x40] =	vst v3;
	v2 =	vmul.f32 v17, v2  }
0x16d: {  	[tilespmem:s24+$0xFFFFFF00] =	vst v7;
	v1 =	vmul.f32 v16, v1  }
0x16e: {  	[tilespmem:s24+$0xE0] =	vst v2  }
0x16f: {  	[tilespmem:s24+$0x70] =	vst v1  }
0x170: {  	[spmem:s3] =	stream.indirect.scatter.add.f32 [tilespmem:s12], [sflag:$0x3], $0x80, s23, s17, $0xb8;
	[tilespmem:$0x1E200] =	vst v63  }
0x171: {  	_ =	swait.ge [sflag:s21], $0x1400  }
0x172: {  	[sflag:s21] =	ssyncset.done $0x0  }
0x173: {  	[sflag:s21] =	ssyncadd.s32 $0xFFFFEC00  }
.Ltmp9:
0x174: {  	_ =	swait.ge [sflag:s20], $0x1400;
	(pc) =	sbr.rel @!p0 .LBB2_17-.Ltmp9, $4  }
0x175: {  	s1 =	sshll.u32 s2, $0x6;
	s31 =	sshrl.u32 s10, $0x3;
	[sflag:s20] =	ssyncset.done $0x0  }
0x176: {  	s25 =	sadd.s32 $0xFFFFFFFF, s5;
	s26 =	sadd.s32 $0x14000, s10;
	[sflag:s20] =	ssyncadd.s32 $0xFFFFEC00  }
0x177: {  	s28 =	smov.u32 s11;
	s24 =	sor.u32 $0x1C01, s1;
	[bflag:$0x0] =	sbarrier.arrive $0xFFFF  }
0x178: {  	[hbm:s11], [sflag:s24] =	dma.local [spmem:s31], $0x280  }
.LBB2_16:
0x179: {  	p1 =	sne.s32 s25, $0x1;
	s25 =	sadd.s32 $0xFFFFFFFF, s25  }
.Ltmp10:
0x17a: {  	s1 =	sshrl.u32 s26, $0x3;
	s28 =	sadd.s32 $0x2800, s28;
	(pc) =	sbr.rel @p1 .LBB2_16-.Ltmp10, $3  }
0x17b: {  	[hbm:s28], [sflag:s24] =	dma.local [spmem:s1], $0x280  }
0x17c: {  	_ =	sdelay $0x1  }
0x17d: {  	s26 =	sadd.s32 $0x14000, s26  }
.LBB2_17:
.Ltmp11:
0x17e: {  	(pc) =	sbr.rel @!p0 .LBB2_19-.Ltmp11, $3  }
0x17f: {  	_ =	sdelay $0x1  }
0x180: {  	_ =	swait.ge [sflag:s13], $0x280  }
0x181: {  	s24 =	sadd.s32 $0xFFFFFFFF, s5;
	[sflag:s13] =	ssyncset.done $0x0  }
.LBB2_18:
0x182: {  	p0 =	sne.s32 s24, $0x1;
	s24 =	sadd.s32 $0xFFFFFFFF, s24;
	[sflag:s13] =	ssyncadd.s32 $0xFFFFFD80  }
.Ltmp12:
0x183: {  	(pc) =	sbr.rel @p0 .LBB2_18-.Ltmp12, $3  }
0x184: {  	_ =	sdelay $0x1  }
0x185: {  	_ =	swait.ge [sflag:s13], $0x280  }
0x186: {  	[sflag:s13] =	ssyncset.done $0x0  }
.LBB2_19:
0x187: {  	s4 =	sadd.s32 $0x1, s4  }
0x188: {  	p0 =	sne.s32 s4, s9  }
.Ltmp13:
0x189: {  	_ = 	snop;
	(pc) =	sbr.rel @p0 .LBB2_1-.Ltmp13, $2  }
0x18a: {  	_ =	sdelay $0x2  }
0x18b: {  	[sflag:s13] =	ssyncadd.s32 $0xFFFFFD80  }
0x18c: {  	_ =	sfence.sel $0x180000  }
0x18d: {  	[bflag:$0x0] =	sbarrier.arrive $0xFFFF  }
0x18e: {  	_ =	strace $0x9000004A  }
0x18f: {  	[bflag:$0x2] =	sbarrier.arrive $0xFFFF  }
0x190: {  	p0 =	sne.s32 s2, $0x0;
	s0 =	rddreg [dreg:$0x4]  }
0x191: {  	s0 =	sadd.s32 @!p0 $0x100000, s0  }
0x192: {  	[sflag:s0] =	ssyncadd.tile.s32 @!p0 $0x1;
	_ =	shalt  }
.Lfunc_end2:
_tile_overlayer_lowered:
.L_overlay_start_2:
0x193: {  	(tag) =	ssettag $0x2  }
0x194: {  	s0 =	rddreg [dreg:$0x0];
	s2 =	stileid.u32  }
0x195: {  	s1 =	rddreg [dreg:$0x1];
	p0 =	sne.s32 s2, $0x0  }
0x196: {  	s3 =	rddreg [dreg:$0x2];
	[bflag:$0x3] =	sbarrier.arrive $0xFFFF;
	s2 =	simm.s32 @!p0 $0x1C05  }
0x197: {  	[timem:s3], [sflag:s2] =	dma.local @!p0 [hbm:s0], s1  }
0x198: {  	s0 =	simm.s32 @!p0 $0x5  }
0x199: {  	_ =	swait.ge @!p0 [sflag:s0], s1  }
0x19a: {  	s1 =	ssub.s32 @!p0 $0x0, s1;
	[sflag:s0] =	ssyncset.done @!p0 $0x0  }
0x19b: {  	[sflag:s0] =	ssyncadd.s32 @!p0 s1  }
0x19c: {  	[bflag:$0x3] =	sbarrier.arrive $0xFFFF  }
0x19d: {  	_ =	shalt  }

</sc_bundles>
